<compile_context>
chip_gen: v7x
topology: tpu7x:2x2x1
jax: 0.10.2.dev20260603
libtpu: 0.0.44.dev20260713+nightly
codegen_flags: <defaults>
</compile_context>

<pallas_src>
import jax
import jax.numpy as jnp
import numpy as np
from jax import lax
from jax.experimental import pallas as pl
from jax.experimental.pallas import tpu as pltpu
from jax.experimental.pallas import tpu_sc as plsc

_N = 640000
_V = 10000
_OUTC = 128
_NC, _NS = 2, 16
_NW = _NC * _NS
_B = 80
_CHUNK = 400
_OPS = _CHUNK // _B
_PPW = _N // _NW
_NCHUNK_W = _PPW // _CHUNK
_CHUNK4 = 80
_NCHUNK_W4 = _PPW // _CHUNK4
_PPT1 = _N // _NS
_NCHUNK_1 = _PPT1 // _CHUNK
_RPT = 640

_MINS = np.array([-50.0, -50.0, -4.0], np.float32)
_CROP = np.array([100.0, 100.0, 6.0], np.float32)
_SPATIAL = np.array([480.0, 360.0, 32.0], np.float32)
_INTERVALS = _CROP / _SPATIAL


def _tile_voxel_rows(s, fn):
    @pl.when(s < _NS - 1)
    def _():
        fn(pl.multiple_of(s * _RPT, 8), _RPT)

    @pl.when(s == _NS - 1)
    def _():
        fn((_NS - 1) * _RPT, _V - (_NS - 1) * _RPT)



def _k1_body(pts_hbm, idx3_hbm, zeros_hbm, out_hbm, acc, idx2, buf, cbuf, sem):
    c = lax.axis_index("c")
    s = lax.axis_index("s")

    @pl.when(c == 0)
    def _():
        _tile_voxel_rows(
            s, lambda off, n: pltpu.sync_copy(zeros_hbm.at[pl.ds(off, n)],
                                              acc.at[pl.ds(off, n)]))
    plsc.subcore_barrier()

    @pl.when(c == 0)
    def _():
        pltpu.sync_copy(idx3_hbm.at[s], idx2)
        lanes = lax.iota(jnp.int32, 16)
        ones7 = jnp.where(lanes % 8 == 7, 1.0, 0.0)

        def initb(k, carry):
            plsc.store_scatter(buf, [lanes // 8 + 2 * k, lanes % 8], ones7)
            return carry
        lax.fori_loop(0, _CHUNK // 2, initb, 0)

        def body(i, carry):
            roff = s * _PPT1 + i * _CHUNK
            pltpu.sync_copy(pts_hbm.at[pl.ds(0, 3), pl.ds(roff, _CHUNK)], cbuf)
            for g in range(_CHUNK // 16):
                rows = lanes + g * 16
                for ch in range(3):
                    v = cbuf[ch, pl.ds(g * 16, 16)]
                    plsc.store_scatter(buf, [rows, jnp.full((16,), ch, jnp.int32)], v)
            descs = [
                pltpu.async_copy(buf.at[pl.ds(j * _B, _B)],
                                 acc.at[idx2.at[i * _OPS + j]],
                                 sem, add=True)
                for j in range(_OPS)
            ]
            for d in descs:
                d.wait()
            return carry

        lax.fori_loop(0, _NCHUNK_1, body, 0)
    plsc.subcore_barrier()

    @pl.when(c == 0)
    def _():
        _tile_voxel_rows(
            s, lambda off, n: pltpu.sync_copy(acc.at[pl.ds(off, n)],
                                              out_hbm.at[pl.ds(off, n)]))


def _k2_body(tab_hbm, idx3_hbm, out_hbm, idx2, buf, sem):
    c = lax.axis_index("c")
    s = lax.axis_index("s")
    w = s * _NC + c
    pltpu.sync_copy(idx3_hbm.at[w], idx2)

    def body(i, carry):
        roff = w * _PPW + i * _CHUNK
        descs = [
            pltpu.async_copy(tab_hbm.at[idx2.at[i * _OPS + j]],
                             buf.at[pl.ds(j * _B, _B)], sem)
            for j in range(_OPS)
        ]
        for d in descs:
            d.wait()
        pltpu.sync_copy(buf, out_hbm.at[pl.ds(roff, _CHUNK)])
        return carry

    lax.fori_loop(0, _NCHUNK_W, body, 0)


def _k4_body(h_hbm, idx3_hbm, zeros_hbm, out_hbm, acc, idx2, bufa, bufb,
             sema, semb, sems):
    c = lax.axis_index("c")
    s = lax.axis_index("s")
    w = s * _NC + c
    _tile_voxel_rows(
        s, lambda off, n: pltpu.sync_copy(zeros_hbm.at[pl.ds(off, n)],
                                          acc.at[pl.ds(off, n)]))
    plsc.subcore_barrier()
    pltpu.sync_copy(idx3_hbm.at[w], idx2)
    base = w * _PPW

    def rows(ch):
        return h_hbm.at[pl.ds(base + ch * _CHUNK4, _CHUNK4)]

    pltpu.async_copy(rows(0), bufa, sema)
    npair = _NCHUNK_W4 // 2

    def body(i, carry):
        pltpu.async_copy(rows(2 * i + 1), bufb, semb)
        pltpu.make_async_copy(rows(2 * i), bufa, sema).wait()
        pltpu.async_copy(bufa, acc.at[idx2.at[2 * i]], sems, add=True).wait()

        @pl.when(i < npair - 1)
        def _():
            pltpu.async_copy(rows(2 * i + 2), bufa, sema)
        pltpu.make_async_copy(rows(2 * i + 1), bufb, semb).wait()
        pltpu.async_copy(bufb, acc.at[idx2.at[2 * i + 1]], sems, add=True).wait()
        return carry

    lax.fori_loop(0, npair, body, 0)
    plsc.subcore_barrier()
    cbase = pl.multiple_of(c * _V, 8)
    _tile_voxel_rows(
        s, lambda off, n: pltpu.sync_copy(acc.at[pl.ds(off, n)],
                                          out_hbm.at[pl.ds(cbase + off, n)]))



_BN = 3200
_BV = _V


def _k3_body(pts_ref, grid_ref, sg_ref, a_ref, b_ref, c816_ref, s_ref,
             c0_ref, h_ref):
    f32 = jnp.float32
    sg16 = sg_ref[...]
    cntb = jnp.dot(sg16, s_ref[...], preferred_element_type=f32)
    sgd = sg16 * (1.0 / jnp.maximum(cntb, 1.0))
    mterm = jnp.dot(sgd, c816_ref[...],
                    preferred_element_type=f32).reshape(_BN, _OUTC)
    cdims = (((0,), (0,)), ((), ()))
    pterm = (lax.dot_general(pts_ref[...], a_ref[...], cdims,
                             preferred_element_type=f32)
             + lax.dot_general(grid_ref[...], b_ref[...], cdims,
                               preferred_element_type=f32))
    h_ref[...] = jnp.maximum(pterm + mterm + c0_ref[...], 0.0)


def _k5_body(p_ref, sg_ref, scol_ref, w2_ref, b2_ref, out_ref):
    f32 = jnp.float32
    p = p_ref[0] + p_ref[1]
    cnt16 = jnp.dot(sg_ref[...], scol_ref[...],
                    preferred_element_type=f32)
    cnt = cnt16.reshape(_BV, _OUTC)
    pm = p * (1.0 / jnp.maximum(cnt, 1.0))
    o = jnp.dot(pm, w2_ref[...], preferred_element_type=f32) + b2_ref[...]
    out_ref[...] = jnp.where(cnt > 0.0, o, 0.0)



def kernel(points, full_coors, coors_inv, W1, b1, W2, b2):
    f32 = jnp.float32
    idx = coors_inv.astype(jnp.int32)
    idx3_k1 = idx.reshape(_NS, _PPT1 // _B, _B)
    idx3_w = idx.reshape(_NW, _PPW // _B, _B)
    idx4_w = idx.reshape(_NW, _PPW // _CHUNK4, _CHUNK4)
    gridf = full_coors[:, 1:4].astype(f32)

    W1 = W1.astype(f32)
    A = W1[:4] + jnp.concatenate(
        [W1[4:7] + W1[7:10], jnp.zeros((1, _OUTC), f32)], axis=0)
    B3 = -jnp.asarray(_INTERVALS)[:, None] * W1[7:10]
    C8 = jnp.concatenate([-W1[4:7], jnp.zeros((5, _OUTC), f32)], axis=0)
    C816 = jnp.kron(jnp.eye(16, dtype=f32), C8)
    lane = jnp.arange(128)
    S = (((lane[:, None] // 8) == (lane[None, :] // 8))
         & (lane[:, None] % 8 == 7)).astype(f32)
    e7 = (jnp.arange(8)[:, None] == 7).astype(f32) * jnp.ones((1, _OUTC), f32)
    Scol = jnp.kron(jnp.eye(16, dtype=f32), e7)
    c0 = (b1 - jnp.asarray(_MINS) @ W1[7:10]).reshape(1, _OUTC)
    pts_t = points.T
    grid_t = gridf.T

    zeros8 = jnp.zeros((_V, 8), f32)
    zeros128 = jnp.zeros((_V, _OUTC), f32)
    mesh = plsc.VectorSubcoreMesh(core_axis_name="c", subcore_axis_name="s")
    sc_params = pltpu.CompilerParams(use_tc_tiling_on_sc=False,
                                    needs_layout_passes=False)

    k1 = pl.kernel(
        _k1_body,
        out_type=jax.ShapeDtypeStruct((_V, 8), f32),
        mesh=mesh,
        compiler_params=sc_params,
        scratch_types=[
            pltpu.VMEM_SHARED((_V, 8), f32),
            pltpu.VMEM((_PPT1 // _B, _B), jnp.int32),
            pltpu.VMEM((_CHUNK, 8), f32),
            pltpu.VMEM((3, _CHUNK), f32),
            pltpu.SemaphoreType.DMA,
        ],
    )
    sums8 = k1(pts_t, idx3_k1, zeros8)

    k2 = pl.kernel(
        _k2_body,
        out_type=jax.ShapeDtypeStruct((_N, 8), f32),
        mesh=mesh,
        compiler_params=sc_params,
        scratch_types=[
            pltpu.VMEM((_PPW // _B, _B), jnp.int32),
            pltpu.VMEM((_CHUNK, 8), f32),
            pltpu.SemaphoreType.DMA,
        ],
    )
    sg = k2(sums8, idx3_w)

    h = pl.pallas_call(
        _k3_body,
        grid=(_N // _BN,),
        in_specs=[
            pl.BlockSpec((4, _BN), lambda i: (0, i)),
            pl.BlockSpec((3, _BN), lambda i: (0, i)),
            pl.BlockSpec((_BN // 16, 128), lambda i: (i, 0)),
            pl.BlockSpec((4, _OUTC), lambda i: (0, 0)),
            pl.BlockSpec((3, _OUTC), lambda i: (0, 0)),
            pl.BlockSpec((128, 16 * _OUTC), lambda i: (0, 0)),
            pl.BlockSpec((128, 128), lambda i: (0, 0)),
            pl.BlockSpec((1, _OUTC), lambda i: (0, 0)),
        ],
        out_specs=pl.BlockSpec((_BN, _OUTC), lambda i: (i, 0)),
        out_shape=jax.ShapeDtypeStruct((_N, _OUTC), f32),
    )(pts_t, grid_t, sg.reshape(_N // 16, 128), A, B3, C816, S, c0)

    k4 = pl.kernel(
        _k4_body,
        out_type=jax.ShapeDtypeStruct((2 * _V, _OUTC), f32),
        mesh=mesh,
        compiler_params=sc_params,
        scratch_types=[
            pltpu.VMEM_SHARED((_V, _OUTC), f32),
            pltpu.VMEM((_PPW // _CHUNK4, _CHUNK4), jnp.int32),
            pltpu.VMEM((_CHUNK4, _OUTC), f32),
            pltpu.VMEM((_CHUNK4, _OUTC), f32),
            pltpu.SemaphoreType.DMA,
            pltpu.SemaphoreType.DMA,
            pltpu.SemaphoreType.DMA,
        ],
    )
    partials = k4(h, idx4_w, zeros128).reshape(2, _V, _OUTC)

    out = pl.pallas_call(
        _k5_body,
        grid=(1,),
        in_specs=[
            pl.BlockSpec((2, _BV, _OUTC), lambda i: (0, 0, 0)),
            pl.BlockSpec((_BV // 16, 128), lambda i: (0, 0)),
            pl.BlockSpec((128, 16 * _OUTC), lambda i: (0, 0)),
            pl.BlockSpec((_OUTC, _OUTC), lambda i: (0, 0)),
            pl.BlockSpec((1, _OUTC), lambda i: (0, 0)),
        ],
        out_specs=pl.BlockSpec((_BV, _OUTC), lambda i: (0, 0)),
        out_shape=jax.ShapeDtypeStruct((_V, _OUTC), f32),
    )(partials, sums8.reshape(_V // 16, 128), Scol, W2, b2.reshape(1, _OUTC))
    return out

# --- scband reference (transcript-rebuilt; emitter-appended) ---
"""Pipeline reference for scband-voxel-3d-generator-28398323761984 (READ-ONLY COPY).

The authoritative reference and input builder live on the scoring server;
editing this copy changes nothing except your own understanding.
"""

import jax, jax.numpy as jnp
import numpy as np

N_POINTS = 640000
N_VOXELS = 10000
IN_CH = 4
OUT_CH = 128
COORS_RANGE = np.array([[-50.0, 50.0], [-50.0, 50.0], [-4.0, 2.0]], dtype=np.float32)
SPATIAL_SHAPE = np.array([480.0, 360.0, 32.0], dtype=np.float32)


def scatter_mean(vals, idx, num_segments):
    s = jax.ops.segment_sum(vals, idx, num_segments=num_segments)
    c = jax.ops.segment_sum(jnp.ones((vals.shape[0],), vals.dtype), idx, num_segments=num_segments)
    return s / jnp.maximum(c, 1.0)[:, None]


def setup_inputs(seed: int = 0) -> dict:
    key = jax.random.key(seed)
    k1, k2, k3, k4, k5, k6, k7 = jax.random.split(key, 7)
    points = jax.random.normal(k1, (N_POINTS, IN_CH), dtype=jnp.float32)
    full_coors = jax.random.randint(k2, (N_POINTS, 4), 0, 32, dtype=jnp.int64)
    coors_inv = jax.random.randint(k3, (N_POINTS,), 0, N_VOXELS, dtype=jnp.int64)
    d_in = IN_CH + 6
    W1 = jax.random.normal(k4, (d_in, OUT_CH), dtype=jnp.float32) / np.sqrt(d_in)
    b1 = jnp.zeros((OUT_CH,), dtype=jnp.float32)
    W2 = jax.random.normal(k5, (OUT_CH, OUT_CH), dtype=jnp.float32) / np.sqrt(OUT_CH)
    b2 = jnp.zeros((OUT_CH,), dtype=jnp.float32)
    return {"points": points, "full_coors": full_coors, "coors_inv": coors_inv,
            "W1": W1, "b1": b1, "W2": W2, "b2": b2}


def reference(points, full_coors, coors_inv, W1, b1, W2, b2):
    # prepare_input
    grid_ind = full_coors[:, 1:].astype(jnp.float32)
    pc_mean = scatter_mean(points[:, :3], coors_inv, N_VOXELS)[coors_inv]
    nor_pc = points[:, :3] - pc_mean
    coors_range_xyz = jnp.asarray(COORS_RANGE)
    cur_grid_size = jnp.asarray(SPATIAL_SHAPE)
    crop_range = coors_range_xyz[:, 1] - coors_range_xyz[:, 0]
    intervals = crop_range / cur_grid_size
    voxel_centers = grid_ind * intervals + coors_range_xyz[:, 0]
    center_to_point = points[:, :3] - voxel_centers
    pc_feature = jnp.concatenate((points, nor_pc, center_to_point), axis=1)
    # PPmodel: Linear -> ReLU -> Linear
    h = jnp.maximum(pc_feature @ W1 + b1, 0.0)
    pt_fea = h @ W2 + b2
    # voxelize: scatter_mean over inverse indices
    features = scatter_mean(pt_fea, coors_inv, N_VOXELS)
    return features

if __name__ == "__main__":
    import jax
    _d = setup_inputs()
    print(jax.jit(kernel)(*tuple(_d.values())))

</pallas_src>

<mosaic_0001>
#map = affine_map<(d0, d1) -> (0, 0)>
#map1 = affine_map<(d0, d1) -> (0, 0, 0)>
module attributes {stable_mosaic.version = 14 : i64} {
  func.func @_k1_body(%arg0: i32, %arg1: i32, %arg2: memref<4x640000xf32, #tpu.memory_space<hbm>>, %arg3: memref<16x500x80xi32, #tpu.memory_space<hbm>>, %arg4: memref<10000x8xf32, #tpu.memory_space<hbm>>, %arg5: memref<10000x8xf32, #tpu.memory_space<hbm>>, %arg6: memref<10000x8xf32, #tpu.memory_space<vmem_shared>>, %arg7: memref<500x80xi32, #tpu.memory_space<vmem>>, %arg8: memref<400x8xf32, #tpu.memory_space<vmem>>, %arg9: memref<3x400xf32, #tpu.memory_space<vmem>>, %arg10: memref<!tpu.dma_semaphore, #tpu.memory_space<semaphore_mem>>) attributes {dimension_semantics = [#tpu.dimension_semantics<core_parallel>, #tpu.dimension_semantics<subcore_parallel>], iteration_bounds = array<i64: 2, 16>, scalar_prefetch = 0 : i64, scratch_operands = 5 : i64, tpu.core_type = #tpu.core_type<sc_vector_subcore>, window_params = [{transform_indices = #map}, {transform_indices = #map1}, {transform_indices = #map}, {transform_indices = #map}]} {
    %eq3A = arith.constant 0 : i32
    %eq3A_0 = arith.cmpi eq, %arg0, %eq3A : i32
    %convert_element_type3A = arith.extui %eq3A_0 : i1 to i32
    %cond3A = arith.constant 0 : i32
    %cond3A_1 = arith.cmpi ne, %convert_element_type3A, %cond3A : i32
    scf.if %cond3A_1 {
      %lt3A = arith.constant 15 : i32
      %lt3A_13 = arith.cmpi slt, %arg1, %lt3A : i32
      %convert_element_type3A_14 = arith.extui %lt3A_13 : i1 to i32
      %cond3A_15 = arith.constant 0 : i32
      %cond3A_16 = arith.cmpi ne, %convert_element_type3A_14, %cond3A_15 : i32
      scf.if %cond3A_16 {
        %mul3A = arith.constant 640 : i32
        %mul3A_22 = arith.muli %arg1, %mul3A : i32
        %multiple_of3A = tpu.assume_multiple %mul3A_22, 8 : i32
        "tpu.region"() ({
          %run_scoped3A = tpu.sem_alloc : memref<!tpu.dma_semaphore, #tpu.memory_space<semaphore_mem>>
          %dma_start3A = arith.constant 0 : i32
          %dma_start3A_23 = tpu.memref_slice %arg6[%multiple_of3A, %dma_start3A] : memref<10000x8xf32, #tpu.memory_space<vmem_shared>> -> memref<640x8xf32, #tpu.memory_space<vmem_shared>>
          %dma_start3A_24 = arith.constant 0 : i32
          %dma_start3A_25 = tpu.memref_slice %arg4[%multiple_of3A, %dma_start3A_24] : memref<10000x8xf32, #tpu.memory_space<hbm>> -> memref<640x8xf32, #tpu.memory_space<hbm>>
          tpu.enqueue_dma source(%dma_start3A_25 : memref<640x8xf32, #tpu.memory_space<hbm>>) target(%dma_start3A_23 : memref<640x8xf32, #tpu.memory_space<vmem_shared>>) target_semaphore(%run_scoped3A : memref<!tpu.dma_semaphore, #tpu.memory_space<semaphore_mem>>)
          %dma_wait3A = arith.constant 0 : i32
          %dma_wait3A_26 = tpu.memref_slice %arg6[%multiple_of3A, %dma_wait3A] : memref<10000x8xf32, #tpu.memory_space<vmem_shared>> -> memref<640x8xf32, #tpu.memory_space<vmem_shared>>
          %dma_wait3A_27 = arith.constant 0 : i32
          %dma_wait3A_28 = tpu.memref_slice %arg4[%multiple_of3A, %dma_wait3A_27] : memref<10000x8xf32, #tpu.memory_space<hbm>> -> memref<640x8xf32, #tpu.memory_space<hbm>>
          tpu.wait_dma2 semaphore(%run_scoped3A : memref<!tpu.dma_semaphore, #tpu.memory_space<semaphore_mem>>) src(%dma_wait3A_28 : memref<640x8xf32, #tpu.memory_space<hbm>>) dst(%dma_wait3A_26 : memref<640x8xf32, #tpu.memory_space<vmem_shared>>)
          tpu.yield
        }) : () -> ()
      } else {
      }
      %eq3A_17 = arith.constant 15 : i32
      %eq3A_18 = arith.cmpi eq, %arg1, %eq3A_17 : i32
      %convert_element_type3A_19 = arith.extui %eq3A_18 : i1 to i32
      %cond3A_20 = arith.constant 0 : i32
      %cond3A_21 = arith.cmpi ne, %convert_element_type3A_19, %cond3A_20 : i32
      scf.if %cond3A_21 {
        "tpu.region"() ({
          %run_scoped3A = tpu.sem_alloc : memref<!tpu.dma_semaphore, #tpu.memory_space<semaphore_mem>>
          %dma_start3A = arith.constant 9600 : i32
          %dma_start3A_22 = arith.constant 0 : i32
          %dma_start3A_23 = tpu.memref_slice %arg6[%dma_start3A, %dma_start3A_22] : memref<10000x8xf32, #tpu.memory_space<vmem_shared>> -> memref<400x8xf32, #tpu.memory_space<vmem_shared>>
          %dma_start3A_24 = arith.constant 9600 : i32
          %dma_start3A_25 = arith.constant 0 : i32
          %dma_start3A_26 = tpu.memref_slice %arg4[%dma_start3A_24, %dma_start3A_25] : memref<10000x8xf32, #tpu.memory_space<hbm>> -> memref<400x8xf32, #tpu.memory_space<hbm>>
          tpu.enqueue_dma source(%dma_start3A_26 : memref<400x8xf32, #tpu.memory_space<hbm>>) target(%dma_start3A_23 : memref<400x8xf32, #tpu.memory_space<vmem_shared>>) target_semaphore(%run_scoped3A : memref<!tpu.dma_semaphore, #tpu.memory_space<semaphore_mem>>)
          %dma_wait3A = arith.constant 9600 : i32
          %dma_wait3A_27 = arith.constant 0 : i32
          %dma_wait3A_28 = tpu.memref_slice %arg6[%dma_wait3A, %dma_wait3A_27] : memref<10000x8xf32, #tpu.memory_space<vmem_shared>> -> memref<400x8xf32, #tpu.memory_space<vmem_shared>>
          %dma_wait3A_29 = arith.constant 9600 : i32
          %dma_wait3A_30 = arith.constant 0 : i32
          %dma_wait3A_31 = tpu.memref_slice %arg4[%dma_wait3A_29, %dma_wait3A_30] : memref<10000x8xf32, #tpu.memory_space<hbm>> -> memref<400x8xf32, #tpu.memory_space<hbm>>
          tpu.wait_dma2 semaphore(%run_scoped3A : memref<!tpu.dma_semaphore, #tpu.memory_space<semaphore_mem>>) src(%dma_wait3A_31 : memref<400x8xf32, #tpu.memory_space<hbm>>) dst(%dma_wait3A_28 : memref<400x8xf32, #tpu.memory_space<vmem_shared>>)
          tpu.yield
        }) : () -> ()
      } else {
      }
    } else {
    }
    %barrier3A = arith.constant 0 : index
    tpu.barrier barrier_id(%barrier3A)
    %eq3A_2 = arith.constant 0 : i32
    %eq3A_3 = arith.cmpi eq, %arg0, %eq3A_2 : i32
    %convert_element_type3A_4 = arith.extui %eq3A_3 : i1 to i32
    %cond3A_5 = arith.constant 0 : i32
    %cond3A_6 = arith.cmpi ne, %convert_element_type3A_4, %cond3A_5 : i32
    scf.if %cond3A_6 {
      "tpu.region"() ({
        %run_scoped3A = tpu.sem_alloc : memref<!tpu.dma_semaphore, #tpu.memory_space<semaphore_mem>>
        %dma_start3A = arith.constant 0 : i32
        %dma_start3A_46 = arith.constant 0 : i32
        %dma_start3A_47 = tpu.memref_slice %arg3[%arg1, %dma_start3A, %dma_start3A_46] : memref<16x500x80xi32, #tpu.memory_space<hbm>> -> memref<1x500x80xi32, #tpu.memory_space<hbm>>
        %dma_start3A_48 = tpu.memref_squeeze %dma_start3A_47 : memref<1x500x80xi32, #tpu.memory_space<hbm>> -> memref<500x80xi32, #tpu.memory_space<hbm>>
        %dma_start3A_49 = arith.constant 0 : i32
        %dma_start3A_50 = arith.constant 0 : i32
        %dma_start3A_51 = tpu.memref_slice %arg3[%arg1, %dma_start3A_49, %dma_start3A_50] : memref<16x500x80xi32, #tpu.memory_space<hbm>> -> memref<1x500x80xi32, #tpu.memory_space<hbm>>
        %dma_start3A_52 = tpu.memref_squeeze %dma_start3A_51 : memref<1x500x80xi32, #tpu.memory_space<hbm>> -> memref<500x80xi32, #tpu.memory_space<hbm>>
        tpu.enqueue_dma source(%dma_start3A_52 : memref<500x80xi32, #tpu.memory_space<hbm>>) target(%arg7 : memref<500x80xi32, #tpu.memory_space<vmem>>) target_semaphore(%run_scoped3A : memref<!tpu.dma_semaphore, #tpu.memory_space<semaphore_mem>>)
        %dma_wait3A = arith.constant 0 : i32
        %dma_wait3A_53 = arith.constant 0 : i32
        %dma_wait3A_54 = tpu.memref_slice %arg3[%arg1, %dma_wait3A, %dma_wait3A_53] : memref<16x500x80xi32, #tpu.memory_space<hbm>> -> memref<1x500x80xi32, #tpu.memory_space<hbm>>
        %dma_wait3A_55 = tpu.memref_squeeze %dma_wait3A_54 : memref<1x500x80xi32, #tpu.memory_space<hbm>> -> memref<500x80xi32, #tpu.memory_space<hbm>>
        %dma_wait3A_56 = arith.constant 0 : i32
        %dma_wait3A_57 = arith.constant 0 : i32
        %dma_wait3A_58 = tpu.memref_slice %arg3[%arg1, %dma_wait3A_56, %dma_wait3A_57] : memref<16x500x80xi32, #tpu.memory_space<hbm>> -> memref<1x500x80xi32, #tpu.memory_space<hbm>>
        %dma_wait3A_59 = tpu.memref_squeeze %dma_wait3A_58 : memref<1x500x80xi32, #tpu.memory_space<hbm>> -> memref<500x80xi32, #tpu.memory_space<hbm>>
        tpu.wait_dma2 semaphore(%run_scoped3A : memref<!tpu.dma_semaphore, #tpu.memory_space<semaphore_mem>>) src(%dma_wait3A_59 : memref<500x80xi32, #tpu.memory_space<hbm>>) dst(%arg7 : memref<500x80xi32, #tpu.memory_space<vmem>>)
        tpu.yield
      }) : () -> ()
      %iota3A = tpu.iota {dimensions = array<i32: 0>} : vector<16xi32>
      %jit3A = arith.constant 8 : i32
      %eq3A_13 = arith.constant 0 : i32
      %eq3A_14 = arith.cmpi eq, %jit3A, %eq3A_13 : i32
      %jit3A_15 = arith.constant 1 : i32
      %select_n3A = arith.select %eq3A_14, %jit3A_15, %jit3A : i32
      %rem3A = vector.broadcast %select_n3A : i32 to vector<16xi32>
      %rem3A_16 = arith.remsi %iota3A, %rem3A : vector<16xi32>
      %ne3A = arith.constant 0 : i32
      %ne3A_17 = vector.broadcast %ne3A : i32 to vector<16xi32>
      %ne3A_18 = arith.cmpi ne, %rem3A_16, %ne3A_17 : vector<16xi32>
      %lt3A = arith.constant 0 : i32
      %lt3A_19 = vector.broadcast %lt3A : i32 to vector<16xi32>
      %lt3A_20 = arith.cmpi slt, %rem3A_16, %lt3A_19 : vector<16xi32>
      %lt3A_21 = arith.constant 0 : i32
      %lt3A_22 = arith.cmpi slt, %select_n3A, %lt3A_21 : i32
      %ne3A_23 = vector.broadcast %lt3A_22 : i1 to vector<16xi1>
      %ne3A_24 = vector.broadcast %ne3A_23 : vector<16xi1> to vector<16xi1>
      %ne3A_25 = arith.xori %lt3A_20, %ne3A_24 : vector<16xi1>
      %and3A = arith.andi %ne3A_25, %ne3A_18 : vector<16xi1>
      %add3A = vector.broadcast %select_n3A : i32 to vector<16xi32>
      %add3A_26 = arith.addi %rem3A_16, %add3A : vector<16xi32>
      %select_n3A_27 = arith.select %and3A, %add3A_26, %rem3A_16 : vector<16xi1>, vector<16xi32>
      %eq3A_28 = arith.constant 7 : i32
      %eq3A_29 = vector.broadcast %eq3A_28 : i32 to vector<16xi32>
      %eq3A_30 = arith.cmpi eq, %select_n3A_27, %eq3A_29 : vector<16xi32>
      %jit3A_31 = arith.constant 1.000000e+00 : f32
      %jit3A_32 = arith.constant 0.000000e+00 : f32
      %broadcast_in_dim3A = vector.broadcast %jit3A_31 : f32 to vector<16xf32>
      %broadcast_in_dim3A_33 = vector.broadcast %jit3A_32 : f32 to vector<16xf32>
      %select_n3A_34 = arith.select %eq3A_30, %broadcast_in_dim3A, %broadcast_in_dim3A_33 : vector<16xi1>, vector<16xf32>
      %scan3A = arith.constant 0 : i32
      %scan3A_35 = arith.constant 0 : i32
      %scan3A_36 = arith.constant 200 : i32
      %scan3A_37 = arith.addi %scan3A_35, %scan3A_36 : i32
      %scan3A_38 = arith.constant 1 : i32
      scf.for %scan3A_46 = %scan3A_35 to %scan3A_37 step %scan3A_38  : i32 {
        %jit3A_47 = arith.constant 8 : i32
        %div3A = vector.broadcast %jit3A_47 : i32 to vector<16xi32>
        %div3A_48 = arith.divsi %iota3A, %div3A : vector<16xi32>
        %sign3A = arith.constant 0 : i32
        %sign3A_49 = vector.broadcast %sign3A : i32 to vector<16xi32>
        %sign3A_50 = arith.cmpi sgt, %iota3A, %sign3A_49 : vector<16xi32>
        %sign3A_51 = arith.extui %sign3A_50 : vector<16xi1> to vector<16xi32>
        %sign3A_52 = arith.constant 0 : i32
        %sign3A_53 = vector.broadcast %sign3A_52 : i32 to vector<16xi32>
        %sign3A_54 = arith.cmpi slt, %iota3A, %sign3A_53 : vector<16xi32>
        %sign3A_55 = arith.extui %sign3A_54 : vector<16xi1> to vector<16xi32>
        %sign3A_56 = arith.subi %sign3A_51, %sign3A_55 : vector<16xi32>
        %sign3A_57 = arith.constant 0 : i32
        %sign3A_58 = arith.cmpi sgt, %jit3A_47, %sign3A_57 : i32
        %sign3A_59 = arith.extui %sign3A_58 : i1 to i32
        %sign3A_60 = arith.constant 0 : i32
        %sign3A_61 = arith.cmpi slt, %jit3A_47, %sign3A_60 : i32
        %sign3A_62 = arith.extui %sign3A_61 : i1 to i32
        %sign3A_63 = arith.subi %sign3A_59, %sign3A_62 : i32
        %ne3A_64 = vector.broadcast %sign3A_63 : i32 to vector<16xi32>
        %ne3A_65 = arith.cmpi ne, %sign3A_56, %ne3A_64 : vector<16xi32>
        %rem3A_66 = vector.broadcast %jit3A_47 : i32 to vector<16xi32>
        %rem3A_67 = arith.remsi %iota3A, %rem3A_66 : vector<16xi32>
        %ne3A_68 = arith.constant 0 : i32
        %ne3A_69 = vector.broadcast %ne3A_68 : i32 to vector<16xi32>
        %ne3A_70 = arith.cmpi ne, %rem3A_67, %ne3A_69 : vector<16xi32>
        %and3A_71 = arith.andi %ne3A_65, %ne3A_70 : vector<16xi1>
        %sub3A = arith.constant 1 : i32
        %sub3A_72 = vector.broadcast %sub3A : i32 to vector<16xi32>
        %sub3A_73 = arith.subi %div3A_48, %sub3A_72 : vector<16xi32>
        %select_n3A_74 = arith.select %and3A_71, %sub3A_73, %div3A_48 : vector<16xi1>, vector<16xi32>
        %mul3A = arith.constant 2 : i32
        %mul3A_75 = arith.muli %mul3A, %scan3A_46 : i32
        %add3A_76 = vector.broadcast %mul3A_75 : i32 to vector<16xi32>
        %add3A_77 = arith.addi %select_n3A_74, %add3A_76 : vector<16xi32>
        %jit3A_78 = arith.constant 8 : i32
        %eq3A_79 = arith.constant 0 : i32
        %eq3A_80 = arith.cmpi eq, %jit3A_78, %eq3A_79 : i32
        %jit3A_81 = arith.constant 1 : i32
        %select_n3A_82 = arith.select %eq3A_80, %jit3A_81, %jit3A_78 : i32
        %rem3A_83 = vector.broadcast %select_n3A_82 : i32 to vector<16xi32>
        %rem3A_84 = arith.remsi %iota3A, %rem3A_83 : vector<16xi32>
        %ne3A_85 = arith.constant 0 : i32
        %ne3A_86 = vector.broadcast %ne3A_85 : i32 to vector<16xi32>
        %ne3A_87 = arith.cmpi ne, %rem3A_84, %ne3A_86 : vector<16xi32>
        %lt3A_88 = arith.constant 0 : i32
        %lt3A_89 = vector.broadcast %lt3A_88 : i32 to vector<16xi32>
        %lt3A_90 = arith.cmpi slt, %rem3A_84, %lt3A_89 : vector<16xi32>
        %lt3A_91 = arith.constant 0 : i32
        %lt3A_92 = arith.cmpi slt, %select_n3A_82, %lt3A_91 : i32
        %ne3A_93 = vector.broadcast %lt3A_92 : i1 to vector<16xi1>
        %ne3A_94 = vector.broadcast %ne3A_93 : vector<16xi1> to vector<16xi1>
        %ne3A_95 = arith.xori %lt3A_90, %ne3A_94 : vector<16xi1>
        %and3A_96 = arith.andi %ne3A_95, %ne3A_87 : vector<16xi1>
        %add3A_97 = vector.broadcast %select_n3A_82 : i32 to vector<16xi32>
        %add3A_98 = arith.addi %rem3A_84, %add3A_97 : vector<16xi32>
        %select_n3A_99 = arith.select %and3A_96, %add3A_98, %rem3A_84 : vector<16xi1>, vector<16xi32>
        tpu.vector_store_idx %arg8[%add3A_77, %select_n3A_99], %select_n3A_34 : memref<400x8xf32, #tpu.memory_space<vmem>>[vector<16xi32>, vector<16xi32>], vector<16xf32>,
      }
      %scan3A_39 = arith.constant 200 : i32
      %scan3A_40 = arith.constant 0 : i32
      %scan3A_41 = arith.constant 0 : i32
      %scan3A_42 = arith.constant 100 : i32
      %scan3A_43 = arith.addi %scan3A_41, %scan3A_42 : i32
      %scan3A_44 = arith.constant 1 : i32
      scf.for %scan3A_46 = %scan3A_41 to %scan3A_43 step %scan3A_44  : i32 {
        %mul3A = arith.constant 40000 : i32
        %mul3A_47 = arith.muli %arg1, %mul3A : i32
        %mul3A_48 = arith.constant 400 : i32
        %mul3A_49 = arith.muli %scan3A_46, %mul3A_48 : i32
        %add3A_50 = arith.addi %mul3A_47, %mul3A_49 : i32
        "tpu.region"() ({
          %run_scoped3A = tpu.sem_alloc : memref<!tpu.dma_semaphore, #tpu.memory_space<semaphore_mem>>
          %dma_start3A_683 = arith.constant 0 : i32
          %dma_start3A_684 = tpu.memref_slice %arg2[%dma_start3A_683, %add3A_50] : memref<4x640000xf32, #tpu.memory_space<hbm>> -> memref<3x400xf32, #tpu.memory_space<hbm>>
          %dma_start3A_685 = arith.constant 0 : i32
          %dma_start3A_686 = tpu.memref_slice %arg2[%dma_start3A_685, %add3A_50] : memref<4x640000xf32, #tpu.memory_space<hbm>> -> memref<3x400xf32, #tpu.memory_space<hbm>>
          tpu.enqueue_dma source(%dma_start3A_686 : memref<3x400xf32, #tpu.memory_space<hbm>>) target(%arg9 : memref<3x400xf32, #tpu.memory_space<vmem>>) target_semaphore(%run_scoped3A : memref<!tpu.dma_semaphore, #tpu.memory_space<semaphore_mem>>)
          %dma_wait3A_687 = arith.constant 0 : i32
          %dma_wait3A_688 = tpu.memref_slice %arg2[%dma_wait3A_687, %add3A_50] : memref<4x640000xf32, #tpu.memory_space<hbm>> -> memref<3x400xf32, #tpu.memory_space<hbm>>
          %dma_wait3A_689 = arith.constant 0 : i32
          %dma_wait3A_690 = tpu.memref_slice %arg2[%dma_wait3A_689, %add3A_50] : memref<4x640000xf32, #tpu.memory_space<hbm>> -> memref<3x400xf32, #tpu.memory_space<hbm>>
          tpu.wait_dma2 semaphore(%run_scoped3A : memref<!tpu.dma_semaphore, #tpu.memory_space<semaphore_mem>>) src(%dma_wait3A_690 : memref<3x400xf32, #tpu.memory_space<hbm>>) dst(%arg9 : memref<3x400xf32, #tpu.memory_space<vmem>>)
          tpu.yield
        }) : () -> ()
        %add3A_51 = arith.constant 0 : i32
        %add3A_52 = vector.broadcast %add3A_51 : i32 to vector<16xi32>
        %add3A_53 = arith.addi %iota3A, %add3A_52 : vector<16xi32>
        %get3A = arith.constant 0 : i32
        %get3A_54 = arith.index_cast %get3A : i32 to index
        %get3A_55 = arith.constant 0 : index
        %get3A_56 = tpu.vector_load %arg9[%get3A_54, %get3A_55] {strides = array<i32>} : memref<3x400xf32, #tpu.memory_space<vmem>>, vector<16xf32>,
        %broadcast_in_dim3A_57 = arith.constant 0 : i32
        %broadcast_in_dim3A_58 = vector.broadcast %broadcast_in_dim3A_57 : i32 to vector<16xi32>
        tpu.vector_store_idx %arg8[%add3A_53, %broadcast_in_dim3A_58], %get3A_56 : memref<400x8xf32, #tpu.memory_space<vmem>>[vector<16xi32>, vector<16xi32>], vector<16xf32>,
        %get3A_59 = arith.constant 1 : i32
        %get3A_60 = arith.index_cast %get3A_59 : i32 to index
        %get3A_61 = arith.constant 0 : index
        %get3A_62 = tpu.vector_load %arg9[%get3A_60, %get3A_61] {strides = array<i32>} : memref<3x400xf32, #tpu.memory_space<vmem>>, vector<16xf32>,
        %broadcast_in_dim3A_63 = arith.constant 1 : i32
        %broadcast_in_dim3A_64 = vector.broadcast %broadcast_in_dim3A_63 : i32 to vector<16xi32>
        tpu.vector_store_idx %arg8[%add3A_53, %broadcast_in_dim3A_64], %get3A_62 : memref<400x8xf32, #tpu.memory_space<vmem>>[vector<16xi32>, vector<16xi32>], vector<16xf32>,
        %get3A_65 = arith.constant 2 : i32
        %get3A_66 = arith.index_cast %get3A_65 : i32 to index
        %get3A_67 = arith.constant 0 : index
        %get3A_68 = tpu.vector_load %arg9[%get3A_66, %get3A_67] {strides = array<i32>} : memref<3x400xf32, #tpu.memory_space<vmem>>, vector<16xf32>,
        %broadcast_in_dim3A_69 = arith.constant 2 : i32
        %broadcast_in_dim3A_70 = vector.broadcast %broadcast_in_dim3A_69 : i32 to vector<16xi32>
        tpu.vector_store_idx %arg8[%add3A_53, %broadcast_in_dim3A_70], %get3A_68 : memref<400x8xf32, #tpu.memory_space<vmem>>[vector<16xi32>, vector<16xi32>], vector<16xf32>,
        %add3A_71 = arith.constant 16 : i32
        %add3A_72 = vector.broadcast %add3A_71 : i32 to vector<16xi32>
        %add3A_73 = arith.addi %iota3A, %add3A_72 : vector<16xi32>
        %get3A_74 = arith.constant 0 : i32
        %get3A_75 = arith.index_cast %get3A_74 : i32 to index
        %get3A_76 = arith.constant 16 : index
        %get3A_77 = tpu.vector_load %arg9[%get3A_75, %get3A_76] {strides = array<i32>} : memref<3x400xf32, #tpu.memory_space<vmem>>, vector<16xf32>,
        %broadcast_in_dim3A_78 = arith.constant 0 : i32
        %broadcast_in_dim3A_79 = vector.broadcast %broadcast_in_dim3A_78 : i32 to vector<16xi32>
        tpu.vector_store_idx %arg8[%add3A_73, %broadcast_in_dim3A_79], %get3A_77 : memref<400x8xf32, #tpu.memory_space<vmem>>[vector<16xi32>, vector<16xi32>], vector<16xf32>,
        %get3A_80 = arith.constant 1 : i32
        %get3A_81 = arith.index_cast %get3A_80 : i32 to index
        %get3A_82 = arith.constant 16 : index
        %get3A_83 = tpu.vector_load %arg9[%get3A_81, %get3A_82] {strides = array<i32>} : memref<3x400xf32, #tpu.memory_space<vmem>>, vector<16xf32>,
        %broadcast_in_dim3A_84 = arith.constant 1 : i32
        %broadcast_in_dim3A_85 = vector.broadcast %broadcast_in_dim3A_84 : i32 to vector<16xi32>
        tpu.vector_store_idx %arg8[%add3A_73, %broadcast_in_dim3A_85], %get3A_83 : memref<400x8xf32, #tpu.memory_space<vmem>>[vector<16xi32>, vector<16xi32>], vector<16xf32>,
        %get3A_86 = arith.constant 2 : i32
        %get3A_87 = arith.index_cast %get3A_86 : i32 to index
        %get3A_88 = arith.constant 16 : index
        %get3A_89 = tpu.vector_load %arg9[%get3A_87, %get3A_88] {strides = array<i32>} : memref<3x400xf32, #tpu.memory_space<vmem>>, vector<16xf32>,
        %broadcast_in_dim3A_90 = arith.constant 2 : i32
        %broadcast_in_dim3A_91 = vector.broadcast %broadcast_in_dim3A_90 : i32 to vector<16xi32>
        tpu.vector_store_idx %arg8[%add3A_73, %broadcast_in_dim3A_91], %get3A_89 : memref<400x8xf32, #tpu.memory_space<vmem>>[vector<16xi32>, vector<16xi32>], vector<16xf32>,
        %add3A_92 = arith.constant 32 : i32
        %add3A_93 = vector.broadcast %add3A_92 : i32 to vector<16xi32>
        %add3A_94 = arith.addi %iota3A, %add3A_93 : vector<16xi32>
        %get3A_95 = arith.constant 0 : i32
        %get3A_96 = arith.index_cast %get3A_95 : i32 to index
        %get3A_97 = arith.constant 32 : index
        %get3A_98 = tpu.vector_load %arg9[%get3A_96, %get3A_97] {strides = array<i32>} : memref<3x400xf32, #tpu.memory_space<vmem>>, vector<16xf32>,
        %broadcast_in_dim3A_99 = arith.constant 0 : i32
        %broadcast_in_dim3A_100 = vector.broadcast %broadcast_in_dim3A_99 : i32 to vector<16xi32>
        tpu.vector_store_idx %arg8[%add3A_94, %broadcast_in_dim3A_100], %get3A_98 : memref<400x8xf32, #tpu.memory_space<vmem>>[vector<16xi32>, vector<16xi32>], vector<16xf32>,
        %get3A_101 = arith.constant 1 : i32
        %get3A_102 = arith.index_cast %get3A_101 : i32 to index
        %get3A_103 = arith.constant 32 : index
        %get3A_104 = tpu.vector_load %arg9[%get3A_102, %get3A_103] {strides = array<i32>} : memref<3x400xf32, #tpu.memory_space<vmem>>, vector<16xf32>,
        %broadcast_in_dim3A_105 = arith.constant 1 : i32
        %broadcast_in_dim3A_106 = vector.broadcast %broadcast_in_dim3A_105 : i32 to vector<16xi32>
        tpu.vector_store_idx %arg8[%add3A_94, %broadcast_in_dim3A_106], %get3A_104 : memref<400x8xf32, #tpu.memory_space<vmem>>[vector<16xi32>, vector<16xi32>], vector<16xf32>,
        %get3A_107 = arith.constant 2 : i32
        %get3A_108 = arith.index_cast %get3A_107 : i32 to index
        %get3A_109 = arith.constant 32 : index
        %get3A_110 = tpu.vector_load %arg9[%get3A_108, %get3A_109] {strides = array<i32>} : memref<3x400xf32, #tpu.memory_space<vmem>>, vector<16xf32>,
        %broadcast_in_dim3A_111 = arith.constant 2 : i32
        %broadcast_in_dim3A_112 = vector.broadcast %broadcast_in_dim3A_111 : i32 to vector<16xi32>
        tpu.vector_store_idx %arg8[%add3A_94, %broadcast_in_dim3A_112], %get3A_110 : memref<400x8xf32, #tpu.memory_space<vmem>>[vector<16xi32>, vector<16xi32>], vector<16xf32>,
        %add3A_113 = arith.constant 48 : i32
        %add3A_114 = vector.broadcast %add3A_113 : i32 to vector<16xi32>
        %add3A_115 = arith.addi %iota3A, %add3A_114 : vector<16xi32>
        %get3A_116 = arith.constant 0 : i32
        %get3A_117 = arith.index_cast %get3A_116 : i32 to index
        %get3A_118 = arith.constant 48 : index
        %get3A_119 = tpu.vector_load %arg9[%get3A_117, %get3A_118] {strides = array<i32>} : memref<3x400xf32, #tpu.memory_space<vmem>>, vector<16xf32>,
        %broadcast_in_dim3A_120 = arith.constant 0 : i32
        %broadcast_in_dim3A_121 = vector.broadcast %broadcast_in_dim3A_120 : i32 to vector<16xi32>
        tpu.vector_store_idx %arg8[%add3A_115, %broadcast_in_dim3A_121], %get3A_119 : memref<400x8xf32, #tpu.memory_space<vmem>>[vector<16xi32>, vector<16xi32>], vector<16xf32>,
        %get3A_122 = arith.constant 1 : i32
        %get3A_123 = arith.index_cast %get3A_122 : i32 to index
        %get3A_124 = arith.constant 48 : index
        %get3A_125 = tpu.vector_load %arg9[%get3A_123, %get3A_124] {strides = array<i32>} : memref<3x400xf32, #tpu.memory_space<vmem>>, vector<16xf32>,
        %broadcast_in_dim3A_126 = arith.constant 1 : i32
        %broadcast_in_dim3A_127 = vector.broadcast %broadcast_in_dim3A_126 : i32 to vector<16xi32>
        tpu.vector_store_idx %arg8[%add3A_115, %broadcast_in_dim3A_127], %get3A_125 : memref<400x8xf32, #tpu.memory_space<vmem>>[vector<16xi32>, vector<16xi32>], vector<16xf32>,
        %get3A_128 = arith.constant 2 : i32
        %get3A_129 = arith.index_cast %get3A_128 : i32 to index
        %get3A_130 = arith.constant 48 : index
        %get3A_131 = tpu.vector_load %arg9[%get3A_129, %get3A_130] {strides = array<i32>} : memref<3x400xf32, #tpu.memory_space<vmem>>, vector<16xf32>,
        %broadcast_in_dim3A_132 = arith.constant 2 : i32
        %broadcast_in_dim3A_133 = vector.broadcast %broadcast_in_dim3A_132 : i32 to vector<16xi32>
        tpu.vector_store_idx %arg8[%add3A_115, %broadcast_in_dim3A_133], %get3A_131 : memref<400x8xf32, #tpu.memory_space<vmem>>[vector<16xi32>, vector<16xi32>], vector<16xf32>,
        %add3A_134 = arith.constant 64 : i32
        %add3A_135 = vector.broadcast %add3A_134 : i32 to vector<16xi32>
        %add3A_136 = arith.addi %iota3A, %add3A_135 : vector<16xi32>
        %get3A_137 = arith.constant 0 : i32
        %get3A_138 = arith.index_cast %get3A_137 : i32 to index
        %get3A_139 = arith.constant 64 : index
        %get3A_140 = tpu.vector_load %arg9[%get3A_138, %get3A_139] {strides = array<i32>} : memref<3x400xf32, #tpu.memory_space<vmem>>, vector<16xf32>,
        %broadcast_in_dim3A_141 = arith.constant 0 : i32
        %broadcast_in_dim3A_142 = vector.broadcast %broadcast_in_dim3A_141 : i32 to vector<16xi32>
        tpu.vector_store_idx %arg8[%add3A_136, %broadcast_in_dim3A_142], %get3A_140 : memref<400x8xf32, #tpu.memory_space<vmem>>[vector<16xi32>, vector<16xi32>], vector<16xf32>,
        %get3A_143 = arith.constant 1 : i32
        %get3A_144 = arith.index_cast %get3A_143 : i32 to index
        %get3A_145 = arith.constant 64 : index
        %get3A_146 = tpu.vector_load %arg9[%get3A_144, %get3A_145] {strides = array<i32>} : memref<3x400xf32, #tpu.memory_space<vmem>>, vector<16xf32>,
        %broadcast_in_dim3A_147 = arith.constant 1 : i32
        %broadcast_in_dim3A_148 = vector.broadcast %broadcast_in_dim3A_147 : i32 to vector<16xi32>
        tpu.vector_store_idx %arg8[%add3A_136, %broadcast_in_dim3A_148], %get3A_146 : memref<400x8xf32, #tpu.memory_space<vmem>>[vector<16xi32>, vector<16xi32>], vector<16xf32>,
        %get3A_149 = arith.constant 2 : i32
        %get3A_150 = arith.index_cast %get3A_149 : i32 to index
        %get3A_151 = arith.constant 64 : index
        %get3A_152 = tpu.vector_load %arg9[%get3A_150, %get3A_151] {strides = array<i32>} : memref<3x400xf32, #tpu.memory_space<vmem>>, vector<16xf32>,
        %broadcast_in_dim3A_153 = arith.constant 2 : i32
        %broadcast_in_dim3A_154 = vector.broadcast %broadcast_in_dim3A_153 : i32 to vector<16xi32>
        tpu.vector_store_idx %arg8[%add3A_136, %broadcast_in_dim3A_154], %get3A_152 : memref<400x8xf32, #tpu.memory_space<vmem>>[vector<16xi32>, vector<16xi32>], vector<16xf32>,
        %add3A_155 = arith.constant 80 : i32
        %add3A_156 = vector.broadcast %add3A_155 : i32 to vector<16xi32>
        %add3A_157 = arith.addi %iota3A, %add3A_156 : vector<16xi32>
        %get3A_158 = arith.constant 0 : i32
        %get3A_159 = arith.index_cast %get3A_158 : i32 to index
        %get3A_160 = arith.constant 80 : index
        %get3A_161 = tpu.vector_load %arg9[%get3A_159, %get3A_160] {strides = array<i32>} : memref<3x400xf32, #tpu.memory_space<vmem>>, vector<16xf32>,
        %broadcast_in_dim3A_162 = arith.constant 0 : i32
        %broadcast_in_dim3A_163 = vector.broadcast %broadcast_in_dim3A_162 : i32 to vector<16xi32>
        tpu.vector_store_idx %arg8[%add3A_157, %broadcast_in_dim3A_163], %get3A_161 : memref<400x8xf32, #tpu.memory_space<vmem>>[vector<16xi32>, vector<16xi32>], vector<16xf32>,
        %get3A_164 = arith.constant 1 : i32
        %get3A_165 = arith.index_cast %get3A_164 : i32 to index
        %get3A_166 = arith.constant 80 : index
        %get3A_167 = tpu.vector_load %arg9[%get3A_165, %get3A_166] {strides = array<i32>} : memref<3x400xf32, #tpu.memory_space<vmem>>, vector<16xf32>,
        %broadcast_in_dim3A_168 = arith.constant 1 : i32
        %broadcast_in_dim3A_169 = vector.broadcast %broadcast_in_dim3A_168 : i32 to vector<16xi32>
        tpu.vector_store_idx %arg8[%add3A_157, %broadcast_in_dim3A_169], %get3A_167 : memref<400x8xf32, #tpu.memory_space<vmem>>[vector<16xi32>, vector<16xi32>], vector<16xf32>,
        %get3A_170 = arith.constant 2 : i32
        %get3A_171 = arith.index_cast %get3A_170 : i32 to index
        %get3A_172 = arith.constant 80 : index
        %get3A_173 = tpu.vector_load %arg9[%get3A_171, %get3A_172] {strides = array<i32>} : memref<3x400xf32, #tpu.memory_space<vmem>>, vector<16xf32>,
        %broadcast_in_dim3A_174 = arith.constant 2 : i32
        %broadcast_in_dim3A_175 = vector.broadcast %broadcast_in_dim3A_174 : i32 to vector<16xi32>
        tpu.vector_store_idx %arg8[%add3A_157, %broadcast_in_dim3A_175], %get3A_173 : memref<400x8xf32, #tpu.memory_space<vmem>>[vector<16xi32>, vector<16xi32>], vector<16xf32>,
        %add3A_176 = arith.constant 96 : i32
        %add3A_177 = vector.broadcast %add3A_176 : i32 to vector<16xi32>
        %add3A_178 = arith.addi %iota3A, %add3A_177 : vector<16xi32>
        %get3A_179 = arith.constant 0 : i32
        %get3A_180 = arith.index_cast %get3A_179 : i32 to index
        %get3A_181 = arith.constant 96 : index
        %get3A_182 = tpu.vector_load %arg9[%get3A_180, %get3A_181] {strides = array<i32>} : memref<3x400xf32, #tpu.memory_space<vmem>>, vector<16xf32>,
        %broadcast_in_dim3A_183 = arith.constant 0 : i32
        %broadcast_in_dim3A_184 = vector.broadcast %broadcast_in_dim3A_183 : i32 to vector<16xi32>
        tpu.vector_store_idx %arg8[%add3A_178, %broadcast_in_dim3A_184], %get3A_182 : memref<400x8xf32, #tpu.memory_space<vmem>>[vector<16xi32>, vector<16xi32>], vector<16xf32>,
        %get3A_185 = arith.constant 1 : i32
        %get3A_186 = arith.index_cast %get3A_185 : i32 to index
        %get3A_187 = arith.constant 96 : index
        %get3A_188 = tpu.vector_load %arg9[%get3A_186, %get3A_187] {strides = array<i32>} : memref<3x400xf32, #tpu.memory_space<vmem>>, vector<16xf32>,
        %broadcast_in_dim3A_189 = arith.constant 1 : i32
        %broadcast_in_dim3A_190 = vector.broadcast %broadcast_in_dim3A_189 : i32 to vector<16xi32>
        tpu.vector_store_idx %arg8[%add3A_178, %broadcast_in_dim3A_190], %get3A_188 : memref<400x8xf32, #tpu.memory_space<vmem>>[vector<16xi32>, vector<16xi32>], vector<16xf32>,
        %get3A_191 = arith.constant 2 : i32
        %get3A_192 = arith.index_cast %get3A_191 : i32 to index
        %get3A_193 = arith.constant 96 : index
        %get3A_194 = tpu.vector_load %arg9[%get3A_192, %get3A_193] {strides = array<i32>} : memref<3x400xf32, #tpu.memory_space<vmem>>, vector<16xf32>,
        %broadcast_in_dim3A_195 = arith.constant 2 : i32
        %broadcast_in_dim3A_196 = vector.broadcast %broadcast_in_dim3A_195 : i32 to vector<16xi32>
        tpu.vector_store_idx %arg8[%add3A_178, %broadcast_in_dim3A_196], %get3A_194 : memref<400x8xf32, #tpu.memory_space<vmem>>[vector<16xi32>, vector<16xi32>], vector<16xf32>,
        %add3A_197 = arith.constant 112 : i32
        %add3A_198 = vector.broadcast %add3A_197 : i32 to vector<16xi32>
        %add3A_199 = arith.addi %iota3A, %add3A_198 : vector<16xi32>
        %get3A_200 = arith.constant 0 : i32
        %get3A_201 = arith.index_cast %get3A_200 : i32 to index
        %get3A_202 = arith.constant 112 : index
        %get3A_203 = tpu.vector_load %arg9[%get3A_201, %get3A_202] {strides = array<i32>} : memref<3x400xf32, #tpu.memory_space<vmem>>, vector<16xf32>,
        %broadcast_in_dim3A_204 = arith.constant 0 : i32
        %broadcast_in_dim3A_205 = vector.broadcast %broadcast_in_dim3A_204 : i32 to vector<16xi32>
        tpu.vector_store_idx %arg8[%add3A_199, %broadcast_in_dim3A_205], %get3A_203 : memref<400x8xf32, #tpu.memory_space<vmem>>[vector<16xi32>, vector<16xi32>], vector<16xf32>,
        %get3A_206 = arith.constant 1 : i32
        %get3A_207 = arith.index_cast %get3A_206 : i32 to index
        %get3A_208 = arith.constant 112 : index
        %get3A_209 = tpu.vector_load %arg9[%get3A_207, %get3A_208] {strides = array<i32>} : memref<3x400xf32, #tpu.memory_space<vmem>>, vector<16xf32>,
        %broadcast_in_dim3A_210 = arith.constant 1 : i32
        %broadcast_in_dim3A_211 = vector.broadcast %broadcast_in_dim3A_210 : i32 to vector<16xi32>
        tpu.vector_store_idx %arg8[%add3A_199, %broadcast_in_dim3A_211], %get3A_209 : memref<400x8xf32, #tpu.memory_space<vmem>>[vector<16xi32>, vector<16xi32>], vector<16xf32>,
        %get3A_212 = arith.constant 2 : i32
        %get3A_213 = arith.index_cast %get3A_212 : i32 to index
        %get3A_214 = arith.constant 112 : index
        %get3A_215 = tpu.vector_load %arg9[%get3A_213, %get3A_214] {strides = array<i32>} : memref<3x400xf32, #tpu.memory_space<vmem>>, vector<16xf32>,
        %broadcast_in_dim3A_216 = arith.constant 2 : i32
        %broadcast_in_dim3A_217 = vector.broadcast %broadcast_in_dim3A_216 : i32 to vector<16xi32>
        tpu.vector_store_idx %arg8[%add3A_199, %broadcast_in_dim3A_217], %get3A_215 : memref<400x8xf32, #tpu.memory_space<vmem>>[vector<16xi32>, vector<16xi32>], vector<16xf32>,
        %add3A_218 = arith.constant 128 : i32
        %add3A_219 = vector.broadcast %add3A_218 : i32 to vector<16xi32>
        %add3A_220 = arith.addi %iota3A, %add3A_219 : vector<16xi32>
        %get3A_221 = arith.constant 0 : i32
        %get3A_222 = arith.index_cast %get3A_221 : i32 to index
        %get3A_223 = arith.constant 128 : index
        %get3A_224 = tpu.vector_load %arg9[%get3A_222, %get3A_223] {strides = array<i32>} : memref<3x400xf32, #tpu.memory_space<vmem>>, vector<16xf32>,
        %broadcast_in_dim3A_225 = arith.constant 0 : i32
        %broadcast_in_dim3A_226 = vector.broadcast %broadcast_in_dim3A_225 : i32 to vector<16xi32>
        tpu.vector_store_idx %arg8[%add3A_220, %broadcast_in_dim3A_226], %get3A_224 : memref<400x8xf32, #tpu.memory_space<vmem>>[vector<16xi32>, vector<16xi32>], vector<16xf32>,
        %get3A_227 = arith.constant 1 : i32
        %get3A_228 = arith.index_cast %get3A_227 : i32 to index
        %get3A_229 = arith.constant 128 : index
        %get3A_230 = tpu.vector_load %arg9[%get3A_228, %get3A_229] {strides = array<i32>} : memref<3x400xf32, #tpu.memory_space<vmem>>, vector<16xf32>,
        %broadcast_in_dim3A_231 = arith.constant 1 : i32
        %broadcast_in_dim3A_232 = vector.broadcast %broadcast_in_dim3A_231 : i32 to vector<16xi32>
        tpu.vector_store_idx %arg8[%add3A_220, %broadcast_in_dim3A_232], %get3A_230 : memref<400x8xf32, #tpu.memory_space<vmem>>[vector<16xi32>, vector<16xi32>], vector<16xf32>,
        %get3A_233 = arith.constant 2 : i32
        %get3A_234 = arith.index_cast %get3A_233 : i32 to index
        %get3A_235 = arith.constant 128 : index
        %get3A_236 = tpu.vector_load %arg9[%get3A_234, %get3A_235] {strides = array<i32>} : memref<3x400xf32, #tpu.memory_space<vmem>>, vector<16xf32>,
        %broadcast_in_dim3A_237 = arith.constant 2 : i32
        %broadcast_in_dim3A_238 = vector.broadcast %broadcast_in_dim3A_237 : i32 to vector<16xi32>
        tpu.vector_store_idx %arg8[%add3A_220, %broadcast_in_dim3A_238], %get3A_236 : memref<400x8xf32, #tpu.memory_space<vmem>>[vector<16xi32>, vector<16xi32>], vector<16xf32>,
        %add3A_239 = arith.constant 144 : i32
        %add3A_240 = vector.broadcast %add3A_239 : i32 to vector<16xi32>
        %add3A_241 = arith.addi %iota3A, %add3A_240 : vector<16xi32>
        %get3A_242 = arith.constant 0 : i32
        %get3A_243 = arith.index_cast %get3A_242 : i32 to index
        %get3A_244 = arith.constant 144 : index
        %get3A_245 = tpu.vector_load %arg9[%get3A_243, %get3A_244] {strides = array<i32>} : memref<3x400xf32, #tpu.memory_space<vmem>>, vector<16xf32>,
        %broadcast_in_dim3A_246 = arith.constant 0 : i32
        %broadcast_in_dim3A_247 = vector.broadcast %broadcast_in_dim3A_246 : i32 to vector<16xi32>
        tpu.vector_store_idx %arg8[%add3A_241, %broadcast_in_dim3A_247], %get3A_245 : memref<400x8xf32, #tpu.memory_space<vmem>>[vector<16xi32>, vector<16xi32>], vector<16xf32>,
        %get3A_248 = arith.constant 1 : i32
        %get3A_249 = arith.index_cast %get3A_248 : i32 to index
        %get3A_250 = arith.constant 144 : index
        %get3A_251 = tpu.vector_load %arg9[%get3A_249, %get3A_250] {strides = array<i32>} : memref<3x400xf32, #tpu.memory_space<vmem>>, vector<16xf32>,
        %broadcast_in_dim3A_252 = arith.constant 1 : i32
        %broadcast_in_dim3A_253 = vector.broadcast %broadcast_in_dim3A_252 : i32 to vector<16xi32>
        tpu.vector_store_idx %arg8[%add3A_241, %broadcast_in_dim3A_253], %get3A_251 : memref<400x8xf32, #tpu.memory_space<vmem>>[vector<16xi32>, vector<16xi32>], vector<16xf32>,
        %get3A_254 = arith.constant 2 : i32
        %get3A_255 = arith.index_cast %get3A_254 : i32 to index
        %get3A_256 = arith.constant 144 : index
        %get3A_257 = tpu.vector_load %arg9[%get3A_255, %get3A_256] {strides = array<i32>} : memref<3x400xf32, #tpu.memory_space<vmem>>, vector<16xf32>,
        %broadcast_in_dim3A_258 = arith.constant 2 : i32
        %broadcast_in_dim3A_259 = vector.broadcast %broadcast_in_dim3A_258 : i32 to vector<16xi32>
        tpu.vector_store_idx %arg8[%add3A_241, %broadcast_in_dim3A_259], %get3A_257 : memref<400x8xf32, #tpu.memory_space<vmem>>[vector<16xi32>, vector<16xi32>], vector<16xf32>,
        %add3A_260 = arith.constant 160 : i32
        %add3A_261 = vector.broadcast %add3A_260 : i32 to vector<16xi32>
        %add3A_262 = arith.addi %iota3A, %add3A_261 : vector<16xi32>
        %get3A_263 = arith.constant 0 : i32
        %get3A_264 = arith.index_cast %get3A_263 : i32 to index
        %get3A_265 = arith.constant 160 : index
        %get3A_266 = tpu.vector_load %arg9[%get3A_264, %get3A_265] {strides = array<i32>} : memref<3x400xf32, #tpu.memory_space<vmem>>, vector<16xf32>,
        %broadcast_in_dim3A_267 = arith.constant 0 : i32
        %broadcast_in_dim3A_268 = vector.broadcast %broadcast_in_dim3A_267 : i32 to vector<16xi32>
        tpu.vector_store_idx %arg8[%add3A_262, %broadcast_in_dim3A_268], %get3A_266 : memref<400x8xf32, #tpu.memory_space<vmem>>[vector<16xi32>, vector<16xi32>], vector<16xf32>,
        %get3A_269 = arith.constant 1 : i32
        %get3A_270 = arith.index_cast %get3A_269 : i32 to index
        %get3A_271 = arith.constant 160 : index
        %get3A_272 = tpu.vector_load %arg9[%get3A_270, %get3A_271] {strides = array<i32>} : memref<3x400xf32, #tpu.memory_space<vmem>>, vector<16xf32>,
        %broadcast_in_dim3A_273 = arith.constant 1 : i32
        %broadcast_in_dim3A_274 = vector.broadcast %broadcast_in_dim3A_273 : i32 to vector<16xi32>
        tpu.vector_store_idx %arg8[%add3A_262, %broadcast_in_dim3A_274], %get3A_272 : memref<400x8xf32, #tpu.memory_space<vmem>>[vector<16xi32>, vector<16xi32>], vector<16xf32>,
        %get3A_275 = arith.constant 2 : i32
        %get3A_276 = arith.index_cast %get3A_275 : i32 to index
        %get3A_277 = arith.constant 160 : index
        %get3A_278 = tpu.vector_load %arg9[%get3A_276, %get3A_277] {strides = array<i32>} : memref<3x400xf32, #tpu.memory_space<vmem>>, vector<16xf32>,
        %broadcast_in_dim3A_279 = arith.constant 2 : i32
        %broadcast_in_dim3A_280 = vector.broadcast %broadcast_in_dim3A_279 : i32 to vector<16xi32>
        tpu.vector_store_idx %arg8[%add3A_262, %broadcast_in_dim3A_280], %get3A_278 : memref<400x8xf32, #tpu.memory_space<vmem>>[vector<16xi32>, vector<16xi32>], vector<16xf32>,
        %add3A_281 = arith.constant 176 : i32
        %add3A_282 = vector.broadcast %add3A_281 : i32 to vector<16xi32>
        %add3A_283 = arith.addi %iota3A, %add3A_282 : vector<16xi32>
        %get3A_284 = arith.constant 0 : i32
        %get3A_285 = arith.index_cast %get3A_284 : i32 to index
        %get3A_286 = arith.constant 176 : index
        %get3A_287 = tpu.vector_load %arg9[%get3A_285, %get3A_286] {strides = array<i32>} : memref<3x400xf32, #tpu.memory_space<vmem>>, vector<16xf32>,
        %broadcast_in_dim3A_288 = arith.constant 0 : i32
        %broadcast_in_dim3A_289 = vector.broadcast %broadcast_in_dim3A_288 : i32 to vector<16xi32>
        tpu.vector_store_idx %arg8[%add3A_283, %broadcast_in_dim3A_289], %get3A_287 : memref<400x8xf32, #tpu.memory_space<vmem>>[vector<16xi32>, vector<16xi32>], vector<16xf32>,
        %get3A_290 = arith.constant 1 : i32
        %get3A_291 = arith.index_cast %get3A_290 : i32 to index
        %get3A_292 = arith.constant 176 : index
        %get3A_293 = tpu.vector_load %arg9[%get3A_291, %get3A_292] {strides = array<i32>} : memref<3x400xf32, #tpu.memory_space<vmem>>, vector<16xf32>,
        %broadcast_in_dim3A_294 = arith.constant 1 : i32
        %broadcast_in_dim3A_295 = vector.broadcast %broadcast_in_dim3A_294 : i32 to vector<16xi32>
        tpu.vector_store_idx %arg8[%add3A_283, %broadcast_in_dim3A_295], %get3A_293 : memref<400x8xf32, #tpu.memory_space<vmem>>[vector<16xi32>, vector<16xi32>], vector<16xf32>,
        %get3A_296 = arith.constant 2 : i32
        %get3A_297 = arith.index_cast %get3A_296 : i32 to index
        %get3A_298 = arith.constant 176 : index
        %get3A_299 = tpu.vector_load %arg9[%get3A_297, %get3A_298] {strides = array<i32>} : memref<3x400xf32, #tpu.memory_space<vmem>>, vector<16xf32>,
        %broadcast_in_dim3A_300 = arith.constant 2 : i32
        %broadcast_in_dim3A_301 = vector.broadcast %broadcast_in_dim3A_300 : i32 to vector<16xi32>
        tpu.vector_store_idx %arg8[%add3A_283, %broadcast_in_dim3A_301], %get3A_299 : memref<400x8xf32, #tpu.memory_space<vmem>>[vector<16xi32>, vector<16xi32>], vector<16xf32>,
        %add3A_302 = arith.constant 192 : i32
        %add3A_303 = vector.broadcast %add3A_302 : i32 to vector<16xi32>
        %add3A_304 = arith.addi %iota3A, %add3A_303 : vector<16xi32>
        %get3A_305 = arith.constant 0 : i32
        %get3A_306 = arith.index_cast %get3A_305 : i32 to index
        %get3A_307 = arith.constant 192 : index
        %get3A_308 = tpu.vector_load %arg9[%get3A_306, %get3A_307] {strides = array<i32>} : memref<3x400xf32, #tpu.memory_space<vmem>>, vector<16xf32>,
        %broadcast_in_dim3A_309 = arith.constant 0 : i32
        %broadcast_in_dim3A_310 = vector.broadcast %broadcast_in_dim3A_309 : i32 to vector<16xi32>
        tpu.vector_store_idx %arg8[%add3A_304, %broadcast_in_dim3A_310], %get3A_308 : memref<400x8xf32, #tpu.memory_space<vmem>>[vector<16xi32>, vector<16xi32>], vector<16xf32>,
        %get3A_311 = arith.constant 1 : i32
        %get3A_312 = arith.index_cast %get3A_311 : i32 to index
        %get3A_313 = arith.constant 192 : index
        %get3A_314 = tpu.vector_load %arg9[%get3A_312, %get3A_313] {strides = array<i32>} : memref<3x400xf32, #tpu.memory_space<vmem>>, vector<16xf32>,
        %broadcast_in_dim3A_315 = arith.constant 1 : i32
        %broadcast_in_dim3A_316 = vector.broadcast %broadcast_in_dim3A_315 : i32 to vector<16xi32>
        tpu.vector_store_idx %arg8[%add3A_304, %broadcast_in_dim3A_316], %get3A_314 : memref<400x8xf32, #tpu.memory_space<vmem>>[vector<16xi32>, vector<16xi32>], vector<16xf32>,
        %get3A_317 = arith.constant 2 : i32
        %get3A_318 = arith.index_cast %get3A_317 : i32 to index
        %get3A_319 = arith.constant 192 : index
        %get3A_320 = tpu.vector_load %arg9[%get3A_318, %get3A_319] {strides = array<i32>} : memref<3x400xf32, #tpu.memory_space<vmem>>, vector<16xf32>,
        %broadcast_in_dim3A_321 = arith.constant 2 : i32
        %broadcast_in_dim3A_322 = vector.broadcast %broadcast_in_dim3A_321 : i32 to vector<16xi32>
        tpu.vector_store_idx %arg8[%add3A_304, %broadcast_in_dim3A_322], %get3A_320 : memref<400x8xf32, #tpu.memory_space<vmem>>[vector<16xi32>, vector<16xi32>], vector<16xf32>,
        %add3A_323 = arith.constant 208 : i32
        %add3A_324 = vector.broadcast %add3A_323 : i32 to vector<16xi32>
        %add3A_325 = arith.addi %iota3A, %add3A_324 : vector<16xi32>
        %get3A_326 = arith.constant 0 : i32
        %get3A_327 = arith.index_cast %get3A_326 : i32 to index
        %get3A_328 = arith.constant 208 : index
        %get3A_329 = tpu.vector_load %arg9[%get3A_327, %get3A_328] {strides = array<i32>} : memref<3x400xf32, #tpu.memory_space<vmem>>, vector<16xf32>,
        %broadcast_in_dim3A_330 = arith.constant 0 : i32
        %broadcast_in_dim3A_331 = vector.broadcast %broadcast_in_dim3A_330 : i32 to vector<16xi32>
        tpu.vector_store_idx %arg8[%add3A_325, %broadcast_in_dim3A_331], %get3A_329 : memref<400x8xf32, #tpu.memory_space<vmem>>[vector<16xi32>, vector<16xi32>], vector<16xf32>,
        %get3A_332 = arith.constant 1 : i32
        %get3A_333 = arith.index_cast %get3A_332 : i32 to index
        %get3A_334 = arith.constant 208 : index
        %get3A_335 = tpu.vector_load %arg9[%get3A_333, %get3A_334] {strides = array<i32>} : memref<3x400xf32, #tpu.memory_space<vmem>>, vector<16xf32>,
        %broadcast_in_dim3A_336 = arith.constant 1 : i32
        %broadcast_in_dim3A_337 = vector.broadcast %broadcast_in_dim3A_336 : i32 to vector<16xi32>
        tpu.vector_store_idx %arg8[%add3A_325, %broadcast_in_dim3A_337], %get3A_335 : memref<400x8xf32, #tpu.memory_space<vmem>>[vector<16xi32>, vector<16xi32>], vector<16xf32>,
        %get3A_338 = arith.constant 2 : i32
        %get3A_339 = arith.index_cast %get3A_338 : i32 to index
        %get3A_340 = arith.constant 208 : index
        %get3A_341 = tpu.vector_load %arg9[%get3A_339, %get3A_340] {strides = array<i32>} : memref<3x400xf32, #tpu.memory_space<vmem>>, vector<16xf32>,
        %broadcast_in_dim3A_342 = arith.constant 2 : i32
        %broadcast_in_dim3A_343 = vector.broadcast %broadcast_in_dim3A_342 : i32 to vector<16xi32>
        tpu.vector_store_idx %arg8[%add3A_325, %broadcast_in_dim3A_343], %get3A_341 : memref<400x8xf32, #tpu.memory_space<vmem>>[vector<16xi32>, vector<16xi32>], vector<16xf32>,
        %add3A_344 = arith.constant 224 : i32
        %add3A_345 = vector.broadcast %add3A_344 : i32 to vector<16xi32>
        %add3A_346 = arith.addi %iota3A, %add3A_345 : vector<16xi32>
        %get3A_347 = arith.constant 0 : i32
        %get3A_348 = arith.index_cast %get3A_347 : i32 to index
        %get3A_349 = arith.constant 224 : index
        %get3A_350 = tpu.vector_load %arg9[%get3A_348, %get3A_349] {strides = array<i32>} : memref<3x400xf32, #tpu.memory_space<vmem>>, vector<16xf32>,
        %broadcast_in_dim3A_351 = arith.constant 0 : i32
        %broadcast_in_dim3A_352 = vector.broadcast %broadcast_in_dim3A_351 : i32 to vector<16xi32>
        tpu.vector_store_idx %arg8[%add3A_346, %broadcast_in_dim3A_352], %get3A_350 : memref<400x8xf32, #tpu.memory_space<vmem>>[vector<16xi32>, vector<16xi32>], vector<16xf32>,
        %get3A_353 = arith.constant 1 : i32
        %get3A_354 = arith.index_cast %get3A_353 : i32 to index
        %get3A_355 = arith.constant 224 : index
        %get3A_356 = tpu.vector_load %arg9[%get3A_354, %get3A_355] {strides = array<i32>} : memref<3x400xf32, #tpu.memory_space<vmem>>, vector<16xf32>,
        %broadcast_in_dim3A_357 = arith.constant 1 : i32
        %broadcast_in_dim3A_358 = vector.broadcast %broadcast_in_dim3A_357 : i32 to vector<16xi32>
        tpu.vector_store_idx %arg8[%add3A_346, %broadcast_in_dim3A_358], %get3A_356 : memref<400x8xf32, #tpu.memory_space<vmem>>[vector<16xi32>, vector<16xi32>], vector<16xf32>,
        %get3A_359 = arith.constant 2 : i32
        %get3A_360 = arith.index_cast %get3A_359 : i32 to index
        %get3A_361 = arith.constant 224 : index
        %get3A_362 = tpu.vector_load %arg9[%get3A_360, %get3A_361] {strides = array<i32>} : memref<3x400xf32, #tpu.memory_space<vmem>>, vector<16xf32>,
        %broadcast_in_dim3A_363 = arith.constant 2 : i32
        %broadcast_in_dim3A_364 = vector.broadcast %broadcast_in_dim3A_363 : i32 to vector<16xi32>
        tpu.vector_store_idx %arg8[%add3A_346, %broadcast_in_dim3A_364], %get3A_362 : memref<400x8xf32, #tpu.memory_space<vmem>>[vector<16xi32>, vector<16xi32>], vector<16xf32>,
        %add3A_365 = arith.constant 240 : i32
        %add3A_366 = vector.broadcast %add3A_365 : i32 to vector<16xi32>
        %add3A_367 = arith.addi %iota3A, %add3A_366 : vector<16xi32>
        %get3A_368 = arith.constant 0 : i32
        %get3A_369 = arith.index_cast %get3A_368 : i32 to index
        %get3A_370 = arith.constant 240 : index
        %get3A_371 = tpu.vector_load %arg9[%get3A_369, %get3A_370] {strides = array<i32>} : memref<3x400xf32, #tpu.memory_space<vmem>>, vector<16xf32>,
        %broadcast_in_dim3A_372 = arith.constant 0 : i32
        %broadcast_in_dim3A_373 = vector.broadcast %broadcast_in_dim3A_372 : i32 to vector<16xi32>
        tpu.vector_store_idx %arg8[%add3A_367, %broadcast_in_dim3A_373], %get3A_371 : memref<400x8xf32, #tpu.memory_space<vmem>>[vector<16xi32>, vector<16xi32>], vector<16xf32>,
        %get3A_374 = arith.constant 1 : i32
        %get3A_375 = arith.index_cast %get3A_374 : i32 to index
        %get3A_376 = arith.constant 240 : index
        %get3A_377 = tpu.vector_load %arg9[%get3A_375, %get3A_376] {strides = array<i32>} : memref<3x400xf32, #tpu.memory_space<vmem>>, vector<16xf32>,
        %broadcast_in_dim3A_378 = arith.constant 1 : i32
        %broadcast_in_dim3A_379 = vector.broadcast %broadcast_in_dim3A_378 : i32 to vector<16xi32>
        tpu.vector_store_idx %arg8[%add3A_367, %broadcast_in_dim3A_379], %get3A_377 : memref<400x8xf32, #tpu.memory_space<vmem>>[vector<16xi32>, vector<16xi32>], vector<16xf32>,
        %get3A_380 = arith.constant 2 : i32
        %get3A_381 = arith.index_cast %get3A_380 : i32 to index
        %get3A_382 = arith.constant 240 : index
        %get3A_383 = tpu.vector_load %arg9[%get3A_381, %get3A_382] {strides = array<i32>} : memref<3x400xf32, #tpu.memory_space<vmem>>, vector<16xf32>,
        %broadcast_in_dim3A_384 = arith.constant 2 : i32
        %broadcast_in_dim3A_385 = vector.broadcast %broadcast_in_dim3A_384 : i32 to vector<16xi32>
        tpu.vector_store_idx %arg8[%add3A_367, %broadcast_in_dim3A_385], %get3A_383 : memref<400x8xf32, #tpu.memory_space<vmem>>[vector<16xi32>, vector<16xi32>], vector<16xf32>,
        %add3A_386 = arith.constant 256 : i32
        %add3A_387 = vector.broadcast %add3A_386 : i32 to vector<16xi32>
        %add3A_388 = arith.addi %iota3A, %add3A_387 : vector<16xi32>
        %get3A_389 = arith.constant 0 : i32
        %get3A_390 = arith.index_cast %get3A_389 : i32 to index
        %get3A_391 = arith.constant 256 : index
        %get3A_392 = tpu.vector_load %arg9[%get3A_390, %get3A_391] {strides = array<i32>} : memref<3x400xf32, #tpu.memory_space<vmem>>, vector<16xf32>,
        %broadcast_in_dim3A_393 = arith.constant 0 : i32
        %broadcast_in_dim3A_394 = vector.broadcast %broadcast_in_dim3A_393 : i32 to vector<16xi32>
        tpu.vector_store_idx %arg8[%add3A_388, %broadcast_in_dim3A_394], %get3A_392 : memref<400x8xf32, #tpu.memory_space<vmem>>[vector<16xi32>, vector<16xi32>], vector<16xf32>,
        %get3A_395 = arith.constant 1 : i32
        %get3A_396 = arith.index_cast %get3A_395 : i32 to index
        %get3A_397 = arith.constant 256 : index
        %get3A_398 = tpu.vector_load %arg9[%get3A_396, %get3A_397] {strides = array<i32>} : memref<3x400xf32, #tpu.memory_space<vmem>>, vector<16xf32>,
        %broadcast_in_dim3A_399 = arith.constant 1 : i32
        %broadcast_in_dim3A_400 = vector.broadcast %broadcast_in_dim3A_399 : i32 to vector<16xi32>
        tpu.vector_store_idx %arg8[%add3A_388, %broadcast_in_dim3A_400], %get3A_398 : memref<400x8xf32, #tpu.memory_space<vmem>>[vector<16xi32>, vector<16xi32>], vector<16xf32>,
        %get3A_401 = arith.constant 2 : i32
        %get3A_402 = arith.index_cast %get3A_401 : i32 to index
        %get3A_403 = arith.constant 256 : index
        %get3A_404 = tpu.vector_load %arg9[%get3A_402, %get3A_403] {strides = array<i32>} : memref<3x400xf32, #tpu.memory_space<vmem>>, vector<16xf32>,
        %broadcast_in_dim3A_405 = arith.constant 2 : i32
        %broadcast_in_dim3A_406 = vector.broadcast %broadcast_in_dim3A_405 : i32 to vector<16xi32>
        tpu.vector_store_idx %arg8[%add3A_388, %broadcast_in_dim3A_406], %get3A_404 : memref<400x8xf32, #tpu.memory_space<vmem>>[vector<16xi32>, vector<16xi32>], vector<16xf32>,
        %add3A_407 = arith.constant 272 : i32
        %add3A_408 = vector.broadcast %add3A_407 : i32 to vector<16xi32>
        %add3A_409 = arith.addi %iota3A, %add3A_408 : vector<16xi32>
        %get3A_410 = arith.constant 0 : i32
        %get3A_411 = arith.index_cast %get3A_410 : i32 to index
        %get3A_412 = arith.constant 272 : index
        %get3A_413 = tpu.vector_load %arg9[%get3A_411, %get3A_412] {strides = array<i32>} : memref<3x400xf32, #tpu.memory_space<vmem>>, vector<16xf32>,
        %broadcast_in_dim3A_414 = arith.constant 0 : i32
        %broadcast_in_dim3A_415 = vector.broadcast %broadcast_in_dim3A_414 : i32 to vector<16xi32>
        tpu.vector_store_idx %arg8[%add3A_409, %broadcast_in_dim3A_415], %get3A_413 : memref<400x8xf32, #tpu.memory_space<vmem>>[vector<16xi32>, vector<16xi32>], vector<16xf32>,
        %get3A_416 = arith.constant 1 : i32
        %get3A_417 = arith.index_cast %get3A_416 : i32 to index
        %get3A_418 = arith.constant 272 : index
        %get3A_419 = tpu.vector_load %arg9[%get3A_417, %get3A_418] {strides = array<i32>} : memref<3x400xf32, #tpu.memory_space<vmem>>, vector<16xf32>,
        %broadcast_in_dim3A_420 = arith.constant 1 : i32
        %broadcast_in_dim3A_421 = vector.broadcast %broadcast_in_dim3A_420 : i32 to vector<16xi32>
        tpu.vector_store_idx %arg8[%add3A_409, %broadcast_in_dim3A_421], %get3A_419 : memref<400x8xf32, #tpu.memory_space<vmem>>[vector<16xi32>, vector<16xi32>], vector<16xf32>,
        %get3A_422 = arith.constant 2 : i32
        %get3A_423 = arith.index_cast %get3A_422 : i32 to index
        %get3A_424 = arith.constant 272 : index
        %get3A_425 = tpu.vector_load %arg9[%get3A_423, %get3A_424] {strides = array<i32>} : memref<3x400xf32, #tpu.memory_space<vmem>>, vector<16xf32>,
        %broadcast_in_dim3A_426 = arith.constant 2 : i32
        %broadcast_in_dim3A_427 = vector.broadcast %broadcast_in_dim3A_426 : i32 to vector<16xi32>
        tpu.vector_store_idx %arg8[%add3A_409, %broadcast_in_dim3A_427], %get3A_425 : memref<400x8xf32, #tpu.memory_space<vmem>>[vector<16xi32>, vector<16xi32>], vector<16xf32>,
        %add3A_428 = arith.constant 288 : i32
        %add3A_429 = vector.broadcast %add3A_428 : i32 to vector<16xi32>
        %add3A_430 = arith.addi %iota3A, %add3A_429 : vector<16xi32>
        %get3A_431 = arith.constant 0 : i32
        %get3A_432 = arith.index_cast %get3A_431 : i32 to index
        %get3A_433 = arith.constant 288 : index
        %get3A_434 = tpu.vector_load %arg9[%get3A_432, %get3A_433] {strides = array<i32>} : memref<3x400xf32, #tpu.memory_space<vmem>>, vector<16xf32>,
        %broadcast_in_dim3A_435 = arith.constant 0 : i32
        %broadcast_in_dim3A_436 = vector.broadcast %broadcast_in_dim3A_435 : i32 to vector<16xi32>
        tpu.vector_store_idx %arg8[%add3A_430, %broadcast_in_dim3A_436], %get3A_434 : memref<400x8xf32, #tpu.memory_space<vmem>>[vector<16xi32>, vector<16xi32>], vector<16xf32>,
        %get3A_437 = arith.constant 1 : i32
        %get3A_438 = arith.index_cast %get3A_437 : i32 to index
        %get3A_439 = arith.constant 288 : index
        %get3A_440 = tpu.vector_load %arg9[%get3A_438, %get3A_439] {strides = array<i32>} : memref<3x400xf32, #tpu.memory_space<vmem>>, vector<16xf32>,
        %broadcast_in_dim3A_441 = arith.constant 1 : i32
        %broadcast_in_dim3A_442 = vector.broadcast %broadcast_in_dim3A_441 : i32 to vector<16xi32>
        tpu.vector_store_idx %arg8[%add3A_430, %broadcast_in_dim3A_442], %get3A_440 : memref<400x8xf32, #tpu.memory_space<vmem>>[vector<16xi32>, vector<16xi32>], vector<16xf32>,
        %get3A_443 = arith.constant 2 : i32
        %get3A_444 = arith.index_cast %get3A_443 : i32 to index
        %get3A_445 = arith.constant 288 : index
        %get3A_446 = tpu.vector_load %arg9[%get3A_444, %get3A_445] {strides = array<i32>} : memref<3x400xf32, #tpu.memory_space<vmem>>, vector<16xf32>,
        %broadcast_in_dim3A_447 = arith.constant 2 : i32
        %broadcast_in_dim3A_448 = vector.broadcast %broadcast_in_dim3A_447 : i32 to vector<16xi32>
        tpu.vector_store_idx %arg8[%add3A_430, %broadcast_in_dim3A_448], %get3A_446 : memref<400x8xf32, #tpu.memory_space<vmem>>[vector<16xi32>, vector<16xi32>], vector<16xf32>,
        %add3A_449 = arith.constant 304 : i32
        %add3A_450 = vector.broadcast %add3A_449 : i32 to vector<16xi32>
        %add3A_451 = arith.addi %iota3A, %add3A_450 : vector<16xi32>
        %get3A_452 = arith.constant 0 : i32
        %get3A_453 = arith.index_cast %get3A_452 : i32 to index
        %get3A_454 = arith.constant 304 : index
        %get3A_455 = tpu.vector_load %arg9[%get3A_453, %get3A_454] {strides = array<i32>} : memref<3x400xf32, #tpu.memory_space<vmem>>, vector<16xf32>,
        %broadcast_in_dim3A_456 = arith.constant 0 : i32
        %broadcast_in_dim3A_457 = vector.broadcast %broadcast_in_dim3A_456 : i32 to vector<16xi32>
        tpu.vector_store_idx %arg8[%add3A_451, %broadcast_in_dim3A_457], %get3A_455 : memref<400x8xf32, #tpu.memory_space<vmem>>[vector<16xi32>, vector<16xi32>], vector<16xf32>,
        %get3A_458 = arith.constant 1 : i32
        %get3A_459 = arith.index_cast %get3A_458 : i32 to index
        %get3A_460 = arith.constant 304 : index
        %get3A_461 = tpu.vector_load %arg9[%get3A_459, %get3A_460] {strides = array<i32>} : memref<3x400xf32, #tpu.memory_space<vmem>>, vector<16xf32>,
        %broadcast_in_dim3A_462 = arith.constant 1 : i32
        %broadcast_in_dim3A_463 = vector.broadcast %broadcast_in_dim3A_462 : i32 to vector<16xi32>
        tpu.vector_store_idx %arg8[%add3A_451, %broadcast_in_dim3A_463], %get3A_461 : memref<400x8xf32, #tpu.memory_space<vmem>>[vector<16xi32>, vector<16xi32>], vector<16xf32>,
        %get3A_464 = arith.constant 2 : i32
        %get3A_465 = arith.index_cast %get3A_464 : i32 to index
        %get3A_466 = arith.constant 304 : index
        %get3A_467 = tpu.vector_load %arg9[%get3A_465, %get3A_466] {strides = array<i32>} : memref<3x400xf32, #tpu.memory_space<vmem>>, vector<16xf32>,
        %broadcast_in_dim3A_468 = arith.constant 2 : i32
        %broadcast_in_dim3A_469 = vector.broadcast %broadcast_in_dim3A_468 : i32 to vector<16xi32>
        tpu.vector_store_idx %arg8[%add3A_451, %broadcast_in_dim3A_469], %get3A_467 : memref<400x8xf32, #tpu.memory_space<vmem>>[vector<16xi32>, vector<16xi32>], vector<16xf32>,
        %add3A_470 = arith.constant 320 : i32
        %add3A_471 = vector.broadcast %add3A_470 : i32 to vector<16xi32>
        %add3A_472 = arith.addi %iota3A, %add3A_471 : vector<16xi32>
        %get3A_473 = arith.constant 0 : i32
        %get3A_474 = arith.index_cast %get3A_473 : i32 to index
        %get3A_475 = arith.constant 320 : index
        %get3A_476 = tpu.vector_load %arg9[%get3A_474, %get3A_475] {strides = array<i32>} : memref<3x400xf32, #tpu.memory_space<vmem>>, vector<16xf32>,
        %broadcast_in_dim3A_477 = arith.constant 0 : i32
        %broadcast_in_dim3A_478 = vector.broadcast %broadcast_in_dim3A_477 : i32 to vector<16xi32>
        tpu.vector_store_idx %arg8[%add3A_472, %broadcast_in_dim3A_478], %get3A_476 : memref<400x8xf32, #tpu.memory_space<vmem>>[vector<16xi32>, vector<16xi32>], vector<16xf32>,
        %get3A_479 = arith.constant 1 : i32
        %get3A_480 = arith.index_cast %get3A_479 : i32 to index
        %get3A_481 = arith.constant 320 : index
        %get3A_482 = tpu.vector_load %arg9[%get3A_480, %get3A_481] {strides = array<i32>} : memref<3x400xf32, #tpu.memory_space<vmem>>, vector<16xf32>,
        %broadcast_in_dim3A_483 = arith.constant 1 : i32
        %broadcast_in_dim3A_484 = vector.broadcast %broadcast_in_dim3A_483 : i32 to vector<16xi32>
        tpu.vector_store_idx %arg8[%add3A_472, %broadcast_in_dim3A_484], %get3A_482 : memref<400x8xf32, #tpu.memory_space<vmem>>[vector<16xi32>, vector<16xi32>], vector<16xf32>,
        %get3A_485 = arith.constant 2 : i32
        %get3A_486 = arith.index_cast %get3A_485 : i32 to index
        %get3A_487 = arith.constant 320 : index
        %get3A_488 = tpu.vector_load %arg9[%get3A_486, %get3A_487] {strides = array<i32>} : memref<3x400xf32, #tpu.memory_space<vmem>>, vector<16xf32>,
        %broadcast_in_dim3A_489 = arith.constant 2 : i32
        %broadcast_in_dim3A_490 = vector.broadcast %broadcast_in_dim3A_489 : i32 to vector<16xi32>
        tpu.vector_store_idx %arg8[%add3A_472, %broadcast_in_dim3A_490], %get3A_488 : memref<400x8xf32, #tpu.memory_space<vmem>>[vector<16xi32>, vector<16xi32>], vector<16xf32>,
        %add3A_491 = arith.constant 336 : i32
        %add3A_492 = vector.broadcast %add3A_491 : i32 to vector<16xi32>
        %add3A_493 = arith.addi %iota3A, %add3A_492 : vector<16xi32>
        %get3A_494 = arith.constant 0 : i32
        %get3A_495 = arith.index_cast %get3A_494 : i32 to index
        %get3A_496 = arith.constant 336 : index
        %get3A_497 = tpu.vector_load %arg9[%get3A_495, %get3A_496] {strides = array<i32>} : memref<3x400xf32, #tpu.memory_space<vmem>>, vector<16xf32>,
        %broadcast_in_dim3A_498 = arith.constant 0 : i32
        %broadcast_in_dim3A_499 = vector.broadcast %broadcast_in_dim3A_498 : i32 to vector<16xi32>
        tpu.vector_store_idx %arg8[%add3A_493, %broadcast_in_dim3A_499], %get3A_497 : memref<400x8xf32, #tpu.memory_space<vmem>>[vector<16xi32>, vector<16xi32>], vector<16xf32>,
        %get3A_500 = arith.constant 1 : i32
        %get3A_501 = arith.index_cast %get3A_500 : i32 to index
        %get3A_502 = arith.constant 336 : index
        %get3A_503 = tpu.vector_load %arg9[%get3A_501, %get3A_502] {strides = array<i32>} : memref<3x400xf32, #tpu.memory_space<vmem>>, vector<16xf32>,
        %broadcast_in_dim3A_504 = arith.constant 1 : i32
        %broadcast_in_dim3A_505 = vector.broadcast %broadcast_in_dim3A_504 : i32 to vector<16xi32>
        tpu.vector_store_idx %arg8[%add3A_493, %broadcast_in_dim3A_505], %get3A_503 : memref<400x8xf32, #tpu.memory_space<vmem>>[vector<16xi32>, vector<16xi32>], vector<16xf32>,
        %get3A_506 = arith.constant 2 : i32
        %get3A_507 = arith.index_cast %get3A_506 : i32 to index
        %get3A_508 = arith.constant 336 : index
        %get3A_509 = tpu.vector_load %arg9[%get3A_507, %get3A_508] {strides = array<i32>} : memref<3x400xf32, #tpu.memory_space<vmem>>, vector<16xf32>,
        %broadcast_in_dim3A_510 = arith.constant 2 : i32
        %broadcast_in_dim3A_511 = vector.broadcast %broadcast_in_dim3A_510 : i32 to vector<16xi32>
        tpu.vector_store_idx %arg8[%add3A_493, %broadcast_in_dim3A_511], %get3A_509 : memref<400x8xf32, #tpu.memory_space<vmem>>[vector<16xi32>, vector<16xi32>], vector<16xf32>,
        %add3A_512 = arith.constant 352 : i32
        %add3A_513 = vector.broadcast %add3A_512 : i32 to vector<16xi32>
        %add3A_514 = arith.addi %iota3A, %add3A_513 : vector<16xi32>
        %get3A_515 = arith.constant 0 : i32
        %get3A_516 = arith.index_cast %get3A_515 : i32 to index
        %get3A_517 = arith.constant 352 : index
        %get3A_518 = tpu.vector_load %arg9[%get3A_516, %get3A_517] {strides = array<i32>} : memref<3x400xf32, #tpu.memory_space<vmem>>, vector<16xf32>,
        %broadcast_in_dim3A_519 = arith.constant 0 : i32
        %broadcast_in_dim3A_520 = vector.broadcast %broadcast_in_dim3A_519 : i32 to vector<16xi32>
        tpu.vector_store_idx %arg8[%add3A_514, %broadcast_in_dim3A_520], %get3A_518 : memref<400x8xf32, #tpu.memory_space<vmem>>[vector<16xi32>, vector<16xi32>], vector<16xf32>,
        %get3A_521 = arith.constant 1 : i32
        %get3A_522 = arith.index_cast %get3A_521 : i32 to index
        %get3A_523 = arith.constant 352 : index
        %get3A_524 = tpu.vector_load %arg9[%get3A_522, %get3A_523] {strides = array<i32>} : memref<3x400xf32, #tpu.memory_space<vmem>>, vector<16xf32>,
        %broadcast_in_dim3A_525 = arith.constant 1 : i32
        %broadcast_in_dim3A_526 = vector.broadcast %broadcast_in_dim3A_525 : i32 to vector<16xi32>
        tpu.vector_store_idx %arg8[%add3A_514, %broadcast_in_dim3A_526], %get3A_524 : memref<400x8xf32, #tpu.memory_space<vmem>>[vector<16xi32>, vector<16xi32>], vector<16xf32>,
        %get3A_527 = arith.constant 2 : i32
        %get3A_528 = arith.index_cast %get3A_527 : i32 to index
        %get3A_529 = arith.constant 352 : index
        %get3A_530 = tpu.vector_load %arg9[%get3A_528, %get3A_529] {strides = array<i32>} : memref<3x400xf32, #tpu.memory_space<vmem>>, vector<16xf32>,
        %broadcast_in_dim3A_531 = arith.constant 2 : i32
        %broadcast_in_dim3A_532 = vector.broadcast %broadcast_in_dim3A_531 : i32 to vector<16xi32>
        tpu.vector_store_idx %arg8[%add3A_514, %broadcast_in_dim3A_532], %get3A_530 : memref<400x8xf32, #tpu.memory_space<vmem>>[vector<16xi32>, vector<16xi32>], vector<16xf32>,
        %add3A_533 = arith.constant 368 : i32
        %add3A_534 = vector.broadcast %add3A_533 : i32 to vector<16xi32>
        %add3A_535 = arith.addi %iota3A, %add3A_534 : vector<16xi32>
        %get3A_536 = arith.constant 0 : i32
        %get3A_537 = arith.index_cast %get3A_536 : i32 to index
        %get3A_538 = arith.constant 368 : index
        %get3A_539 = tpu.vector_load %arg9[%get3A_537, %get3A_538] {strides = array<i32>} : memref<3x400xf32, #tpu.memory_space<vmem>>, vector<16xf32>,
        %broadcast_in_dim3A_540 = arith.constant 0 : i32
        %broadcast_in_dim3A_541 = vector.broadcast %broadcast_in_dim3A_540 : i32 to vector<16xi32>
        tpu.vector_store_idx %arg8[%add3A_535, %broadcast_in_dim3A_541], %get3A_539 : memref<400x8xf32, #tpu.memory_space<vmem>>[vector<16xi32>, vector<16xi32>], vector<16xf32>,
        %get3A_542 = arith.constant 1 : i32
        %get3A_543 = arith.index_cast %get3A_542 : i32 to index
        %get3A_544 = arith.constant 368 : index
        %get3A_545 = tpu.vector_load %arg9[%get3A_543, %get3A_544] {strides = array<i32>} : memref<3x400xf32, #tpu.memory_space<vmem>>, vector<16xf32>,
        %broadcast_in_dim3A_546 = arith.constant 1 : i32
        %broadcast_in_dim3A_547 = vector.broadcast %broadcast_in_dim3A_546 : i32 to vector<16xi32>
        tpu.vector_store_idx %arg8[%add3A_535, %broadcast_in_dim3A_547], %get3A_545 : memref<400x8xf32, #tpu.memory_space<vmem>>[vector<16xi32>, vector<16xi32>], vector<16xf32>,
        %get3A_548 = arith.constant 2 : i32
        %get3A_549 = arith.index_cast %get3A_548 : i32 to index
        %get3A_550 = arith.constant 368 : index
        %get3A_551 = tpu.vector_load %arg9[%get3A_549, %get3A_550] {strides = array<i32>} : memref<3x400xf32, #tpu.memory_space<vmem>>, vector<16xf32>,
        %broadcast_in_dim3A_552 = arith.constant 2 : i32
        %broadcast_in_dim3A_553 = vector.broadcast %broadcast_in_dim3A_552 : i32 to vector<16xi32>
        tpu.vector_store_idx %arg8[%add3A_535, %broadcast_in_dim3A_553], %get3A_551 : memref<400x8xf32, #tpu.memory_space<vmem>>[vector<16xi32>, vector<16xi32>], vector<16xf32>,
        %add3A_554 = arith.constant 384 : i32
        %add3A_555 = vector.broadcast %add3A_554 : i32 to vector<16xi32>
        %add3A_556 = arith.addi %iota3A, %add3A_555 : vector<16xi32>
        %get3A_557 = arith.constant 0 : i32
        %get3A_558 = arith.index_cast %get3A_557 : i32 to index
        %get3A_559 = arith.constant 384 : index
        %get3A_560 = tpu.vector_load %arg9[%get3A_558, %get3A_559] {strides = array<i32>} : memref<3x400xf32, #tpu.memory_space<vmem>>, vector<16xf32>,
        %broadcast_in_dim3A_561 = arith.constant 0 : i32
        %broadcast_in_dim3A_562 = vector.broadcast %broadcast_in_dim3A_561 : i32 to vector<16xi32>
        tpu.vector_store_idx %arg8[%add3A_556, %broadcast_in_dim3A_562], %get3A_560 : memref<400x8xf32, #tpu.memory_space<vmem>>[vector<16xi32>, vector<16xi32>], vector<16xf32>,
        %get3A_563 = arith.constant 1 : i32
        %get3A_564 = arith.index_cast %get3A_563 : i32 to index
        %get3A_565 = arith.constant 384 : index
        %get3A_566 = tpu.vector_load %arg9[%get3A_564, %get3A_565] {strides = array<i32>} : memref<3x400xf32, #tpu.memory_space<vmem>>, vector<16xf32>,
        %broadcast_in_dim3A_567 = arith.constant 1 : i32
        %broadcast_in_dim3A_568 = vector.broadcast %broadcast_in_dim3A_567 : i32 to vector<16xi32>
        tpu.vector_store_idx %arg8[%add3A_556, %broadcast_in_dim3A_568], %get3A_566 : memref<400x8xf32, #tpu.memory_space<vmem>>[vector<16xi32>, vector<16xi32>], vector<16xf32>,
        %get3A_569 = arith.constant 2 : i32
        %get3A_570 = arith.index_cast %get3A_569 : i32 to index
        %get3A_571 = arith.constant 384 : index
        %get3A_572 = tpu.vector_load %arg9[%get3A_570, %get3A_571] {strides = array<i32>} : memref<3x400xf32, #tpu.memory_space<vmem>>, vector<16xf32>,
        %broadcast_in_dim3A_573 = arith.constant 2 : i32
        %broadcast_in_dim3A_574 = vector.broadcast %broadcast_in_dim3A_573 : i32 to vector<16xi32>
        tpu.vector_store_idx %arg8[%add3A_556, %broadcast_in_dim3A_574], %get3A_572 : memref<400x8xf32, #tpu.memory_space<vmem>>[vector<16xi32>, vector<16xi32>], vector<16xf32>,
        %mul3A_575 = arith.constant 5 : i32
        %mul3A_576 = arith.muli %scan3A_46, %mul3A_575 : i32
        %add3A_577 = arith.constant 0 : i32
        %add3A_578 = arith.addi %mul3A_576, %add3A_577 : i32
        %dma_start3A = arith.constant 0 : i32
        %dma_start3A_579 = arith.constant 0 : i32
        %dma_start3A_580 = tpu.memref_slice %arg8[%dma_start3A, %dma_start3A_579] : memref<400x8xf32, #tpu.memory_space<vmem>> -> memref<80x8xf32, #tpu.memory_space<vmem>>
        %dma_start3A_581 = arith.constant 0 : i32
        %dma_start3A_582 = tpu.memref_slice %arg7[%add3A_578, %dma_start3A_581] : memref<500x80xi32, #tpu.memory_space<vmem>> -> memref<1x80xi32, #tpu.memory_space<vmem>>
        %dma_start3A_583 = tpu.memref_squeeze %dma_start3A_582 : memref<1x80xi32, #tpu.memory_space<vmem>> -> memref<80xi32, #tpu.memory_space<vmem>>
        %dma_start3A_584 = arith.constant 0 : i32
        %dma_start3A_585 = arith.constant 0 : i32
        %dma_start3A_586 = tpu.memref_slice %arg6[%dma_start3A_584, %dma_start3A_585] : memref<10000x8xf32, #tpu.memory_space<vmem_shared>> -> memref<10000x8xf32, #tpu.memory_space<vmem_shared>>
        tpu.enqueue_indirect_dma source(%dma_start3A_580 : memref<80x8xf32, #tpu.memory_space<vmem>>) target(%dma_start3A_586 : memref<10000x8xf32, #tpu.memory_space<vmem_shared>>) offsets(%dma_start3A_583 : memref<80xi32, #tpu.memory_space<vmem>>) semaphore(%arg10 : memref<!tpu.dma_semaphore, #tpu.memory_space<semaphore_mem>>) {add = true}
        %mul3A_587 = arith.constant 5 : i32
        %mul3A_588 = arith.muli %scan3A_46, %mul3A_587 : i32
        %add3A_589 = arith.constant 1 : i32
        %add3A_590 = arith.addi %mul3A_588, %add3A_589 : i32
        %dma_start3A_591 = arith.constant 80 : i32
        %dma_start3A_592 = arith.constant 0 : i32
        %dma_start3A_593 = tpu.memref_slice %arg8[%dma_start3A_591, %dma_start3A_592] : memref<400x8xf32, #tpu.memory_space<vmem>> -> memref<80x8xf32, #tpu.memory_space<vmem>>
        %dma_start3A_594 = arith.constant 0 : i32
        %dma_start3A_595 = tpu.memref_slice %arg7[%add3A_590, %dma_start3A_594] : memref<500x80xi32, #tpu.memory_space<vmem>> -> memref<1x80xi32, #tpu.memory_space<vmem>>
        %dma_start3A_596 = tpu.memref_squeeze %dma_start3A_595 : memref<1x80xi32, #tpu.memory_space<vmem>> -> memref<80xi32, #tpu.memory_space<vmem>>
        %dma_start3A_597 = arith.constant 0 : i32
        %dma_start3A_598 = arith.constant 0 : i32
        %dma_start3A_599 = tpu.memref_slice %arg6[%dma_start3A_597, %dma_start3A_598] : memref<10000x8xf32, #tpu.memory_space<vmem_shared>> -> memref<10000x8xf32, #tpu.memory_space<vmem_shared>>
        tpu.enqueue_indirect_dma source(%dma_start3A_593 : memref<80x8xf32, #tpu.memory_space<vmem>>) target(%dma_start3A_599 : memref<10000x8xf32, #tpu.memory_space<vmem_shared>>) offsets(%dma_start3A_596 : memref<80xi32, #tpu.memory_space<vmem>>) semaphore(%arg10 : memref<!tpu.dma_semaphore, #tpu.memory_space<semaphore_mem>>) {add = true}
        %mul3A_600 = arith.constant 5 : i32
        %mul3A_601 = arith.muli %scan3A_46, %mul3A_600 : i32
        %add3A_602 = arith.constant 2 : i32
        %add3A_603 = arith.addi %mul3A_601, %add3A_602 : i32
        %dma_start3A_604 = arith.constant 160 : i32
        %dma_start3A_605 = arith.constant 0 : i32
        %dma_start3A_606 = tpu.memref_slice %arg8[%dma_start3A_604, %dma_start3A_605] : memref<400x8xf32, #tpu.memory_space<vmem>> -> memref<80x8xf32, #tpu.memory_space<vmem>>
        %dma_start3A_607 = arith.constant 0 : i32
        %dma_start3A_608 = tpu.memref_slice %arg7[%add3A_603, %dma_start3A_607] : memref<500x80xi32, #tpu.memory_space<vmem>> -> memref<1x80xi32, #tpu.memory_space<vmem>>
        %dma_start3A_609 = tpu.memref_squeeze %dma_start3A_608 : memref<1x80xi32, #tpu.memory_space<vmem>> -> memref<80xi32, #tpu.memory_space<vmem>>
        %dma_start3A_610 = arith.constant 0 : i32
        %dma_start3A_611 = arith.constant 0 : i32
        %dma_start3A_612 = tpu.memref_slice %arg6[%dma_start3A_610, %dma_start3A_611] : memref<10000x8xf32, #tpu.memory_space<vmem_shared>> -> memref<10000x8xf32, #tpu.memory_space<vmem_shared>>
        tpu.enqueue_indirect_dma source(%dma_start3A_606 : memref<80x8xf32, #tpu.memory_space<vmem>>) target(%dma_start3A_612 : memref<10000x8xf32, #tpu.memory_space<vmem_shared>>) offsets(%dma_start3A_609 : memref<80xi32, #tpu.memory_space<vmem>>) semaphore(%arg10 : memref<!tpu.dma_semaphore, #tpu.memory_space<semaphore_mem>>) {add = true}
        %mul3A_613 = arith.constant 5 : i32
        %mul3A_614 = arith.muli %scan3A_46, %mul3A_613 : i32
        %add3A_615 = arith.constant 3 : i32
        %add3A_616 = arith.addi %mul3A_614, %add3A_615 : i32
        %dma_start3A_617 = arith.constant 240 : i32
        %dma_start3A_618 = arith.constant 0 : i32
        %dma_start3A_619 = tpu.memref_slice %arg8[%dma_start3A_617, %dma_start3A_618] : memref<400x8xf32, #tpu.memory_space<vmem>> -> memref<80x8xf32, #tpu.memory_space<vmem>>
        %dma_start3A_620 = arith.constant 0 : i32
        %dma_start3A_621 = tpu.memref_slice %arg7[%add3A_616, %dma_start3A_620] : memref<500x80xi32, #tpu.memory_space<vmem>> -> memref<1x80xi32, #tpu.memory_space<vmem>>
        %dma_start3A_622 = tpu.memref_squeeze %dma_start3A_621 : memref<1x80xi32, #tpu.memory_space<vmem>> -> memref<80xi32, #tpu.memory_space<vmem>>
        %dma_start3A_623 = arith.constant 0 : i32
        %dma_start3A_624 = arith.constant 0 : i32
        %dma_start3A_625 = tpu.memref_slice %arg6[%dma_start3A_623, %dma_start3A_624] : memref<10000x8xf32, #tpu.memory_space<vmem_shared>> -> memref<10000x8xf32, #tpu.memory_space<vmem_shared>>
        tpu.enqueue_indirect_dma source(%dma_start3A_619 : memref<80x8xf32, #tpu.memory_space<vmem>>) target(%dma_start3A_625 : memref<10000x8xf32, #tpu.memory_space<vmem_shared>>) offsets(%dma_start3A_622 : memref<80xi32, #tpu.memory_space<vmem>>) semaphore(%arg10 : memref<!tpu.dma_semaphore, #tpu.memory_space<semaphore_mem>>) {add = true}
        %mul3A_626 = arith.constant 5 : i32
        %mul3A_627 = arith.muli %scan3A_46, %mul3A_626 : i32
        %add3A_628 = arith.constant 4 : i32
        %add3A_629 = arith.addi %mul3A_627, %add3A_628 : i32
        %dma_start3A_630 = arith.constant 320 : i32
        %dma_start3A_631 = arith.constant 0 : i32
        %dma_start3A_632 = tpu.memref_slice %arg8[%dma_start3A_630, %dma_start3A_631] : memref<400x8xf32, #tpu.memory_space<vmem>> -> memref<80x8xf32, #tpu.memory_space<vmem>>
        %dma_start3A_633 = arith.constant 0 : i32
        %dma_start3A_634 = tpu.memref_slice %arg7[%add3A_629, %dma_start3A_633] : memref<500x80xi32, #tpu.memory_space<vmem>> -> memref<1x80xi32, #tpu.memory_space<vmem>>
        %dma_start3A_635 = tpu.memref_squeeze %dma_start3A_634 : memref<1x80xi32, #tpu.memory_space<vmem>> -> memref<80xi32, #tpu.memory_space<vmem>>
        %dma_start3A_636 = arith.constant 0 : i32
        %dma_start3A_637 = arith.constant 0 : i32
        %dma_start3A_638 = tpu.memref_slice %arg6[%dma_start3A_636, %dma_start3A_637] : memref<10000x8xf32, #tpu.memory_space<vmem_shared>> -> memref<10000x8xf32, #tpu.memory_space<vmem_shared>>
        tpu.enqueue_indirect_dma source(%dma_start3A_632 : memref<80x8xf32, #tpu.memory_space<vmem>>) target(%dma_start3A_638 : memref<10000x8xf32, #tpu.memory_space<vmem_shared>>) offsets(%dma_start3A_635 : memref<80xi32, #tpu.memory_space<vmem>>) semaphore(%arg10 : memref<!tpu.dma_semaphore, #tpu.memory_space<semaphore_mem>>) {add = true}
        %dma_wait3A = arith.constant 0 : i32
        %dma_wait3A_639 = arith.constant 0 : i32
        %dma_wait3A_640 = tpu.memref_slice %arg8[%dma_wait3A, %dma_wait3A_639] : memref<400x8xf32, #tpu.memory_space<vmem>> -> memref<80x8xf32, #tpu.memory_space<vmem>>
        %dma_wait3A_641 = arith.constant 0 : i32
        %dma_wait3A_642 = tpu.memref_slice %arg7[%add3A_578, %dma_wait3A_641] : memref<500x80xi32, #tpu.memory_space<vmem>> -> memref<1x80xi32, #tpu.memory_space<vmem>>
        %dma_wait3A_643 = tpu.memref_squeeze %dma_wait3A_642 : memref<1x80xi32, #tpu.memory_space<vmem>> -> memref<80xi32, #tpu.memory_space<vmem>>
        %dma_wait3A_644 = arith.constant 0 : i32
        %dma_wait3A_645 = arith.constant 0 : i32
        %dma_wait3A_646 = tpu.memref_slice %arg6[%dma_wait3A_644, %dma_wait3A_645] : memref<10000x8xf32, #tpu.memory_space<vmem_shared>> -> memref<10000x8xf32, #tpu.memory_space<vmem_shared>>
        tpu.wait_indirect_dma semaphore(%arg10 : memref<!tpu.dma_semaphore, #tpu.memory_space<semaphore_mem>>) src(%dma_wait3A_640 : memref<80x8xf32, #tpu.memory_space<vmem>>) dst(%dma_wait3A_646 : memref<10000x8xf32, #tpu.memory_space<vmem_shared>>)
        %dma_wait3A_647 = arith.constant 80 : i32
        %dma_wait3A_648 = arith.constant 0 : i32
        %dma_wait3A_649 = tpu.memref_slice %arg8[%dma_wait3A_647, %dma_wait3A_648] : memref<400x8xf32, #tpu.memory_space<vmem>> -> memref<80x8xf32, #tpu.memory_space<vmem>>
        %dma_wait3A_650 = arith.constant 0 : i32
        %dma_wait3A_651 = tpu.memref_slice %arg7[%add3A_590, %dma_wait3A_650] : memref<500x80xi32, #tpu.memory_space<vmem>> -> memref<1x80xi32, #tpu.memory_space<vmem>>
        %dma_wait3A_652 = tpu.memref_squeeze %dma_wait3A_651 : memref<1x80xi32, #tpu.memory_space<vmem>> -> memref<80xi32, #tpu.memory_space<vmem>>
        %dma_wait3A_653 = arith.constant 0 : i32
        %dma_wait3A_654 = arith.constant 0 : i32
        %dma_wait3A_655 = tpu.memref_slice %arg6[%dma_wait3A_653, %dma_wait3A_654] : memref<10000x8xf32, #tpu.memory_space<vmem_shared>> -> memref<10000x8xf32, #tpu.memory_space<vmem_shared>>
        tpu.wait_indirect_dma semaphore(%arg10 : memref<!tpu.dma_semaphore, #tpu.memory_space<semaphore_mem>>) src(%dma_wait3A_649 : memref<80x8xf32, #tpu.memory_space<vmem>>) dst(%dma_wait3A_655 : memref<10000x8xf32, #tpu.memory_space<vmem_shared>>)
        %dma_wait3A_656 = arith.constant 160 : i32
        %dma_wait3A_657 = arith.constant 0 : i32
        %dma_wait3A_658 = tpu.memref_slice %arg8[%dma_wait3A_656, %dma_wait3A_657] : memref<400x8xf32, #tpu.memory_space<vmem>> -> memref<80x8xf32, #tpu.memory_space<vmem>>
        %dma_wait3A_659 = arith.constant 0 : i32
        %dma_wait3A_660 = tpu.memref_slice %arg7[%add3A_603, %dma_wait3A_659] : memref<500x80xi32, #tpu.memory_space<vmem>> -> memref<1x80xi32, #tpu.memory_space<vmem>>
        %dma_wait3A_661 = tpu.memref_squeeze %dma_wait3A_660 : memref<1x80xi32, #tpu.memory_space<vmem>> -> memref<80xi32, #tpu.memory_space<vmem>>
        %dma_wait3A_662 = arith.constant 0 : i32
        %dma_wait3A_663 = arith.constant 0 : i32
        %dma_wait3A_664 = tpu.memref_slice %arg6[%dma_wait3A_662, %dma_wait3A_663] : memref<10000x8xf32, #tpu.memory_space<vmem_shared>> -> memref<10000x8xf32, #tpu.memory_space<vmem_shared>>
        tpu.wait_indirect_dma semaphore(%arg10 : memref<!tpu.dma_semaphore, #tpu.memory_space<semaphore_mem>>) src(%dma_wait3A_658 : memref<80x8xf32, #tpu.memory_space<vmem>>) dst(%dma_wait3A_664 : memref<10000x8xf32, #tpu.memory_space<vmem_shared>>)
        %dma_wait3A_665 = arith.constant 240 : i32
        %dma_wait3A_666 = arith.constant 0 : i32
        %dma_wait3A_667 = tpu.memref_slice %arg8[%dma_wait3A_665, %dma_wait3A_666] : memref<400x8xf32, #tpu.memory_space<vmem>> -> memref<80x8xf32, #tpu.memory_space<vmem>>
        %dma_wait3A_668 = arith.constant 0 : i32
        %dma_wait3A_669 = tpu.memref_slice %arg7[%add3A_616, %dma_wait3A_668] : memref<500x80xi32, #tpu.memory_space<vmem>> -> memref<1x80xi32, #tpu.memory_space<vmem>>
        %dma_wait3A_670 = tpu.memref_squeeze %dma_wait3A_669 : memref<1x80xi32, #tpu.memory_space<vmem>> -> memref<80xi32, #tpu.memory_space<vmem>>
        %dma_wait3A_671 = arith.constant 0 : i32
        %dma_wait3A_672 = arith.constant 0 : i32
        %dma_wait3A_673 = tpu.memref_slice %arg6[%dma_wait3A_671, %dma_wait3A_672] : memref<10000x8xf32, #tpu.memory_space<vmem_shared>> -> memref<10000x8xf32, #tpu.memory_space<vmem_shared>>
        tpu.wait_indirect_dma semaphore(%arg10 : memref<!tpu.dma_semaphore, #tpu.memory_space<semaphore_mem>>) src(%dma_wait3A_667 : memref<80x8xf32, #tpu.memory_space<vmem>>) dst(%dma_wait3A_673 : memref<10000x8xf32, #tpu.memory_space<vmem_shared>>)
        %dma_wait3A_674 = arith.constant 320 : i32
        %dma_wait3A_675 = arith.constant 0 : i32
        %dma_wait3A_676 = tpu.memref_slice %arg8[%dma_wait3A_674, %dma_wait3A_675] : memref<400x8xf32, #tpu.memory_space<vmem>> -> memref<80x8xf32, #tpu.memory_space<vmem>>
        %dma_wait3A_677 = arith.constant 0 : i32
        %dma_wait3A_678 = tpu.memref_slice %arg7[%add3A_629, %dma_wait3A_677] : memref<500x80xi32, #tpu.memory_space<vmem>> -> memref<1x80xi32, #tpu.memory_space<vmem>>
        %dma_wait3A_679 = tpu.memref_squeeze %dma_wait3A_678 : memref<1x80xi32, #tpu.memory_space<vmem>> -> memref<80xi32, #tpu.memory_space<vmem>>
        %dma_wait3A_680 = arith.constant 0 : i32
        %dma_wait3A_681 = arith.constant 0 : i32
        %dma_wait3A_682 = tpu.memref_slice %arg6[%dma_wait3A_680, %dma_wait3A_681] : memref<10000x8xf32, #tpu.memory_space<vmem_shared>> -> memref<10000x8xf32, #tpu.memory_space<vmem_shared>>
        tpu.wait_indirect_dma semaphore(%arg10 : memref<!tpu.dma_semaphore, #tpu.memory_space<semaphore_mem>>) src(%dma_wait3A_676 : memref<80x8xf32, #tpu.memory_space<vmem>>) dst(%dma_wait3A_682 : memref<10000x8xf32, #tpu.memory_space<vmem_shared>>)
      }
      %scan3A_45 = arith.constant 100 : i32
    } else {
    }
    %barrier3A_7 = arith.constant 0 : index
    tpu.barrier barrier_id(%barrier3A_7)
    %eq3A_8 = arith.constant 0 : i32
    %eq3A_9 = arith.cmpi eq, %arg0, %eq3A_8 : i32
    %convert_element_type3A_10 = arith.extui %eq3A_9 : i1 to i32
    %cond3A_11 = arith.constant 0 : i32
    %cond3A_12 = arith.cmpi ne, %convert_element_type3A_10, %cond3A_11 : i32
    scf.if %cond3A_12 {
      %lt3A = arith.constant 15 : i32
      %lt3A_13 = arith.cmpi slt, %arg1, %lt3A : i32
      %convert_element_type3A_14 = arith.extui %lt3A_13 : i1 to i32
      %cond3A_15 = arith.constant 0 : i32
      %cond3A_16 = arith.cmpi ne, %convert_element_type3A_14, %cond3A_15 : i32
      scf.if %cond3A_16 {
        %mul3A = arith.constant 640 : i32
        %mul3A_22 = arith.muli %arg1, %mul3A : i32
        %multiple_of3A = tpu.assume_multiple %mul3A_22, 8 : i32
        "tpu.region"() ({
          %run_scoped3A = tpu.sem_alloc : memref<!tpu.dma_semaphore, #tpu.memory_space<semaphore_mem>>
          %dma_start3A = arith.constant 0 : i32
          %dma_start3A_23 = tpu.memref_slice %arg5[%multiple_of3A, %dma_start3A] : memref<10000x8xf32, #tpu.memory_space<hbm>> -> memref<640x8xf32, #tpu.memory_space<hbm>>
          %dma_start3A_24 = arith.constant 0 : i32
          %dma_start3A_25 = tpu.memref_slice %arg6[%multiple_of3A, %dma_start3A_24] : memref<10000x8xf32, #tpu.memory_space<vmem_shared>> -> memref<640x8xf32, #tpu.memory_space<vmem_shared>>
          tpu.enqueue_dma source(%dma_start3A_25 : memref<640x8xf32, #tpu.memory_space<vmem_shared>>) target(%dma_start3A_23 : memref<640x8xf32, #tpu.memory_space<hbm>>) target_semaphore(%run_scoped3A : memref<!tpu.dma_semaphore, #tpu.memory_space<semaphore_mem>>)
          %dma_wait3A = arith.constant 0 : i32
          %dma_wait3A_26 = tpu.memref_slice %arg5[%multiple_of3A, %dma_wait3A] : memref<10000x8xf32, #tpu.memory_space<hbm>> -> memref<640x8xf32, #tpu.memory_space<hbm>>
          %dma_wait3A_27 = arith.constant 0 : i32
          %dma_wait3A_28 = tpu.memref_slice %arg6[%multiple_of3A, %dma_wait3A_27] : memref<10000x8xf32, #tpu.memory_space<vmem_shared>> -> memref<640x8xf32, #tpu.memory_space<vmem_shared>>
          tpu.wait_dma2 semaphore(%run_scoped3A : memref<!tpu.dma_semaphore, #tpu.memory_space<semaphore_mem>>) src(%dma_wait3A_28 : memref<640x8xf32, #tpu.memory_space<vmem_shared>>) dst(%dma_wait3A_26 : memref<640x8xf32, #tpu.memory_space<hbm>>)
          tpu.yield
        }) : () -> ()
      } else {
      }
      %eq3A_17 = arith.constant 15 : i32
      %eq3A_18 = arith.cmpi eq, %arg1, %eq3A_17 : i32
      %convert_element_type3A_19 = arith.extui %eq3A_18 : i1 to i32
      %cond3A_20 = arith.constant 0 : i32
      %cond3A_21 = arith.cmpi ne, %convert_element_type3A_19, %cond3A_20 : i32
      scf.if %cond3A_21 {
        "tpu.region"() ({
          %run_scoped3A = tpu.sem_alloc : memref<!tpu.dma_semaphore, #tpu.memory_space<semaphore_mem>>
          %dma_start3A = arith.constant 9600 : i32
          %dma_start3A_22 = arith.constant 0 : i32
          %dma_start3A_23 = tpu.memref_slice %arg5[%dma_start3A, %dma_start3A_22] : memref<10000x8xf32, #tpu.memory_space<hbm>> -> memref<400x8xf32, #tpu.memory_space<hbm>>
          %dma_start3A_24 = arith.constant 9600 : i32
          %dma_start3A_25 = arith.constant 0 : i32
          %dma_start3A_26 = tpu.memref_slice %arg6[%dma_start3A_24, %dma_start3A_25] : memref<10000x8xf32, #tpu.memory_space<vmem_shared>> -> memref<400x8xf32, #tpu.memory_space<vmem_shared>>
          tpu.enqueue_dma source(%dma_start3A_26 : memref<400x8xf32, #tpu.memory_space<vmem_shared>>) target(%dma_start3A_23 : memref<400x8xf32, #tpu.memory_space<hbm>>) target_semaphore(%run_scoped3A : memref<!tpu.dma_semaphore, #tpu.memory_space<semaphore_mem>>)
          %dma_wait3A = arith.constant 9600 : i32
          %dma_wait3A_27 = arith.constant 0 : i32
          %dma_wait3A_28 = tpu.memref_slice %arg5[%dma_wait3A, %dma_wait3A_27] : memref<10000x8xf32, #tpu.memory_space<hbm>> -> memref<400x8xf32, #tpu.memory_space<hbm>>
          %dma_wait3A_29 = arith.constant 9600 : i32
          %dma_wait3A_30 = arith.constant 0 : i32
          %dma_wait3A_31 = tpu.memref_slice %arg6[%dma_wait3A_29, %dma_wait3A_30] : memref<10000x8xf32, #tpu.memory_space<vmem_shared>> -> memref<400x8xf32, #tpu.memory_space<vmem_shared>>
          tpu.wait_dma2 semaphore(%run_scoped3A : memref<!tpu.dma_semaphore, #tpu.memory_space<semaphore_mem>>) src(%dma_wait3A_31 : memref<400x8xf32, #tpu.memory_space<vmem_shared>>) dst(%dma_wait3A_28 : memref<400x8xf32, #tpu.memory_space<hbm>>)
          tpu.yield
        }) : () -> ()
      } else {
      }
    } else {
    }
    return
  }
}

#map = affine_map<(d0, d1) -> (0, 0)>
#map1 = affine_map<(d0, d1) -> (0, 0, 0)>
module attributes {stable_mosaic.version = 14 : i64} {
  func.func @_k2_body(%arg0: i32, %arg1: i32, %arg2: memref<10000x8xf32, #tpu.memory_space<hbm>>, %arg3: memref<32x250x80xi32, #tpu.memory_space<hbm>>, %arg4: memref<640000x8xf32, #tpu.memory_space<hbm>>, %arg5: memref<250x80xi32, #tpu.memory_space<vmem>>, %arg6: memref<400x8xf32, #tpu.memory_space<vmem>>, %arg7: memref<!tpu.dma_semaphore, #tpu.memory_space<semaphore_mem>>) attributes {dimension_semantics = [#tpu.dimension_semantics<core_parallel>, #tpu.dimension_semantics<subcore_parallel>], iteration_bounds = array<i64: 2, 16>, scalar_prefetch = 0 : i64, scratch_operands = 3 : i64, tpu.core_type = #tpu.core_type<sc_vector_subcore>, window_params = [{transform_indices = #map}, {transform_indices = #map1}, {transform_indices = #map}]} {
    %mul3A = arith.constant 2 : i32
    %mul3A_0 = arith.muli %arg1, %mul3A : i32
    %add3A = arith.addi %mul3A_0, %arg0 : i32
    "tpu.region"() ({
      %run_scoped3A = tpu.sem_alloc : memref<!tpu.dma_semaphore, #tpu.memory_space<semaphore_mem>>
      %dma_start3A = arith.constant 0 : i32
      %dma_start3A_6 = arith.constant 0 : i32
      %dma_start3A_7 = tpu.memref_slice %arg3[%add3A, %dma_start3A, %dma_start3A_6] : memref<32x250x80xi32, #tpu.memory_space<hbm>> -> memref<1x250x80xi32, #tpu.memory_space<hbm>>
      %dma_start3A_8 = tpu.memref_squeeze %dma_start3A_7 : memref<1x250x80xi32, #tpu.memory_space<hbm>> -> memref<250x80xi32, #tpu.memory_space<hbm>>
      %dma_start3A_9 = arith.constant 0 : i32
      %dma_start3A_10 = arith.constant 0 : i32
      %dma_start3A_11 = tpu.memref_slice %arg3[%add3A, %dma_start3A_9, %dma_start3A_10] : memref<32x250x80xi32, #tpu.memory_space<hbm>> -> memref<1x250x80xi32, #tpu.memory_space<hbm>>
      %dma_start3A_12 = tpu.memref_squeeze %dma_start3A_11 : memref<1x250x80xi32, #tpu.memory_space<hbm>> -> memref<250x80xi32, #tpu.memory_space<hbm>>
      tpu.enqueue_dma source(%dma_start3A_12 : memref<250x80xi32, #tpu.memory_space<hbm>>) target(%arg5 : memref<250x80xi32, #tpu.memory_space<vmem>>) target_semaphore(%run_scoped3A : memref<!tpu.dma_semaphore, #tpu.memory_space<semaphore_mem>>)
      %dma_wait3A = arith.constant 0 : i32
      %dma_wait3A_13 = arith.constant 0 : i32
      %dma_wait3A_14 = tpu.memref_slice %arg3[%add3A, %dma_wait3A, %dma_wait3A_13] : memref<32x250x80xi32, #tpu.memory_space<hbm>> -> memref<1x250x80xi32, #tpu.memory_space<hbm>>
      %dma_wait3A_15 = tpu.memref_squeeze %dma_wait3A_14 : memref<1x250x80xi32, #tpu.memory_space<hbm>> -> memref<250x80xi32, #tpu.memory_space<hbm>>
      %dma_wait3A_16 = arith.constant 0 : i32
      %dma_wait3A_17 = arith.constant 0 : i32
      %dma_wait3A_18 = tpu.memref_slice %arg3[%add3A, %dma_wait3A_16, %dma_wait3A_17] : memref<32x250x80xi32, #tpu.memory_space<hbm>> -> memref<1x250x80xi32, #tpu.memory_space<hbm>>
      %dma_wait3A_19 = tpu.memref_squeeze %dma_wait3A_18 : memref<1x250x80xi32, #tpu.memory_space<hbm>> -> memref<250x80xi32, #tpu.memory_space<hbm>>
      tpu.wait_dma2 semaphore(%run_scoped3A : memref<!tpu.dma_semaphore, #tpu.memory_space<semaphore_mem>>) src(%dma_wait3A_19 : memref<250x80xi32, #tpu.memory_space<hbm>>) dst(%arg5 : memref<250x80xi32, #tpu.memory_space<vmem>>)
      tpu.yield
    }) : () -> ()
    %scan3A = arith.constant 0 : i32
    %scan3A_1 = arith.constant 0 : i32
    %scan3A_2 = arith.constant 50 : i32
    %scan3A_3 = arith.addi %scan3A_1, %scan3A_2 : i32
    %scan3A_4 = arith.constant 1 : i32
    scf.for %scan3A_6 = %scan3A_1 to %scan3A_3 step %scan3A_4  : i32 {
      %mul3A_7 = arith.constant 20000 : i32
      %mul3A_8 = arith.muli %add3A, %mul3A_7 : i32
      %mul3A_9 = arith.constant 400 : i32
      %mul3A_10 = arith.muli %scan3A_6, %mul3A_9 : i32
      %add3A_11 = arith.addi %mul3A_8, %mul3A_10 : i32
      %mul3A_12 = arith.constant 5 : i32
      %mul3A_13 = arith.muli %scan3A_6, %mul3A_12 : i32
      %add3A_14 = arith.constant 0 : i32
      %add3A_15 = arith.addi %mul3A_13, %add3A_14 : i32
      %dma_start3A = arith.constant 0 : i32
      %dma_start3A_16 = arith.constant 0 : i32
      %dma_start3A_17 = tpu.memref_slice %arg6[%dma_start3A, %dma_start3A_16] : memref<400x8xf32, #tpu.memory_space<vmem>> -> memref<80x8xf32, #tpu.memory_space<vmem>>
      %dma_start3A_18 = arith.constant 0 : i32
      %dma_start3A_19 = tpu.memref_slice %arg5[%add3A_15, %dma_start3A_18] : memref<250x80xi32, #tpu.memory_space<vmem>> -> memref<1x80xi32, #tpu.memory_space<vmem>>
      %dma_start3A_20 = tpu.memref_squeeze %dma_start3A_19 : memref<1x80xi32, #tpu.memory_space<vmem>> -> memref<80xi32, #tpu.memory_space<vmem>>
      %dma_start3A_21 = arith.constant 0 : i32
      %dma_start3A_22 = arith.constant 0 : i32
      %dma_start3A_23 = tpu.memref_slice %arg2[%dma_start3A_21, %dma_start3A_22] : memref<10000x8xf32, #tpu.memory_space<hbm>> -> memref<10000x8xf32, #tpu.memory_space<hbm>>
      tpu.enqueue_indirect_dma source(%dma_start3A_23 : memref<10000x8xf32, #tpu.memory_space<hbm>>) target(%dma_start3A_17 : memref<80x8xf32, #tpu.memory_space<vmem>>) offsets(%dma_start3A_20 : memref<80xi32, #tpu.memory_space<vmem>>) semaphore(%arg7 : memref<!tpu.dma_semaphore, #tpu.memory_space<semaphore_mem>>)
      %mul3A_24 = arith.constant 5 : i32
      %mul3A_25 = arith.muli %scan3A_6, %mul3A_24 : i32
      %add3A_26 = arith.constant 1 : i32
      %add3A_27 = arith.addi %mul3A_25, %add3A_26 : i32
      %dma_start3A_28 = arith.constant 80 : i32
      %dma_start3A_29 = arith.constant 0 : i32
      %dma_start3A_30 = tpu.memref_slice %arg6[%dma_start3A_28, %dma_start3A_29] : memref<400x8xf32, #tpu.memory_space<vmem>> -> memref<80x8xf32, #tpu.memory_space<vmem>>
      %dma_start3A_31 = arith.constant 0 : i32
      %dma_start3A_32 = tpu.memref_slice %arg5[%add3A_27, %dma_start3A_31] : memref<250x80xi32, #tpu.memory_space<vmem>> -> memref<1x80xi32, #tpu.memory_space<vmem>>
      %dma_start3A_33 = tpu.memref_squeeze %dma_start3A_32 : memref<1x80xi32, #tpu.memory_space<vmem>> -> memref<80xi32, #tpu.memory_space<vmem>>
      %dma_start3A_34 = arith.constant 0 : i32
      %dma_start3A_35 = arith.constant 0 : i32
      %dma_start3A_36 = tpu.memref_slice %arg2[%dma_start3A_34, %dma_start3A_35] : memref<10000x8xf32, #tpu.memory_space<hbm>> -> memref<10000x8xf32, #tpu.memory_space<hbm>>
      tpu.enqueue_indirect_dma source(%dma_start3A_36 : memref<10000x8xf32, #tpu.memory_space<hbm>>) target(%dma_start3A_30 : memref<80x8xf32, #tpu.memory_space<vmem>>) offsets(%dma_start3A_33 : memref<80xi32, #tpu.memory_space<vmem>>) semaphore(%arg7 : memref<!tpu.dma_semaphore, #tpu.memory_space<semaphore_mem>>)
      %mul3A_37 = arith.constant 5 : i32
      %mul3A_38 = arith.muli %scan3A_6, %mul3A_37 : i32
      %add3A_39 = arith.constant 2 : i32
      %add3A_40 = arith.addi %mul3A_38, %add3A_39 : i32
      %dma_start3A_41 = arith.constant 160 : i32
      %dma_start3A_42 = arith.constant 0 : i32
      %dma_start3A_43 = tpu.memref_slice %arg6[%dma_start3A_41, %dma_start3A_42] : memref<400x8xf32, #tpu.memory_space<vmem>> -> memref<80x8xf32, #tpu.memory_space<vmem>>
      %dma_start3A_44 = arith.constant 0 : i32
      %dma_start3A_45 = tpu.memref_slice %arg5[%add3A_40, %dma_start3A_44] : memref<250x80xi32, #tpu.memory_space<vmem>> -> memref<1x80xi32, #tpu.memory_space<vmem>>
      %dma_start3A_46 = tpu.memref_squeeze %dma_start3A_45 : memref<1x80xi32, #tpu.memory_space<vmem>> -> memref<80xi32, #tpu.memory_space<vmem>>
      %dma_start3A_47 = arith.constant 0 : i32
      %dma_start3A_48 = arith.constant 0 : i32
      %dma_start3A_49 = tpu.memref_slice %arg2[%dma_start3A_47, %dma_start3A_48] : memref<10000x8xf32, #tpu.memory_space<hbm>> -> memref<10000x8xf32, #tpu.memory_space<hbm>>
      tpu.enqueue_indirect_dma source(%dma_start3A_49 : memref<10000x8xf32, #tpu.memory_space<hbm>>) target(%dma_start3A_43 : memref<80x8xf32, #tpu.memory_space<vmem>>) offsets(%dma_start3A_46 : memref<80xi32, #tpu.memory_space<vmem>>) semaphore(%arg7 : memref<!tpu.dma_semaphore, #tpu.memory_space<semaphore_mem>>)
      %mul3A_50 = arith.constant 5 : i32
      %mul3A_51 = arith.muli %scan3A_6, %mul3A_50 : i32
      %add3A_52 = arith.constant 3 : i32
      %add3A_53 = arith.addi %mul3A_51, %add3A_52 : i32
      %dma_start3A_54 = arith.constant 240 : i32
      %dma_start3A_55 = arith.constant 0 : i32
      %dma_start3A_56 = tpu.memref_slice %arg6[%dma_start3A_54, %dma_start3A_55] : memref<400x8xf32, #tpu.memory_space<vmem>> -> memref<80x8xf32, #tpu.memory_space<vmem>>
      %dma_start3A_57 = arith.constant 0 : i32
      %dma_start3A_58 = tpu.memref_slice %arg5[%add3A_53, %dma_start3A_57] : memref<250x80xi32, #tpu.memory_space<vmem>> -> memref<1x80xi32, #tpu.memory_space<vmem>>
      %dma_start3A_59 = tpu.memref_squeeze %dma_start3A_58 : memref<1x80xi32, #tpu.memory_space<vmem>> -> memref<80xi32, #tpu.memory_space<vmem>>
      %dma_start3A_60 = arith.constant 0 : i32
      %dma_start3A_61 = arith.constant 0 : i32
      %dma_start3A_62 = tpu.memref_slice %arg2[%dma_start3A_60, %dma_start3A_61] : memref<10000x8xf32, #tpu.memory_space<hbm>> -> memref<10000x8xf32, #tpu.memory_space<hbm>>
      tpu.enqueue_indirect_dma source(%dma_start3A_62 : memref<10000x8xf32, #tpu.memory_space<hbm>>) target(%dma_start3A_56 : memref<80x8xf32, #tpu.memory_space<vmem>>) offsets(%dma_start3A_59 : memref<80xi32, #tpu.memory_space<vmem>>) semaphore(%arg7 : memref<!tpu.dma_semaphore, #tpu.memory_space<semaphore_mem>>)
      %mul3A_63 = arith.constant 5 : i32
      %mul3A_64 = arith.muli %scan3A_6, %mul3A_63 : i32
      %add3A_65 = arith.constant 4 : i32
      %add3A_66 = arith.addi %mul3A_64, %add3A_65 : i32
      %dma_start3A_67 = arith.constant 320 : i32
      %dma_start3A_68 = arith.constant 0 : i32
      %dma_start3A_69 = tpu.memref_slice %arg6[%dma_start3A_67, %dma_start3A_68] : memref<400x8xf32, #tpu.memory_space<vmem>> -> memref<80x8xf32, #tpu.memory_space<vmem>>
      %dma_start3A_70 = arith.constant 0 : i32
      %dma_start3A_71 = tpu.memref_slice %arg5[%add3A_66, %dma_start3A_70] : memref<250x80xi32, #tpu.memory_space<vmem>> -> memref<1x80xi32, #tpu.memory_space<vmem>>
      %dma_start3A_72 = tpu.memref_squeeze %dma_start3A_71 : memref<1x80xi32, #tpu.memory_space<vmem>> -> memref<80xi32, #tpu.memory_space<vmem>>
      %dma_start3A_73 = arith.constant 0 : i32
      %dma_start3A_74 = arith.constant 0 : i32
      %dma_start3A_75 = tpu.memref_slice %arg2[%dma_start3A_73, %dma_start3A_74] : memref<10000x8xf32, #tpu.memory_space<hbm>> -> memref<10000x8xf32, #tpu.memory_space<hbm>>
      tpu.enqueue_indirect_dma source(%dma_start3A_75 : memref<10000x8xf32, #tpu.memory_space<hbm>>) target(%dma_start3A_69 : memref<80x8xf32, #tpu.memory_space<vmem>>) offsets(%dma_start3A_72 : memref<80xi32, #tpu.memory_space<vmem>>) semaphore(%arg7 : memref<!tpu.dma_semaphore, #tpu.memory_space<semaphore_mem>>)
      %dma_wait3A = arith.constant 0 : i32
      %dma_wait3A_76 = arith.constant 0 : i32
      %dma_wait3A_77 = tpu.memref_slice %arg6[%dma_wait3A, %dma_wait3A_76] : memref<400x8xf32, #tpu.memory_space<vmem>> -> memref<80x8xf32, #tpu.memory_space<vmem>>
      %dma_wait3A_78 = arith.constant 0 : i32
      %dma_wait3A_79 = tpu.memref_slice %arg5[%add3A_15, %dma_wait3A_78] : memref<250x80xi32, #tpu.memory_space<vmem>> -> memref<1x80xi32, #tpu.memory_space<vmem>>
      %dma_wait3A_80 = tpu.memref_squeeze %dma_wait3A_79 : memref<1x80xi32, #tpu.memory_space<vmem>> -> memref<80xi32, #tpu.memory_space<vmem>>
      %dma_wait3A_81 = arith.constant 0 : i32
      %dma_wait3A_82 = arith.constant 0 : i32
      %dma_wait3A_83 = tpu.memref_slice %arg2[%dma_wait3A_81, %dma_wait3A_82] : memref<10000x8xf32, #tpu.memory_space<hbm>> -> memref<10000x8xf32, #tpu.memory_space<hbm>>
      tpu.wait_indirect_dma semaphore(%arg7 : memref<!tpu.dma_semaphore, #tpu.memory_space<semaphore_mem>>) src(%dma_wait3A_83 : memref<10000x8xf32, #tpu.memory_space<hbm>>) dst(%dma_wait3A_77 : memref<80x8xf32, #tpu.memory_space<vmem>>)
      %dma_wait3A_84 = arith.constant 80 : i32
      %dma_wait3A_85 = arith.constant 0 : i32
      %dma_wait3A_86 = tpu.memref_slice %arg6[%dma_wait3A_84, %dma_wait3A_85] : memref<400x8xf32, #tpu.memory_space<vmem>> -> memref<80x8xf32, #tpu.memory_space<vmem>>
      %dma_wait3A_87 = arith.constant 0 : i32
      %dma_wait3A_88 = tpu.memref_slice %arg5[%add3A_27, %dma_wait3A_87] : memref<250x80xi32, #tpu.memory_space<vmem>> -> memref<1x80xi32, #tpu.memory_space<vmem>>
      %dma_wait3A_89 = tpu.memref_squeeze %dma_wait3A_88 : memref<1x80xi32, #tpu.memory_space<vmem>> -> memref<80xi32, #tpu.memory_space<vmem>>
      %dma_wait3A_90 = arith.constant 0 : i32
      %dma_wait3A_91 = arith.constant 0 : i32
      %dma_wait3A_92 = tpu.memref_slice %arg2[%dma_wait3A_90, %dma_wait3A_91] : memref<10000x8xf32, #tpu.memory_space<hbm>> -> memref<10000x8xf32, #tpu.memory_space<hbm>>
      tpu.wait_indirect_dma semaphore(%arg7 : memref<!tpu.dma_semaphore, #tpu.memory_space<semaphore_mem>>) src(%dma_wait3A_92 : memref<10000x8xf32, #tpu.memory_space<hbm>>) dst(%dma_wait3A_86 : memref<80x8xf32, #tpu.memory_space<vmem>>)
      %dma_wait3A_93 = arith.constant 160 : i32
      %dma_wait3A_94 = arith.constant 0 : i32
      %dma_wait3A_95 = tpu.memref_slice %arg6[%dma_wait3A_93, %dma_wait3A_94] : memref<400x8xf32, #tpu.memory_space<vmem>> -> memref<80x8xf32, #tpu.memory_space<vmem>>
      %dma_wait3A_96 = arith.constant 0 : i32
      %dma_wait3A_97 = tpu.memref_slice %arg5[%add3A_40, %dma_wait3A_96] : memref<250x80xi32, #tpu.memory_space<vmem>> -> memref<1x80xi32, #tpu.memory_space<vmem>>
      %dma_wait3A_98 = tpu.memref_squeeze %dma_wait3A_97 : memref<1x80xi32, #tpu.memory_space<vmem>> -> memref<80xi32, #tpu.memory_space<vmem>>
      %dma_wait3A_99 = arith.constant 0 : i32
      %dma_wait3A_100 = arith.constant 0 : i32
      %dma_wait3A_101 = tpu.memref_slice %arg2[%dma_wait3A_99, %dma_wait3A_100] : memref<10000x8xf32, #tpu.memory_space<hbm>> -> memref<10000x8xf32, #tpu.memory_space<hbm>>
      tpu.wait_indirect_dma semaphore(%arg7 : memref<!tpu.dma_semaphore, #tpu.memory_space<semaphore_mem>>) src(%dma_wait3A_101 : memref<10000x8xf32, #tpu.memory_space<hbm>>) dst(%dma_wait3A_95 : memref<80x8xf32, #tpu.memory_space<vmem>>)
      %dma_wait3A_102 = arith.constant 240 : i32
      %dma_wait3A_103 = arith.constant 0 : i32
      %dma_wait3A_104 = tpu.memref_slice %arg6[%dma_wait3A_102, %dma_wait3A_103] : memref<400x8xf32, #tpu.memory_space<vmem>> -> memref<80x8xf32, #tpu.memory_space<vmem>>
      %dma_wait3A_105 = arith.constant 0 : i32
      %dma_wait3A_106 = tpu.memref_slice %arg5[%add3A_53, %dma_wait3A_105] : memref<250x80xi32, #tpu.memory_space<vmem>> -> memref<1x80xi32, #tpu.memory_space<vmem>>
      %dma_wait3A_107 = tpu.memref_squeeze %dma_wait3A_106 : memref<1x80xi32, #tpu.memory_space<vmem>> -> memref<80xi32, #tpu.memory_space<vmem>>
      %dma_wait3A_108 = arith.constant 0 : i32
      %dma_wait3A_109 = arith.constant 0 : i32
      %dma_wait3A_110 = tpu.memref_slice %arg2[%dma_wait3A_108, %dma_wait3A_109] : memref<10000x8xf32, #tpu.memory_space<hbm>> -> memref<10000x8xf32, #tpu.memory_space<hbm>>
      tpu.wait_indirect_dma semaphore(%arg7 : memref<!tpu.dma_semaphore, #tpu.memory_space<semaphore_mem>>) src(%dma_wait3A_110 : memref<10000x8xf32, #tpu.memory_space<hbm>>) dst(%dma_wait3A_104 : memref<80x8xf32, #tpu.memory_space<vmem>>)
      %dma_wait3A_111 = arith.constant 320 : i32
      %dma_wait3A_112 = arith.constant 0 : i32
      %dma_wait3A_113 = tpu.memref_slice %arg6[%dma_wait3A_111, %dma_wait3A_112] : memref<400x8xf32, #tpu.memory_space<vmem>> -> memref<80x8xf32, #tpu.memory_space<vmem>>
      %dma_wait3A_114 = arith.constant 0 : i32
      %dma_wait3A_115 = tpu.memref_slice %arg5[%add3A_66, %dma_wait3A_114] : memref<250x80xi32, #tpu.memory_space<vmem>> -> memref<1x80xi32, #tpu.memory_space<vmem>>
      %dma_wait3A_116 = tpu.memref_squeeze %dma_wait3A_115 : memref<1x80xi32, #tpu.memory_space<vmem>> -> memref<80xi32, #tpu.memory_space<vmem>>
      %dma_wait3A_117 = arith.constant 0 : i32
      %dma_wait3A_118 = arith.constant 0 : i32
      %dma_wait3A_119 = tpu.memref_slice %arg2[%dma_wait3A_117, %dma_wait3A_118] : memref<10000x8xf32, #tpu.memory_space<hbm>> -> memref<10000x8xf32, #tpu.memory_space<hbm>>
      tpu.wait_indirect_dma semaphore(%arg7 : memref<!tpu.dma_semaphore, #tpu.memory_space<semaphore_mem>>) src(%dma_wait3A_119 : memref<10000x8xf32, #tpu.memory_space<hbm>>) dst(%dma_wait3A_113 : memref<80x8xf32, #tpu.memory_space<vmem>>)
      "tpu.region"() ({
        %run_scoped3A = tpu.sem_alloc : memref<!tpu.dma_semaphore, #tpu.memory_space<semaphore_mem>>
        %dma_start3A_120 = arith.constant 0 : i32
        %dma_start3A_121 = tpu.memref_slice %arg4[%add3A_11, %dma_start3A_120] : memref<640000x8xf32, #tpu.memory_space<hbm>> -> memref<400x8xf32, #tpu.memory_space<hbm>>
        %dma_start3A_122 = arith.constant 0 : i32
        %dma_start3A_123 = tpu.memref_slice %arg4[%add3A_11, %dma_start3A_122] : memref<640000x8xf32, #tpu.memory_space<hbm>> -> memref<400x8xf32, #tpu.memory_space<hbm>>
        tpu.enqueue_dma source(%arg6 : memref<400x8xf32, #tpu.memory_space<vmem>>) target(%dma_start3A_123 : memref<400x8xf32, #tpu.memory_space<hbm>>) target_semaphore(%run_scoped3A : memref<!tpu.dma_semaphore, #tpu.memory_space<semaphore_mem>>)
        %dma_wait3A_124 = arith.constant 0 : i32
        %dma_wait3A_125 = tpu.memref_slice %arg4[%add3A_11, %dma_wait3A_124] : memref<640000x8xf32, #tpu.memory_space<hbm>> -> memref<400x8xf32, #tpu.memory_space<hbm>>
        %dma_wait3A_126 = arith.constant 0 : i32
        %dma_wait3A_127 = tpu.memref_slice %arg4[%add3A_11, %dma_wait3A_126] : memref<640000x8xf32, #tpu.memory_space<hbm>> -> memref<400x8xf32, #tpu.memory_space<hbm>>
        tpu.wait_dma2 semaphore(%run_scoped3A : memref<!tpu.dma_semaphore, #tpu.memory_space<semaphore_mem>>) src(%arg6 : memref<400x8xf32, #tpu.memory_space<vmem>>) dst(%dma_wait3A_127 : memref<400x8xf32, #tpu.memory_space<hbm>>)
        tpu.yield
      }) : () -> ()
    }
    %scan3A_5 = arith.constant 50 : i32
    return
  }
}

#map = affine_map<(d0, d1) -> (0, 0)>
#map1 = affine_map<(d0, d1) -> (0, 0, 0)>
module attributes {stable_mosaic.version = 14 : i64} {
  func.func @_k4_body(%arg0: i32, %arg1: i32, %arg2: memref<640000x128xf32, #tpu.memory_space<hbm>>, %arg3: memref<32x250x80xi32, #tpu.memory_space<hbm>>, %arg4: memref<10000x128xf32, #tpu.memory_space<hbm>>, %arg5: memref<20000x128xf32, #tpu.memory_space<hbm>>, %arg6: memref<10000x128xf32, #tpu.memory_space<vmem_shared>>, %arg7: memref<250x80xi32, #tpu.memory_space<vmem>>, %arg8: memref<80x128xf32, #tpu.memory_space<vmem>>, %arg9: memref<80x128xf32, #tpu.memory_space<vmem>>, %arg10: memref<!tpu.dma_semaphore, #tpu.memory_space<semaphore_mem>>, %arg11: memref<!tpu.dma_semaphore, #tpu.memory_space<semaphore_mem>>, %arg12: memref<!tpu.dma_semaphore, #tpu.memory_space<semaphore_mem>>) attributes {dimension_semantics = [#tpu.dimension_semantics<core_parallel>, #tpu.dimension_semantics<subcore_parallel>], iteration_bounds = array<i64: 2, 16>, scalar_prefetch = 0 : i64, scratch_operands = 7 : i64, tpu.core_type = #tpu.core_type<sc_vector_subcore>, window_params = [{transform_indices = #map}, {transform_indices = #map1}, {transform_indices = #map}, {transform_indices = #map}]} {
    %mul3A = arith.constant 2 : i32
    %mul3A_0 = arith.muli %arg1, %mul3A : i32
    %add3A = arith.addi %mul3A_0, %arg0 : i32
    %lt3A = arith.constant 15 : i32
    %lt3A_1 = arith.cmpi slt, %arg1, %lt3A : i32
    %convert_element_type3A = arith.extui %lt3A_1 : i1 to i32
    %cond3A = arith.constant 0 : i32
    %cond3A_2 = arith.cmpi ne, %convert_element_type3A, %cond3A : i32
    scf.if %cond3A_2 {
      %mul3A_32 = arith.constant 640 : i32
      %mul3A_33 = arith.muli %arg1, %mul3A_32 : i32
      %multiple_of3A_34 = tpu.assume_multiple %mul3A_33, 8 : i32
      "tpu.region"() ({
        %run_scoped3A = tpu.sem_alloc : memref<!tpu.dma_semaphore, #tpu.memory_space<semaphore_mem>>
        %dma_start3A_35 = arith.constant 0 : i32
        %dma_start3A_36 = tpu.memref_slice %arg6[%multiple_of3A_34, %dma_start3A_35] : memref<10000x128xf32, #tpu.memory_space<vmem_shared>> -> memref<640x128xf32, #tpu.memory_space<vmem_shared>>
        %dma_start3A_37 = arith.constant 0 : i32
        %dma_start3A_38 = tpu.memref_slice %arg4[%multiple_of3A_34, %dma_start3A_37] : memref<10000x128xf32, #tpu.memory_space<hbm>> -> memref<640x128xf32, #tpu.memory_space<hbm>>
        tpu.enqueue_dma source(%dma_start3A_38 : memref<640x128xf32, #tpu.memory_space<hbm>>) target(%dma_start3A_36 : memref<640x128xf32, #tpu.memory_space<vmem_shared>>) target_semaphore(%run_scoped3A : memref<!tpu.dma_semaphore, #tpu.memory_space<semaphore_mem>>)
        %dma_wait3A = arith.constant 0 : i32
        %dma_wait3A_39 = tpu.memref_slice %arg6[%multiple_of3A_34, %dma_wait3A] : memref<10000x128xf32, #tpu.memory_space<vmem_shared>> -> memref<640x128xf32, #tpu.memory_space<vmem_shared>>
        %dma_wait3A_40 = arith.constant 0 : i32
        %dma_wait3A_41 = tpu.memref_slice %arg4[%multiple_of3A_34, %dma_wait3A_40] : memref<10000x128xf32, #tpu.memory_space<hbm>> -> memref<640x128xf32, #tpu.memory_space<hbm>>
        tpu.wait_dma2 semaphore(%run_scoped3A : memref<!tpu.dma_semaphore, #tpu.memory_space<semaphore_mem>>) src(%dma_wait3A_41 : memref<640x128xf32, #tpu.memory_space<hbm>>) dst(%dma_wait3A_39 : memref<640x128xf32, #tpu.memory_space<vmem_shared>>)
        tpu.yield
      }) : () -> ()
    } else {
    }
    %eq3A = arith.constant 15 : i32
    %eq3A_3 = arith.cmpi eq, %arg1, %eq3A : i32
    %convert_element_type3A_4 = arith.extui %eq3A_3 : i1 to i32
    %cond3A_5 = arith.constant 0 : i32
    %cond3A_6 = arith.cmpi ne, %convert_element_type3A_4, %cond3A_5 : i32
    scf.if %cond3A_6 {
      "tpu.region"() ({
        %run_scoped3A = tpu.sem_alloc : memref<!tpu.dma_semaphore, #tpu.memory_space<semaphore_mem>>
        %dma_start3A_32 = arith.constant 9600 : i32
        %dma_start3A_33 = arith.constant 0 : i32
        %dma_start3A_34 = tpu.memref_slice %arg6[%dma_start3A_32, %dma_start3A_33] : memref<10000x128xf32, #tpu.memory_space<vmem_shared>> -> memref<400x128xf32, #tpu.memory_space<vmem_shared>>
        %dma_start3A_35 = arith.constant 9600 : i32
        %dma_start3A_36 = arith.constant 0 : i32
        %dma_start3A_37 = tpu.memref_slice %arg4[%dma_start3A_35, %dma_start3A_36] : memref<10000x128xf32, #tpu.memory_space<hbm>> -> memref<400x128xf32, #tpu.memory_space<hbm>>
        tpu.enqueue_dma source(%dma_start3A_37 : memref<400x128xf32, #tpu.memory_space<hbm>>) target(%dma_start3A_34 : memref<400x128xf32, #tpu.memory_space<vmem_shared>>) target_semaphore(%run_scoped3A : memref<!tpu.dma_semaphore, #tpu.memory_space<semaphore_mem>>)
        %dma_wait3A = arith.constant 9600 : i32
        %dma_wait3A_38 = arith.constant 0 : i32
        %dma_wait3A_39 = tpu.memref_slice %arg6[%dma_wait3A, %dma_wait3A_38] : memref<10000x128xf32, #tpu.memory_space<vmem_shared>> -> memref<400x128xf32, #tpu.memory_space<vmem_shared>>
        %dma_wait3A_40 = arith.constant 9600 : i32
        %dma_wait3A_41 = arith.constant 0 : i32
        %dma_wait3A_42 = tpu.memref_slice %arg4[%dma_wait3A_40, %dma_wait3A_41] : memref<10000x128xf32, #tpu.memory_space<hbm>> -> memref<400x128xf32, #tpu.memory_space<hbm>>
        tpu.wait_dma2 semaphore(%run_scoped3A : memref<!tpu.dma_semaphore, #tpu.memory_space<semaphore_mem>>) src(%dma_wait3A_42 : memref<400x128xf32, #tpu.memory_space<hbm>>) dst(%dma_wait3A_39 : memref<400x128xf32, #tpu.memory_space<vmem_shared>>)
        tpu.yield
      }) : () -> ()
    } else {
    }
    %barrier3A = arith.constant 0 : index
    tpu.barrier barrier_id(%barrier3A)
    "tpu.region"() ({
      %run_scoped3A = tpu.sem_alloc : memref<!tpu.dma_semaphore, #tpu.memory_space<semaphore_mem>>
      %dma_start3A_32 = arith.constant 0 : i32
      %dma_start3A_33 = arith.constant 0 : i32
      %dma_start3A_34 = tpu.memref_slice %arg3[%add3A, %dma_start3A_32, %dma_start3A_33] : memref<32x250x80xi32, #tpu.memory_space<hbm>> -> memref<1x250x80xi32, #tpu.memory_space<hbm>>
      %dma_start3A_35 = tpu.memref_squeeze %dma_start3A_34 : memref<1x250x80xi32, #tpu.memory_space<hbm>> -> memref<250x80xi32, #tpu.memory_space<hbm>>
      %dma_start3A_36 = arith.constant 0 : i32
      %dma_start3A_37 = arith.constant 0 : i32
      %dma_start3A_38 = tpu.memref_slice %arg3[%add3A, %dma_start3A_36, %dma_start3A_37] : memref<32x250x80xi32, #tpu.memory_space<hbm>> -> memref<1x250x80xi32, #tpu.memory_space<hbm>>
      %dma_start3A_39 = tpu.memref_squeeze %dma_start3A_38 : memref<1x250x80xi32, #tpu.memory_space<hbm>> -> memref<250x80xi32, #tpu.memory_space<hbm>>
      tpu.enqueue_dma source(%dma_start3A_39 : memref<250x80xi32, #tpu.memory_space<hbm>>) target(%arg7 : memref<250x80xi32, #tpu.memory_space<vmem>>) target_semaphore(%run_scoped3A : memref<!tpu.dma_semaphore, #tpu.memory_space<semaphore_mem>>)
      %dma_wait3A = arith.constant 0 : i32
      %dma_wait3A_40 = arith.constant 0 : i32
      %dma_wait3A_41 = tpu.memref_slice %arg3[%add3A, %dma_wait3A, %dma_wait3A_40] : memref<32x250x80xi32, #tpu.memory_space<hbm>> -> memref<1x250x80xi32, #tpu.memory_space<hbm>>
      %dma_wait3A_42 = tpu.memref_squeeze %dma_wait3A_41 : memref<1x250x80xi32, #tpu.memory_space<hbm>> -> memref<250x80xi32, #tpu.memory_space<hbm>>
      %dma_wait3A_43 = arith.constant 0 : i32
      %dma_wait3A_44 = arith.constant 0 : i32
      %dma_wait3A_45 = tpu.memref_slice %arg3[%add3A, %dma_wait3A_43, %dma_wait3A_44] : memref<32x250x80xi32, #tpu.memory_space<hbm>> -> memref<1x250x80xi32, #tpu.memory_space<hbm>>
      %dma_wait3A_46 = tpu.memref_squeeze %dma_wait3A_45 : memref<1x250x80xi32, #tpu.memory_space<hbm>> -> memref<250x80xi32, #tpu.memory_space<hbm>>
      tpu.wait_dma2 semaphore(%run_scoped3A : memref<!tpu.dma_semaphore, #tpu.memory_space<semaphore_mem>>) src(%dma_wait3A_46 : memref<250x80xi32, #tpu.memory_space<hbm>>) dst(%arg7 : memref<250x80xi32, #tpu.memory_space<vmem>>)
      tpu.yield
    }) : () -> ()
    %mul3A_7 = arith.constant 20000 : i32
    %mul3A_8 = arith.muli %add3A, %mul3A_7 : i32
    %add3A_9 = arith.constant 0 : i32
    %add3A_10 = arith.addi %mul3A_8, %add3A_9 : i32
    %dma_start3A = arith.constant 0 : i32
    %dma_start3A_11 = tpu.memref_slice %arg2[%add3A_10, %dma_start3A] : memref<640000x128xf32, #tpu.memory_space<hbm>> -> memref<80x128xf32, #tpu.memory_space<hbm>>
    %dma_start3A_12 = arith.constant 0 : i32
    %dma_start3A_13 = tpu.memref_slice %arg2[%add3A_10, %dma_start3A_12] : memref<640000x128xf32, #tpu.memory_space<hbm>> -> memref<80x128xf32, #tpu.memory_space<hbm>>
    tpu.enqueue_dma source(%dma_start3A_13 : memref<80x128xf32, #tpu.memory_space<hbm>>) target(%arg8 : memref<80x128xf32, #tpu.memory_space<vmem>>) target_semaphore(%arg10 : memref<!tpu.dma_semaphore, #tpu.memory_space<semaphore_mem>>)
    %scan3A = arith.constant 0 : i32
    %scan3A_14 = arith.constant 0 : i32
    %scan3A_15 = arith.constant 125 : i32
    %scan3A_16 = arith.addi %scan3A_14, %scan3A_15 : i32
    %scan3A_17 = arith.constant 1 : i32
    scf.for %scan3A_32 = %scan3A_14 to %scan3A_16 step %scan3A_17  : i32 {
      %mul3A_33 = arith.constant 2 : i32
      %mul3A_34 = arith.muli %mul3A_33, %scan3A_32 : i32
      %add3A_35 = arith.constant 1 : i32
      %add3A_36 = arith.addi %mul3A_34, %add3A_35 : i32
      %mul3A_37 = arith.constant 80 : i32
      %mul3A_38 = arith.muli %add3A_36, %mul3A_37 : i32
      %add3A_39 = arith.addi %mul3A_8, %mul3A_38 : i32
      %dma_start3A_40 = arith.constant 0 : i32
      %dma_start3A_41 = tpu.memref_slice %arg2[%add3A_39, %dma_start3A_40] : memref<640000x128xf32, #tpu.memory_space<hbm>> -> memref<80x128xf32, #tpu.memory_space<hbm>>
      %dma_start3A_42 = arith.constant 0 : i32
      %dma_start3A_43 = tpu.memref_slice %arg2[%add3A_39, %dma_start3A_42] : memref<640000x128xf32, #tpu.memory_space<hbm>> -> memref<80x128xf32, #tpu.memory_space<hbm>>
      tpu.enqueue_dma source(%dma_start3A_43 : memref<80x128xf32, #tpu.memory_space<hbm>>) target(%arg9 : memref<80x128xf32, #tpu.memory_space<vmem>>) target_semaphore(%arg11 : memref<!tpu.dma_semaphore, #tpu.memory_space<semaphore_mem>>)
      %mul3A_44 = arith.constant 2 : i32
      %mul3A_45 = arith.muli %mul3A_44, %scan3A_32 : i32
      %mul3A_46 = arith.constant 80 : i32
      %mul3A_47 = arith.muli %mul3A_45, %mul3A_46 : i32
      %add3A_48 = arith.addi %mul3A_8, %mul3A_47 : i32
      %dma_wait3A = arith.constant 0 : i32
      %dma_wait3A_49 = tpu.memref_slice %arg2[%add3A_48, %dma_wait3A] : memref<640000x128xf32, #tpu.memory_space<hbm>> -> memref<80x128xf32, #tpu.memory_space<hbm>>
      %dma_wait3A_50 = arith.constant 0 : i32
      %dma_wait3A_51 = tpu.memref_slice %arg2[%add3A_48, %dma_wait3A_50] : memref<640000x128xf32, #tpu.memory_space<hbm>> -> memref<80x128xf32, #tpu.memory_space<hbm>>
      tpu.wait_dma2 semaphore(%arg10 : memref<!tpu.dma_semaphore, #tpu.memory_space<semaphore_mem>>) src(%dma_wait3A_51 : memref<80x128xf32, #tpu.memory_space<hbm>>) dst(%arg8 : memref<80x128xf32, #tpu.memory_space<vmem>>)
      %mul3A_52 = arith.constant 2 : i32
      %mul3A_53 = arith.muli %mul3A_52, %scan3A_32 : i32
      %dma_start3A_54 = arith.constant 0 : i32
      %dma_start3A_55 = tpu.memref_slice %arg7[%mul3A_53, %dma_start3A_54] : memref<250x80xi32, #tpu.memory_space<vmem>> -> memref<1x80xi32, #tpu.memory_space<vmem>>
      %dma_start3A_56 = tpu.memref_squeeze %dma_start3A_55 : memref<1x80xi32, #tpu.memory_space<vmem>> -> memref<80xi32, #tpu.memory_space<vmem>>
      %dma_start3A_57 = arith.constant 0 : i32
      %dma_start3A_58 = arith.constant 0 : i32
      %dma_start3A_59 = tpu.memref_slice %arg6[%dma_start3A_57, %dma_start3A_58] : memref<10000x128xf32, #tpu.memory_space<vmem_shared>> -> memref<10000x128xf32, #tpu.memory_space<vmem_shared>>
      tpu.enqueue_indirect_dma source(%arg8 : memref<80x128xf32, #tpu.memory_space<vmem>>) target(%dma_start3A_59 : memref<10000x128xf32, #tpu.memory_space<vmem_shared>>) offsets(%dma_start3A_56 : memref<80xi32, #tpu.memory_space<vmem>>) semaphore(%arg12 : memref<!tpu.dma_semaphore, #tpu.memory_space<semaphore_mem>>) {add = true}
      %dma_wait3A_60 = arith.constant 0 : i32
      %dma_wait3A_61 = tpu.memref_slice %arg7[%mul3A_53, %dma_wait3A_60] : memref<250x80xi32, #tpu.memory_space<vmem>> -> memref<1x80xi32, #tpu.memory_space<vmem>>
      %dma_wait3A_62 = tpu.memref_squeeze %dma_wait3A_61 : memref<1x80xi32, #tpu.memory_space<vmem>> -> memref<80xi32, #tpu.memory_space<vmem>>
      %dma_wait3A_63 = arith.constant 0 : i32
      %dma_wait3A_64 = arith.constant 0 : i32
      %dma_wait3A_65 = tpu.memref_slice %arg6[%dma_wait3A_63, %dma_wait3A_64] : memref<10000x128xf32, #tpu.memory_space<vmem_shared>> -> memref<10000x128xf32, #tpu.memory_space<vmem_shared>>
      tpu.wait_indirect_dma semaphore(%arg12 : memref<!tpu.dma_semaphore, #tpu.memory_space<semaphore_mem>>) src(%arg8 : memref<80x128xf32, #tpu.memory_space<vmem>>) dst(%dma_wait3A_65 : memref<10000x128xf32, #tpu.memory_space<vmem_shared>>)
      %lt3A_66 = arith.constant 124 : i32
      %lt3A_67 = arith.cmpi slt, %scan3A_32, %lt3A_66 : i32
      %convert_element_type3A_68 = arith.extui %lt3A_67 : i1 to i32
      %cond3A_69 = arith.constant 0 : i32
      %cond3A_70 = arith.cmpi ne, %convert_element_type3A_68, %cond3A_69 : i32
      scf.if %cond3A_70 {
        %mul3A_98 = arith.constant 2 : i32
        %mul3A_99 = arith.muli %mul3A_98, %scan3A_32 : i32
        %add3A_100 = arith.constant 2 : i32
        %add3A_101 = arith.addi %mul3A_99, %add3A_100 : i32
        %mul3A_102 = arith.constant 80 : i32
        %mul3A_103 = arith.muli %add3A_101, %mul3A_102 : i32
        %add3A_104 = arith.addi %mul3A_8, %mul3A_103 : i32
        %dma_start3A_105 = arith.constant 0 : i32
        %dma_start3A_106 = tpu.memref_slice %arg2[%add3A_104, %dma_start3A_105] : memref<640000x128xf32, #tpu.memory_space<hbm>> -> memref<80x128xf32, #tpu.memory_space<hbm>>
        %dma_start3A_107 = arith.constant 0 : i32
        %dma_start3A_108 = tpu.memref_slice %arg2[%add3A_104, %dma_start3A_107] : memref<640000x128xf32, #tpu.memory_space<hbm>> -> memref<80x128xf32, #tpu.memory_space<hbm>>
        tpu.enqueue_dma source(%dma_start3A_108 : memref<80x128xf32, #tpu.memory_space<hbm>>) target(%arg8 : memref<80x128xf32, #tpu.memory_space<vmem>>) target_semaphore(%arg10 : memref<!tpu.dma_semaphore, #tpu.memory_space<semaphore_mem>>)
      } else {
      }
      %mul3A_71 = arith.constant 2 : i32
      %mul3A_72 = arith.muli %mul3A_71, %scan3A_32 : i32
      %add3A_73 = arith.constant 1 : i32
      %add3A_74 = arith.addi %mul3A_72, %add3A_73 : i32
      %mul3A_75 = arith.constant 80 : i32
      %mul3A_76 = arith.muli %add3A_74, %mul3A_75 : i32
      %add3A_77 = arith.addi %mul3A_8, %mul3A_76 : i32
      %dma_wait3A_78 = arith.constant 0 : i32
      %dma_wait3A_79 = tpu.memref_slice %arg2[%add3A_77, %dma_wait3A_78] : memref<640000x128xf32, #tpu.memory_space<hbm>> -> memref<80x128xf32, #tpu.memory_space<hbm>>
      %dma_wait3A_80 = arith.constant 0 : i32
      %dma_wait3A_81 = tpu.memref_slice %arg2[%add3A_77, %dma_wait3A_80] : memref<640000x128xf32, #tpu.memory_space<hbm>> -> memref<80x128xf32, #tpu.memory_space<hbm>>
      tpu.wait_dma2 semaphore(%arg11 : memref<!tpu.dma_semaphore, #tpu.memory_space<semaphore_mem>>) src(%dma_wait3A_81 : memref<80x128xf32, #tpu.memory_space<hbm>>) dst(%arg9 : memref<80x128xf32, #tpu.memory_space<vmem>>)
      %mul3A_82 = arith.constant 2 : i32
      %mul3A_83 = arith.muli %mul3A_82, %scan3A_32 : i32
      %add3A_84 = arith.constant 1 : i32
      %add3A_85 = arith.addi %mul3A_83, %add3A_84 : i32
      %dma_start3A_86 = arith.constant 0 : i32
      %dma_start3A_87 = tpu.memref_slice %arg7[%add3A_85, %dma_start3A_86] : memref<250x80xi32, #tpu.memory_space<vmem>> -> memref<1x80xi32, #tpu.memory_space<vmem>>
      %dma_start3A_88 = tpu.memref_squeeze %dma_start3A_87 : memref<1x80xi32, #tpu.memory_space<vmem>> -> memref<80xi32, #tpu.memory_space<vmem>>
      %dma_start3A_89 = arith.constant 0 : i32
      %dma_start3A_90 = arith.constant 0 : i32
      %dma_start3A_91 = tpu.memref_slice %arg6[%dma_start3A_89, %dma_start3A_90] : memref<10000x128xf32, #tpu.memory_space<vmem_shared>> -> memref<10000x128xf32, #tpu.memory_space<vmem_shared>>
      tpu.enqueue_indirect_dma source(%arg9 : memref<80x128xf32, #tpu.memory_space<vmem>>) target(%dma_start3A_91 : memref<10000x128xf32, #tpu.memory_space<vmem_shared>>) offsets(%dma_start3A_88 : memref<80xi32, #tpu.memory_space<vmem>>) semaphore(%arg12 : memref<!tpu.dma_semaphore, #tpu.memory_space<semaphore_mem>>) {add = true}
      %dma_wait3A_92 = arith.constant 0 : i32
      %dma_wait3A_93 = tpu.memref_slice %arg7[%add3A_85, %dma_wait3A_92] : memref<250x80xi32, #tpu.memory_space<vmem>> -> memref<1x80xi32, #tpu.memory_space<vmem>>
      %dma_wait3A_94 = tpu.memref_squeeze %dma_wait3A_93 : memref<1x80xi32, #tpu.memory_space<vmem>> -> memref<80xi32, #tpu.memory_space<vmem>>
      %dma_wait3A_95 = arith.constant 0 : i32
      %dma_wait3A_96 = arith.constant 0 : i32
      %dma_wait3A_97 = tpu.memref_slice %arg6[%dma_wait3A_95, %dma_wait3A_96] : memref<10000x128xf32, #tpu.memory_space<vmem_shared>> -> memref<10000x128xf32, #tpu.memory_space<vmem_shared>>
      tpu.wait_indirect_dma semaphore(%arg12 : memref<!tpu.dma_semaphore, #tpu.memory_space<semaphore_mem>>) src(%arg9 : memref<80x128xf32, #tpu.memory_space<vmem>>) dst(%dma_wait3A_97 : memref<10000x128xf32, #tpu.memory_space<vmem_shared>>)
    }
    %scan3A_18 = arith.constant 125 : i32
    %barrier3A_19 = arith.constant 0 : index
    tpu.barrier barrier_id(%barrier3A_19)
    %mul3A_20 = arith.constant 10000 : i32
    %mul3A_21 = arith.muli %arg0, %mul3A_20 : i32
    %multiple_of3A = tpu.assume_multiple %mul3A_21, 8 : i32
    %lt3A_22 = arith.constant 15 : i32
    %lt3A_23 = arith.cmpi slt, %arg1, %lt3A_22 : i32
    %convert_element_type3A_24 = arith.extui %lt3A_23 : i1 to i32
    %cond3A_25 = arith.constant 0 : i32
    %cond3A_26 = arith.cmpi ne, %convert_element_type3A_24, %cond3A_25 : i32
    scf.if %cond3A_26 {
      %mul3A_32 = arith.constant 640 : i32
      %mul3A_33 = arith.muli %arg1, %mul3A_32 : i32
      %multiple_of3A_34 = tpu.assume_multiple %mul3A_33, 8 : i32
      %add3A_35 = arith.addi %multiple_of3A, %multiple_of3A_34 : i32
      "tpu.region"() ({
        %run_scoped3A = tpu.sem_alloc : memref<!tpu.dma_semaphore, #tpu.memory_space<semaphore_mem>>
        %dma_start3A_36 = arith.constant 0 : i32
        %dma_start3A_37 = tpu.memref_slice %arg5[%add3A_35, %dma_start3A_36] : memref<20000x128xf32, #tpu.memory_space<hbm>> -> memref<640x128xf32, #tpu.memory_space<hbm>>
        %dma_start3A_38 = arith.constant 0 : i32
        %dma_start3A_39 = tpu.memref_slice %arg6[%multiple_of3A_34, %dma_start3A_38] : memref<10000x128xf32, #tpu.memory_space<vmem_shared>> -> memref<640x128xf32, #tpu.memory_space<vmem_shared>>
        tpu.enqueue_dma source(%dma_start3A_39 : memref<640x128xf32, #tpu.memory_space<vmem_shared>>) target(%dma_start3A_37 : memref<640x128xf32, #tpu.memory_space<hbm>>) target_semaphore(%run_scoped3A : memref<!tpu.dma_semaphore, #tpu.memory_space<semaphore_mem>>)
        %dma_wait3A = arith.constant 0 : i32
        %dma_wait3A_40 = tpu.memref_slice %arg5[%add3A_35, %dma_wait3A] : memref<20000x128xf32, #tpu.memory_space<hbm>> -> memref<640x128xf32, #tpu.memory_space<hbm>>
        %dma_wait3A_41 = arith.constant 0 : i32
        %dma_wait3A_42 = tpu.memref_slice %arg6[%multiple_of3A_34, %dma_wait3A_41] : memref<10000x128xf32, #tpu.memory_space<vmem_shared>> -> memref<640x128xf32, #tpu.memory_space<vmem_shared>>
        tpu.wait_dma2 semaphore(%run_scoped3A : memref<!tpu.dma_semaphore, #tpu.memory_space<semaphore_mem>>) src(%dma_wait3A_42 : memref<640x128xf32, #tpu.memory_space<vmem_shared>>) dst(%dma_wait3A_40 : memref<640x128xf32, #tpu.memory_space<hbm>>)
        tpu.yield
      }) : () -> ()
    } else {
    }
    %eq3A_27 = arith.constant 15 : i32
    %eq3A_28 = arith.cmpi eq, %arg1, %eq3A_27 : i32
    %convert_element_type3A_29 = arith.extui %eq3A_28 : i1 to i32
    %cond3A_30 = arith.constant 0 : i32
    %cond3A_31 = arith.cmpi ne, %convert_element_type3A_29, %cond3A_30 : i32
    scf.if %cond3A_31 {
      %add3A_32 = arith.constant 9600 : i32
      %add3A_33 = arith.addi %multiple_of3A, %add3A_32 : i32
      "tpu.region"() ({
        %run_scoped3A = tpu.sem_alloc : memref<!tpu.dma_semaphore, #tpu.memory_space<semaphore_mem>>
        %dma_start3A_34 = arith.constant 0 : i32
        %dma_start3A_35 = tpu.memref_slice %arg5[%add3A_33, %dma_start3A_34] : memref<20000x128xf32, #tpu.memory_space<hbm>> -> memref<400x128xf32, #tpu.memory_space<hbm>>
        %dma_start3A_36 = arith.constant 9600 : i32
        %dma_start3A_37 = arith.constant 0 : i32
        %dma_start3A_38 = tpu.memref_slice %arg6[%dma_start3A_36, %dma_start3A_37] : memref<10000x128xf32, #tpu.memory_space<vmem_shared>> -> memref<400x128xf32, #tpu.memory_space<vmem_shared>>
        tpu.enqueue_dma source(%dma_start3A_38 : memref<400x128xf32, #tpu.memory_space<vmem_shared>>) target(%dma_start3A_35 : memref<400x128xf32, #tpu.memory_space<hbm>>) target_semaphore(%run_scoped3A : memref<!tpu.dma_semaphore, #tpu.memory_space<semaphore_mem>>)
        %dma_wait3A = arith.constant 0 : i32
        %dma_wait3A_39 = tpu.memref_slice %arg5[%add3A_33, %dma_wait3A] : memref<20000x128xf32, #tpu.memory_space<hbm>> -> memref<400x128xf32, #tpu.memory_space<hbm>>
        %dma_wait3A_40 = arith.constant 9600 : i32
        %dma_wait3A_41 = arith.constant 0 : i32
        %dma_wait3A_42 = tpu.memref_slice %arg6[%dma_wait3A_40, %dma_wait3A_41] : memref<10000x128xf32, #tpu.memory_space<vmem_shared>> -> memref<400x128xf32, #tpu.memory_space<vmem_shared>>
        tpu.wait_dma2 semaphore(%run_scoped3A : memref<!tpu.dma_semaphore, #tpu.memory_space<semaphore_mem>>) src(%dma_wait3A_42 : memref<400x128xf32, #tpu.memory_space<vmem_shared>>) dst(%dma_wait3A_39 : memref<400x128xf32, #tpu.memory_space<hbm>>)
        tpu.yield
      }) : () -> ()
    } else {
    }
    return
  }
}

module attributes {stable_mosaic.version = 14 : i64} {
  func.func @_k3_body(%arg0: i32, %arg1: memref<4x3200xf32, #tpu.memory_space<vmem>>, %arg2: memref<3x3200xf32, #tpu.memory_space<vmem>>, %arg3: memref<200x128xf32, #tpu.memory_space<vmem>>, %arg4: memref<4x128xf32, #tpu.memory_space<vmem>>, %arg5: memref<3x128xf32, #tpu.memory_space<vmem>>, %arg6: memref<128x2048xf32, #tpu.memory_space<vmem>>, %arg7: memref<128x128xf32, #tpu.memory_space<vmem>>, %arg8: memref<1x128xf32, #tpu.memory_space<vmem>>, %arg9: memref<3200x128xf32, #tpu.memory_space<vmem>>) attributes {dimension_semantics = [#tpu.dimension_semantics<arbitrary>], iteration_bounds = array<i64: 200>, scalar_prefetch = 0 : i64, scratch_operands = 0 : i64, tpu.core_type = #tpu.core_type<tc>, window_params = [{transform_indices = @transform_0, window_bounds = array<i64: 4, 3200>}, {transform_indices = @transform_1, window_bounds = array<i64: 3, 3200>}, {transform_indices = @transform_2, window_bounds = array<i64: 200, 128>}, {pipeline_mode = #tpu.pipeline_mode<synchronous>, transform_indices = @transform_3, window_bounds = array<i64: 4, 128>}, {pipeline_mode = #tpu.pipeline_mode<synchronous>, transform_indices = @transform_4, window_bounds = array<i64: 3, 128>}, {pipeline_mode = #tpu.pipeline_mode<synchronous>, transform_indices = @transform_5, window_bounds = array<i64: 128, 2048>}, {pipeline_mode = #tpu.pipeline_mode<synchronous>, transform_indices = @transform_6, window_bounds = array<i64: 128, 128>}, {pipeline_mode = #tpu.pipeline_mode<synchronous>, transform_indices = @transform_7, window_bounds = array<i64: 1, 128>}, {transform_indices = @transform_8, window_bounds = array<i64: 3200, 128>}]} {
    %get3A = arith.constant 0 : index
    %get3A_0 = arith.constant 0 : index
    %get3A_1 = vector.load %arg3[%get3A, %get3A_0] : memref<200x128xf32, #tpu.memory_space<vmem>>, vector<200x128xf32>
    %get3A_2 = arith.constant 0 : index
    %get3A_3 = arith.constant 0 : index
    %get3A_4 = vector.load %arg7[%get3A_2, %get3A_3] : memref<128x128xf32, #tpu.memory_space<vmem>>, vector<128x128xf32>
    %dot_general3A = arith.constant dense<0.000000e+00> : vector<200x128xf32>
    %dot_general3A_5 = tpu.matmul %get3A_1, %get3A_4, %dot_general3A {dimension_numbers = #tpu.dot_dimension_numbers<[1], [0], [0], [1], [0, 0, 1, 1], [], []>, transpose_lhs_hint = false} : vector<200x128xf32>, vector<128x128xf32>, vector<200x128xf32> -> vector<200x128xf32>
    %max3A = arith.constant 1.000000e+00 : f32
    %max3A_6 = vector.broadcast %max3A : f32 to vector<200x128xf32>
    %max3A_7 = arith.maximumf %dot_general3A_5, %max3A_6 : vector<200x128xf32>
    %div3A = arith.constant 1.000000e+00 : f32
    %div3A_8 = vector.broadcast %div3A : f32 to vector<200x128xf32>
    %div3A_9 = arith.divf %div3A_8, %max3A_7 : vector<200x128xf32>
    %mul3A = arith.mulf %get3A_1, %div3A_9 : vector<200x128xf32>
    %get3A_10 = arith.constant 0 : index
    %get3A_11 = arith.constant 0 : index
    %get3A_12 = vector.load %arg6[%get3A_10, %get3A_11] : memref<128x2048xf32, #tpu.memory_space<vmem>>, vector<128x2048xf32>
    %dot_general3A_13 = arith.constant dense<0.000000e+00> : vector<200x2048xf32>
    %dot_general3A_14 = tpu.matmul %mul3A, %get3A_12, %dot_general3A_13 {dimension_numbers = #tpu.dot_dimension_numbers<[1], [0], [0], [1], [0, 0, 1, 1], [], []>, transpose_lhs_hint = false} : vector<200x128xf32>, vector<128x2048xf32>, vector<200x2048xf32> -> vector<200x2048xf32>
    %reshape3A = vector.shape_cast %dot_general3A_14 : vector<200x2048xf32> to vector<3200x128xf32>
    %get3A_15 = arith.constant 0 : index
    %get3A_16 = arith.constant 0 : index
    %get3A_17 = vector.load %arg1[%get3A_15, %get3A_16] : memref<4x3200xf32, #tpu.memory_space<vmem>>, vector<4x3200xf32>
    %get3A_18 = arith.constant 0 : index
    %get3A_19 = arith.constant 0 : index
    %get3A_20 = vector.load %arg4[%get3A_18, %get3A_19] : memref<4x128xf32, #tpu.memory_space<vmem>>, vector<4x128xf32>
    %dot_general3A_21 = arith.constant dense<0.000000e+00> : vector<3200x128xf32>
    %dot_general3A_22 = tpu.matmul %get3A_17, %get3A_20, %dot_general3A_21 {dimension_numbers = #tpu.dot_dimension_numbers<[0], [0], [1], [1], [0, 1, 1, 1], [], []>, transpose_lhs_hint = false} : vector<4x3200xf32>, vector<4x128xf32>, vector<3200x128xf32> -> vector<3200x128xf32>
    %get3A_23 = arith.constant 0 : index
    %get3A_24 = arith.constant 0 : index
    %get3A_25 = vector.load %arg2[%get3A_23, %get3A_24] : memref<3x3200xf32, #tpu.memory_space<vmem>>, vector<3x3200xf32>
    %get3A_26 = arith.constant 0 : index
    %get3A_27 = arith.constant 0 : index
    %get3A_28 = vector.load %arg5[%get3A_26, %get3A_27] : memref<3x128xf32, #tpu.memory_space<vmem>>, vector<3x128xf32>
    %dot_general3A_29 = arith.constant dense<0.000000e+00> : vector<3200x128xf32>
    %dot_general3A_30 = tpu.matmul %get3A_25, %get3A_28, %dot_general3A_29 {dimension_numbers = #tpu.dot_dimension_numbers<[0], [0], [1], [1], [0, 1, 1, 1], [], []>, transpose_lhs_hint = false} : vector<3x3200xf32>, vector<3x128xf32>, vector<3200x128xf32> -> vector<3200x128xf32>
    %add3A = arith.addf %dot_general3A_22, %dot_general3A_30 : vector<3200x128xf32>
    %add3A_31 = arith.addf %add3A, %reshape3A : vector<3200x128xf32>
    %get3A_32 = arith.constant 0 : index
    %get3A_33 = arith.constant 0 : index
    %get3A_34 = vector.load %arg8[%get3A_32, %get3A_33] : memref<1x128xf32, #tpu.memory_space<vmem>>, vector<1x128xf32>
    %add3A_35 = vector.broadcast %get3A_34 : vector<1x128xf32> to vector<3200x128xf32>
    %add3A_36 = arith.addf %add3A_31, %add3A_35 : vector<3200x128xf32>
    %max3A_37 = arith.constant 0.000000e+00 : f32
    %max3A_38 = vector.broadcast %max3A_37 : f32 to vector<3200x128xf32>
    %max3A_39 = arith.maximumf %add3A_36, %max3A_38 : vector<3200x128xf32>
    %swap3A = arith.constant 0 : index
    %swap3A_40 = arith.constant 0 : index
    %swap3A_41 = vector.load %arg9[%swap3A, %swap3A_40] : memref<3200x128xf32, #tpu.memory_space<vmem>>, vector<3200x128xf32>
    tpu.vector_store %arg9[%swap3A, %swap3A_40], %max3A_39 {strides = array<i32>} : memref<3200x128xf32, #tpu.memory_space<vmem>>, vector<3200x128xf32>,
    return
  }
  func.func @transform_0(%arg0: i32) -> (i32, i32) {
    %c0_i32 = arith.constant 0 : i32
    %c0_i32_0 = arith.constant 0 : i32
    return %c0_i32, %arg0 : i32, i32
  }
  func.func @transform_1(%arg0: i32) -> (i32, i32) {
    %c0_i32 = arith.constant 0 : i32
    %c0_i32_0 = arith.constant 0 : i32
    return %c0_i32, %arg0 : i32, i32
  }
  func.func @transform_2(%arg0: i32) -> (i32, i32) {
    %c0_i32 = arith.constant 0 : i32
    %c0_i32_0 = arith.constant 0 : i32
    return %arg0, %c0_i32 : i32, i32
  }
  func.func @transform_3(%arg0: i32) -> (i32, i32) {
    %c0_i32 = arith.constant 0 : i32
    %c0_i32_0 = arith.constant 0 : i32
    %c0_i32_1 = arith.constant 0 : i32
    return %c0_i32, %c0_i32_0 : i32, i32
  }
  func.func @transform_4(%arg0: i32) -> (i32, i32) {
    %c0_i32 = arith.constant 0 : i32
    %c0_i32_0 = arith.constant 0 : i32
    %c0_i32_1 = arith.constant 0 : i32
    return %c0_i32, %c0_i32_0 : i32, i32
  }
  func.func @transform_5(%arg0: i32) -> (i32, i32) {
    %c0_i32 = arith.constant 0 : i32
    %c0_i32_0 = arith.constant 0 : i32
    %c0_i32_1 = arith.constant 0 : i32
    return %c0_i32, %c0_i32_0 : i32, i32
  }
  func.func @transform_6(%arg0: i32) -> (i32, i32) {
    %c0_i32 = arith.constant 0 : i32
    %c0_i32_0 = arith.constant 0 : i32
    %c0_i32_1 = arith.constant 0 : i32
    return %c0_i32, %c0_i32_0 : i32, i32
  }
  func.func @transform_7(%arg0: i32) -> (i32, i32) {
    %c0_i32 = arith.constant 0 : i32
    %c0_i32_0 = arith.constant 0 : i32
    %c0_i32_1 = arith.constant 0 : i32
    return %c0_i32, %c0_i32_0 : i32, i32
  }
  func.func @transform_8(%arg0: i32) -> (i32, i32) {
    %c0_i32 = arith.constant 0 : i32
    %c0_i32_0 = arith.constant 0 : i32
    return %arg0, %c0_i32 : i32, i32
  }
}

module attributes {stable_mosaic.version = 14 : i64} {
  func.func @_k5_body(%arg0: i32, %arg1: memref<2x10000x128xf32, #tpu.memory_space<vmem>>, %arg2: memref<625x128xf32, #tpu.memory_space<vmem>>, %arg3: memref<128x2048xf32, #tpu.memory_space<vmem>>, %arg4: memref<128x128xf32, #tpu.memory_space<vmem>>, %arg5: memref<1x128xf32, #tpu.memory_space<vmem>>, %arg6: memref<10000x128xf32, #tpu.memory_space<vmem>>) attributes {dimension_semantics = [#tpu.dimension_semantics<arbitrary>], iteration_bounds = array<i64: 1>, scalar_prefetch = 0 : i64, scratch_operands = 0 : i64, tpu.core_type = #tpu.core_type<tc>, window_params = [{pipeline_mode = #tpu.pipeline_mode<synchronous>, transform_indices = @transform_0, window_bounds = array<i64: 2, 10000, 128>}, {pipeline_mode = #tpu.pipeline_mode<synchronous>, transform_indices = @transform_1, window_bounds = array<i64: 625, 128>}, {pipeline_mode = #tpu.pipeline_mode<synchronous>, transform_indices = @transform_2, window_bounds = array<i64: 128, 2048>}, {pipeline_mode = #tpu.pipeline_mode<synchronous>, transform_indices = @transform_3, window_bounds = array<i64: 128, 128>}, {pipeline_mode = #tpu.pipeline_mode<synchronous>, transform_indices = @transform_4, window_bounds = array<i64: 1, 128>}, {pipeline_mode = #tpu.pipeline_mode<synchronous>, transform_indices = @transform_5, window_bounds = array<i64: 10000, 128>}]} {
    %get3A = arith.constant 0 : index
    %get3A_0 = arith.constant 0 : index
    %get3A_1 = arith.constant 0 : index
    %get3A_2 = vector.load %arg1[%get3A, %get3A_0, %get3A_1] : memref<2x10000x128xf32, #tpu.memory_space<vmem>>, vector<1x10000x128xf32>
    %get3A_3 = vector.shape_cast %get3A_2 : vector<1x10000x128xf32> to vector<10000x128xf32>
    %get3A_4 = arith.constant 1 : index
    %get3A_5 = arith.constant 0 : index
    %get3A_6 = arith.constant 0 : index
    %get3A_7 = vector.load %arg1[%get3A_4, %get3A_5, %get3A_6] : memref<2x10000x128xf32, #tpu.memory_space<vmem>>, vector<1x10000x128xf32>
    %get3A_8 = vector.shape_cast %get3A_7 : vector<1x10000x128xf32> to vector<10000x128xf32>
    %add3A = arith.addf %get3A_3, %get3A_8 : vector<10000x128xf32>
    %get3A_9 = arith.constant 0 : index
    %get3A_10 = arith.constant 0 : index
    %get3A_11 = vector.load %arg2[%get3A_9, %get3A_10] : memref<625x128xf32, #tpu.memory_space<vmem>>, vector<625x128xf32>
    %get3A_12 = arith.constant 0 : index
    %get3A_13 = arith.constant 0 : index
    %get3A_14 = vector.load %arg3[%get3A_12, %get3A_13] : memref<128x2048xf32, #tpu.memory_space<vmem>>, vector<128x2048xf32>
    %dot_general3A = arith.constant dense<0.000000e+00> : vector<625x2048xf32>
    %dot_general3A_15 = tpu.matmul %get3A_11, %get3A_14, %dot_general3A {dimension_numbers = #tpu.dot_dimension_numbers<[1], [0], [0], [1], [0, 0, 1, 1], [], []>, transpose_lhs_hint = false} : vector<625x128xf32>, vector<128x2048xf32>, vector<625x2048xf32> -> vector<625x2048xf32>
    %reshape3A = vector.shape_cast %dot_general3A_15 : vector<625x2048xf32> to vector<10000x128xf32>
    %max3A = arith.constant 1.000000e+00 : f32
    %max3A_16 = vector.broadcast %max3A : f32 to vector<10000x128xf32>
    %max3A_17 = arith.maximumf %reshape3A, %max3A_16 : vector<10000x128xf32>
    %div3A = arith.constant 1.000000e+00 : f32
    %div3A_18 = vector.broadcast %div3A : f32 to vector<10000x128xf32>
    %div3A_19 = arith.divf %div3A_18, %max3A_17 : vector<10000x128xf32>
    %mul3A = arith.mulf %add3A, %div3A_19 : vector<10000x128xf32>
    %get3A_20 = arith.constant 0 : index
    %get3A_21 = arith.constant 0 : index
    %get3A_22 = vector.load %arg4[%get3A_20, %get3A_21] : memref<128x128xf32, #tpu.memory_space<vmem>>, vector<128x128xf32>
    %dot_general3A_23 = arith.constant dense<0.000000e+00> : vector<10000x128xf32>
    %dot_general3A_24 = tpu.matmul %mul3A, %get3A_22, %dot_general3A_23 {dimension_numbers = #tpu.dot_dimension_numbers<[1], [0], [0], [1], [0, 0, 1, 1], [], []>, transpose_lhs_hint = false} : vector<10000x128xf32>, vector<128x128xf32>, vector<10000x128xf32> -> vector<10000x128xf32>
    %get3A_25 = arith.constant 0 : index
    %get3A_26 = arith.constant 0 : index
    %get3A_27 = vector.load %arg5[%get3A_25, %get3A_26] : memref<1x128xf32, #tpu.memory_space<vmem>>, vector<1x128xf32>
    %add3A_28 = vector.broadcast %get3A_27 : vector<1x128xf32> to vector<10000x128xf32>
    %add3A_29 = arith.addf %dot_general3A_24, %add3A_28 : vector<10000x128xf32>
    %gt3A = arith.constant 0.000000e+00 : f32
    %gt3A_30 = vector.broadcast %gt3A : f32 to vector<10000x128xf32>
    %gt3A_31 = arith.cmpf ogt, %reshape3A, %gt3A_30 : vector<10000x128xf32>
    %jit3A = arith.constant 0.000000e+00 : f32
    %broadcast_in_dim3A = vector.broadcast %jit3A : f32 to vector<10000x128xf32>
    %select_n3A = arith.select %gt3A_31, %add3A_29, %broadcast_in_dim3A : vector<10000x128xi1>, vector<10000x128xf32>
    %swap3A = arith.constant 0 : index
    %swap3A_32 = arith.constant 0 : index
    %swap3A_33 = vector.load %arg6[%swap3A, %swap3A_32] : memref<10000x128xf32, #tpu.memory_space<vmem>>, vector<10000x128xf32>
    tpu.vector_store %arg6[%swap3A, %swap3A_32], %select_n3A {strides = array<i32>} : memref<10000x128xf32, #tpu.memory_space<vmem>>, vector<10000x128xf32>,
    return
  }
  func.func @transform_0(%arg0: i32) -> (i32, i32, i32) {
    %c0_i32 = arith.constant 0 : i32
    %c0_i32_0 = arith.constant 0 : i32
    %c0_i32_1 = arith.constant 0 : i32
    %c0_i32_2 = arith.constant 0 : i32
    return %c0_i32, %c0_i32_0, %c0_i32_1 : i32, i32, i32
  }
  func.func @transform_1(%arg0: i32) -> (i32, i32) {
    %c0_i32 = arith.constant 0 : i32
    %c0_i32_0 = arith.constant 0 : i32
    %c0_i32_1 = arith.constant 0 : i32
    return %c0_i32, %c0_i32_0 : i32, i32
  }
  func.func @transform_2(%arg0: i32) -> (i32, i32) {
    %c0_i32 = arith.constant 0 : i32
    %c0_i32_0 = arith.constant 0 : i32
    %c0_i32_1 = arith.constant 0 : i32
    return %c0_i32, %c0_i32_0 : i32, i32
  }
  func.func @transform_3(%arg0: i32) -> (i32, i32) {
    %c0_i32 = arith.constant 0 : i32
    %c0_i32_0 = arith.constant 0 : i32
    %c0_i32_1 = arith.constant 0 : i32
    return %c0_i32, %c0_i32_0 : i32, i32
  }
  func.func @transform_4(%arg0: i32) -> (i32, i32) {
    %c0_i32 = arith.constant 0 : i32
    %c0_i32_0 = arith.constant 0 : i32
    %c0_i32_1 = arith.constant 0 : i32
    return %c0_i32, %c0_i32_0 : i32, i32
  }
  func.func @transform_5(%arg0: i32) -> (i32, i32) {
    %c0_i32 = arith.constant 0 : i32
    %c0_i32_0 = arith.constant 0 : i32
    %c0_i32_1 = arith.constant 0 : i32
    return %c0_i32, %c0_i32_0 : i32, i32
  }
}

</mosaic_0001>

<sc_bundles>
// kernel: kernel.10.cloned.1.call-start
scs
__scs_entry_jumppad:
0x0: {  	(pc) =	sbr.rel $0x88, $3  }
0x1: {  	(tag) =	ssettag $0x0;
	lr =	simm.s32 $0x1  }
0x2: {  	[smem:$0x3F9A] =	sst lr;
	_ =	strace $0xD0000000  }
0x3: {  	_ = 	snop  }
0x4: {  	_ = 	snop  }
0x5: {  	_ = 	snop  }
0x6: {  	_ = 	snop  }
0x7: {  	_ = 	snop  }
__scs_overlays_trampoline_lowered:
0x8: {  	[smem:$0x3FA9] =	sst s0  }
0x9: {  	[smem:$0x3FAA] =	sst s1  }
0xa: {  	[smem:$0x3FAB] =	sst s2  }
0xb: {  	[smem:$0x3FAC] =	sst s3  }
0xc: {  	[smem:$0x3FAD] =	sst s4  }
0xd: {  	[smem:$0x3FAE] =	sst s5  }
0xe: {  	[smem:$0x3FAF] =	sst s6  }
0xf: {  	[smem:$0x3FB0] =	sst s7  }
0x10: {  	[smem:$0x3FB1] =	sst s8  }
0x11: {  	[smem:$0x3FB2] =	sst s9;
	s0 =	simm.s32 @!p0 $0x0  }
0x12: {  	s1 =	sld [smem:$0x3F98];
	s0 =	simm.s32 @p0 $0x1  }
0x13: {  	[smem:$0x3FB3] =	sst s0;
	s0 =	simm.s32 @!p1 $0x0  }
0x14: {  	s2 =	sld [smem:$0x3F97];
	s0 =	simm.s32 @p1 $0x1  }
0x15: {  	[smem:$0x3FB4] =	sst s0;
	s0 =	simm.s32 @!p2 $0x0  }
0x16: {  	s3 =	sld [smem:$0x3FDB];
	s0 =	simm.s32 @p2 $0x1  }
0x17: {  	s4 =	simm.s32 $0x1BF5;
	[smem:$0x3FB6] =	sst s0  }
0x18: {  	s0 =	sld [smem:$0x3F99];
	_ =	swait.ge [sflag:s4], $0x0  }
0x19: {  	s7 =	sld [smem:$0x3F9A]  }
0x1a: {  	s8 =	sadd.s32 $0xFFFFE003, lr  }
0x1b: {  	s9 =	sadd.s32 $0xFFFFFEF7, lr;
	s5 =	simm.s32 $0xFFFFFFFF;
	p2 =	slt.u32 s8, $0xFFFFF086  }
0x1c: {  	p1 =	slt.u32 s9, $0xF7A;
	s5 =	simm.s32 @!p2 $0x0  }
0x1d: {  	s5 =	simm.s32 @p1 $0x1;
	p0 =	seq.s32 s7, s2  }
0x1e: {  	s7 =	smul.u32 @!p0 $0xF7A, s2;
	p2 =	seq.s32 @!p0 s5, $0x0  }
0x1f: {  	s9 =	smul.u32 $0xF7A, s1;
	s8 =	simm.s32 @!p0 $0x1BF5;
	p2 =	por !p2, p0  }
0x20: {  	[sflag:s8] =	ssyncset.s32 @!p0 $0xFFFFF086;
	s6 =	sadd.s32 @!p0 s3, s7;
	s7 =	simm.s32 @!p0 $0x108  }
0x21: {  	s3 =	sadd.s32 s3, s9;
	s6 =	sadd.s32 @!p0 $0x88, s6;
	s7 =	simm.s32 @p2 $0x1082  }
0x22: {  	[simem:s7], [sflag:s8] =	dma.local @!p0 [hbm:s6], $0xF7A  }
0x23: {  	s9 =	sor.u32 $0xD0000000, s2;
	s6 =	simm.s32 $0x108;
	_ =	swait.ge @!p0 [sflag:s8], $0x0  }
0x24: {  	s3 =	sadd.s32 $0x88, s3;
	s6 =	simm.s32 @!p1 $0x1082;
	[sflag:s4] =	ssyncset.s32 $0xFFFFF086  }
0x25: {  	[simem:s6], [sflag:s4] =	dma.local [hbm:s3], $0xF7A  }
0x26: {  	[smem:$0x3F9A] =	sst s1;
	(tag) =	ssettag s2;
	_ =	strace s9  }
0x27: {  	s1 =	sld [smem:$0x3FAA]  }
0x28: {  	s2 =	sld [smem:$0x3FAB]  }
0x29: {  	s4 =	sld [smem:$0x3FAD]  }
0x2a: {  	p0 =	seq.s32 s5, $0x0;
	s5 =	sld [smem:$0x3FAE]  }
0x2b: {  	s6 =	sld [smem:$0x3FAF]  }
0x2c: {  	s7 =	sld [smem:$0x3FB0]  }
0x2d: {  	s3 =	simm.s32 $0x108;
	s8 =	sld [smem:$0x3FB1]  }
0x2e: {  	s3 =	simm.s32 @!p0 $0x1082;
	s9 =	sld [smem:$0x3FB2]  }
0x2f: {  	lr =	sadd.s32 s0, s3;
	s0 =	sld [smem:$0x3FA9]  }
0x30: {  	s3 =	sld [smem:$0x3FAC]  }
0x31: {  	[smem:$0x3FB5] =	sst s10  }
0x32: {  	s10 =	sld [smem:$0x3FB3];
	_ =	sdelay $0x3  }
0x33: {  	p0 =	seq.s32 s10, $0x1;
	s10 =	sld [smem:$0x3FB5];
	_ =	sdelay $0x3  }
0x34: {  	[smem:$0x3FB5] =	sst s10  }
0x35: {  	s10 =	sld [smem:$0x3FB4];
	_ =	sdelay $0x3  }
0x36: {  	p1 =	seq.s32 s10, $0x1;
	s10 =	sld [smem:$0x3FB5];
	_ =	sdelay $0x3  }
0x37: {  	[smem:$0x3FB5] =	sst s10  }
0x38: {  	s10 =	sld [smem:$0x3FB6]  }
0x39: {  	_ = 	snop;
	(pc) =	sbr.ind lr, $3  }
0x3a: {  	_ = 	snop  }
0x3b: {  	_ = 	snop  }
0x3c: {  	p2 =	seq.s32 s10, $0x1;
	s10 =	sld [smem:$0x3FB5]  }
0x3d: {  	_ =	shalt  }
0x3e: {  	_ =	shalt  }
0x3f: {  	_ =	shalt  }
0x40: {  	_ =	shalt  }
0x41: {  	_ =	shalt  }
0x42: {  	_ =	shalt  }
0x43: {  	_ =	shalt  }
0x44: {  	_ =	shalt  }
0x45: {  	_ =	shalt  }
0x46: {  	_ =	shalt  }
0x47: {  	_ =	shalt  }
0x48: {  	_ =	shalt  }
0x49: {  	_ =	shalt  }
0x4a: {  	_ =	shalt  }
0x4b: {  	_ =	shalt  }
0x4c: {  	_ =	shalt  }
0x4d: {  	_ =	shalt  }
0x4e: {  	_ =	shalt  }
0x4f: {  	_ =	shalt  }
0x50: {  	_ =	shalt  }
0x51: {  	_ =	shalt  }
0x52: {  	_ =	shalt  }
0x53: {  	_ =	shalt  }
0x54: {  	_ =	shalt  }
0x55: {  	_ =	shalt  }
0x56: {  	_ =	shalt  }
0x57: {  	_ =	shalt  }
0x58: {  	_ =	shalt  }
0x59: {  	_ =	shalt  }
0x5a: {  	_ =	shalt  }
0x5b: {  	_ =	shalt  }
0x5c: {  	_ =	shalt  }
0x5d: {  	_ =	shalt  }
0x5e: {  	_ =	shalt  }
0x5f: {  	_ =	shalt  }
0x60: {  	_ =	shalt  }
0x61: {  	_ =	shalt  }
0x62: {  	_ =	shalt  }
0x63: {  	_ =	shalt  }
0x64: {  	_ =	shalt  }
0x65: {  	_ =	shalt  }
0x66: {  	_ =	shalt  }
0x67: {  	_ =	shalt  }
0x68: {  	_ =	shalt  }
0x69: {  	_ =	shalt  }
0x6a: {  	_ =	shalt  }
0x6b: {  	_ =	shalt  }
0x6c: {  	_ =	shalt  }
0x6d: {  	_ =	shalt  }
0x6e: {  	_ =	shalt  }
0x6f: {  	_ =	shalt  }
0x70: {  	_ =	shalt  }
0x71: {  	_ =	shalt  }
0x72: {  	_ =	shalt  }
0x73: {  	_ =	shalt  }
0x74: {  	_ =	shalt  }
0x75: {  	_ =	shalt  }
0x76: {  	_ =	shalt  }
0x77: {  	_ =	shalt  }
0x78: {  	_ =	shalt  }
0x79: {  	_ =	shalt  }
0x7a: {  	_ =	shalt  }
0x7b: {  	_ =	shalt  }
0x7c: {  	_ =	shalt  }
0x7d: {  	_ =	shalt  }
0x7e: {  	_ =	shalt  }
0x7f: {  	_ =	shalt  }
0x80: {  	_ =	shalt  }
0x81: {  	_ =	shalt  }
0x82: {  	_ =	shalt  }
0x83: {  	_ =	shalt  }
0x84: {  	_ =	shalt  }
0x85: {  	_ =	shalt  }
0x86: {  	_ =	shalt  }
0x87: {  	_ =	shalt  }
.Lfunc_end0:
.L_simem_size_0:
called_computation.1_lowered:
.L_overlay_start_0:
0x88: {  	s2 =	sld [smem:$0x3FD9]  }
0x89: {  	s3 =	sld [smem:$0x3FFE];
	_ =	sdelay $0x1  }
0x8a: {  	s1 =	srdreg.scid  }
0x8b: {  	s0 =	sand.u32 $0x1, s1  }
0x8c: {  	s17 =	sshll.u32 s0, $0xA;
	s2 =	sadd.s32 s3, s2  }
0x8d: {  	s2 =	sadd.s32 s2, s17  }
0x8e: {  	[smem:$0x3FC1] =	sst s2  }
0x8f: {  	_ = 	snop  }
0x90: {  	s2 =	sld [smem:$0x3FC7];
	(tm) =	ssettm $0x1  }
0x91: {  	s18 =	sld [smem:$0x3FFB];
	_ =	sdelay $0x3  }
0x92: {  	_ =	strace s18  }
0x93: {  	s3 =	sld [smem:$0x3FFC];
	_ =	sdelay $0x3  }
0x94: {  	_ =	strace s3  }
0x95: {  	s3 =	sld [smem:$0x3FFD];
	_ =	sdelay $0x3  }
0x96: {  	_ =	strace s3  }
0x97: {  	_ =	strace $0x8FFFFFFF  }
0x98: {  	s19 =	sld [smem:$0x3FDB];
	_ =	sdelay $0x1  }
0x99: {  	s4 =	simm.s32 $_scs_section_size  }
0x9a: {  	s5 =	simm.s32 $_size__tile_overlayer_lowered;
	s6 =	simm.s32 $_tile_overlayer_lowered  }
0x9b: {  	s22 =	simm.s32 $0x1BFF;
	s21 =	sshll.u32 s6, $0x1;
	s3 =	sadd.s32 s4, s19  }
0x9c: {  	s7 =	simm.s32 $0x0;
	s20 =	sshll.u32 s5, $0x1;
	s5 =	sadd.s32 s21, s3  }
0x9d: {  	[timem:s7], [sflag:s22] =	dma.local [hbm:s5], s20  }
0x9e: {  	_ =	swait.ge [sflag:s22], s20  }
0x9f: {  	s4 =	ssub.s32 $0x0, s20;
	[sflag:s22] =	ssyncset.done $0x0  }
0xa0: {  	[sflag:s22] =	ssyncadd.s32 s4;
	_ =	sdelay $0x1  }
0xa1: {  	s23 =	simm.s32 $0x1B8B  }
0xa2: {  	_ =	swait.ge [sflag:s23], $0x1  }
0xa3: {  	[sflag:s23] =	ssyncset.done $0x0  }
0xa4: {  	s25 =	simm.s32 $0x1B8E;
	s24 =	sld [smem:$0x3FFE];
	[sflag:s23] =	ssyncadd.s32 $0xFFFFFFFF  }
0xa5: {  	s26 =	simm.s32 $execute0_lowered;
	[smem:$0x3FD2] =	sst s25  }
0xa6: {  	s5 =	sshll.u32 s26, $0x1;
	_ =	strace $0x80000049;
	[dreg:$0x1] =	wrdreg $0xFFFFFFFF  }
0xa7: {  	s28 =	simm.s32 $_size_execute0_lowered;
	s3 =	sadd.s32 s3, s5;
	[dreg:$0x0] =	wrdreg $0x0  }
0xa8: {  	s5 =	sshll.u32 s28, $0x1;
	[dreg:$0x2] =	wrdreg s3  }
0xa9: {  	[dreg:$0x3] =	wrdreg s5  }
0xaa: {  	[dreg:$0x4] =	wrdreg $0xC0  }
0xab: {  	_ =	task [dreg:s7], $0x5FFFF  }
0xac: {  	[dreg:$0x1] =	wrdreg $0xFFFFFFFF  }
0xad: {  	[dreg:$0x0] =	wrdreg $0x60  }
0xae: {  	[dreg:$0x2] =	wrdreg s24  }
0xaf: {  	[dreg:$0x3] =	wrdreg s2  }
0xb0: {  	[dreg:$0x4] =	wrdreg $0x9  }
0xb1: {  	_ =	task.clear_ibuf [dreg:s7], $0x5FFFF;
	_ =	strace $0x90000049  }
0xb2: {  	s29 =	simm.s32 $0x9;
	_ =	strace $0x8000004B  }
0xb3: {  	_ =	swait.ge [sflag:s29], $0x1  }
0xb4: {  	[sflag:s29] =	ssyncadd.s32 $0xFFFFFFFF  }
0xb5: {  	_ =	strace $0x9000004B  }
0xb6: {  	_ =	sfence  }
0xb7: {  	s30 =	sld [smem:$0x0];
	_ =	sdelay $0x2  }
0xb8: {  	s31 =	sshll.u32 s1, $0xD;
	s1 =	sshrl.u32 s1, $0x2  }
0xb9: {  	s3 =	sand.u32 $0x4000, s31;
	s1 =	sadd.s32 s1, s30  }
0xba: {  	s0 =	sor.u32 s3, s0;
	s1 =	sshll.u32 s1, $0x11  }
0xbb: {  	s0 =	sor.u32 s1, s0  }
0xbc: {  	s0 =	sadd.s32 $0x8F2B, s0  }
0xbd: {  	[sflag:s0] =	ssyncadd.remote.s32 $0x1  }
0xbe: {  	_ =	sfence.sel $0xFFFF  }
0xbf: {  	[dreg:$0x0] =	wrdreg $0xFFFFFFFF;
	(pc) =	sbr.abs _section_cstart, $3  }
0xc0: {  	[dreg:$0x1] =	wrdreg $0xFFFFFFFF  }
0xc1: {  	_ =	task.clear_ibuf [dreg:s7], $0x2FFFF;
	_ =	strace $0x9FFFFFFF  }
0xc2: {  	(tm) =	ssettm $0x7FFFFFFF  }
0xc3: {  	_ =	shalt  }
tec
execute0_lowered:
.L_overlay_start_1:
0x0: {  	(tag) =	ssettag $0x1  }
0x1: {  	s4 =	rddreg [dreg:$0x0]  }
0x2: {  	s5 =	rddreg [dreg:$0x1];
	s1 =	stileid.u32  }
0x3: {  	s2 =	srdreg.scid;
	s0 =	rddreg [dreg:$0x2];
	s10 =	simm.s32 $0x50A0  }
0x4: {  	s11 =	simm.s32 $0x5320;
	s12 =	simm.s32 $0x55A0;
	s13 =	simm.s32 $0x5820  }
0x5: {  	s14 =	simm.s32 $0x1;
	s15 =	simm.s32 $0x0;
	s3 =	sand.u32 $0x1, s2  }
0x6: {  	s6 =	sshll.u32 s1, $0x1;
	s2 =	simm.s32 $0x0;
	s7 =	smul.u32 $0x9C40, s1  }
0x7: {  	s6 =	sor.u32 s3, s6;
	[smem:$0x7FF] =	sst s2;
	s9 =	smul.u32 $0x4E20, s3  }
0x8: {  	s8 =	ssub.s32 $0x2, s3;
	s3 =	sadd.s32 $0x51C00, s4;
	s6 =	smul.u32 $0x4E20, s6  }
0x9: {  	_ =	strace $0x8000004A;
	s4 =	sadd.s32 s7, s4;
	s30 =	sshrl.u32 s8, $0x1  }
0xa: {  	s7 =	ssub.s32 s8, s30;
	s31 =	sadd.s32 s9, s4;
	s6 =	sshrl.u32 s6, $0x3  }
0xb: {  	s8 =	simm.s32 $0x50;
	s9 =	simm.s32 $0x4E20;
	s4 =	sadd.s32 s5, s6  }
0xc: {  	s5 =	smax.u32 s7, $0x1;
	s6 =	sadd.s32 $0x54400, s31;
	s7 =	simm.s32 $0x2  }
.LBB2_1:
0xd: {  	[tilespmem:s2], [sflag:$0x2] =	stream.linear.gather [hbm4b:s4+s2], $0x4E20, $0x38;
	[tilespmem:$0x5AA0] =	vst v63  }
0xe: {  	_ =	swait.ge [sflag:s7], $0x4E20  }
0xf: {  	[sflag:s7] =	ssyncset.done $0x0  }
0x10: {  	s16 =	simm.s32 $0x0;
	[sflag:s7] =	ssyncadd.s32 $0xFFFFB1E0  }
0x11: {  	[tilespmem:s9], [sflag:$0x1] =	stream.indirect.gather [hbm4b:s3+s8], $0x8, s16, s8, $0xb8;
	[tilespmem:$0x5AA0] =	vst v63  }
0x12: {  	s28 =	simm.s32 $0x50  }
0x13: {  	[tilespmem:s10], [sflag:$0x1] =	stream.indirect.gather [hbm4b:s3+s8], $0x8, s28, s8, $0xb8;
	[tilespmem:$0x5AA0] =	vst v63  }
0x14: {  	s29 =	simm.s32 $0xA0  }
0x15: {  	[tilespmem:s11], [sflag:$0x1] =	stream.indirect.gather [hbm4b:s3+s8], $0x8, s29, s8, $0xb8;
	[tilespmem:$0x5AA0] =	vst v63  }
0x16: {  	s30 =	simm.s32 $0xF0  }
0x17: {  	[tilespmem:s12], [sflag:$0x1] =	stream.indirect.gather [hbm4b:s3+s8], $0x8, s30, s8, $0xb8;
	[tilespmem:$0x5AA0] =	vst v63  }
0x18: {  	s31 =	simm.s32 $0x140  }
0x19: {  	[tilespmem:s13], [sflag:$0x1] =	stream.indirect.gather [hbm4b:s3+s8], $0x8, s31, s8, $0xb8;
	[tilespmem:$0x5AA0] =	vst v63  }
0x1a: {  	_ =	swait.ge [sflag:s14], $0x280  }
0x1b: {  	[sflag:s14] =	ssyncset.done $0x0  }
0x1c: {  	[sflag:s14] =	ssyncadd.s32 $0xFFFFFD80  }
0x1d: {  	_ =	swait.ge [sflag:s14], $0x280  }
0x1e: {  	[sflag:s14] =	ssyncset.done $0x0  }
0x1f: {  	[sflag:s14] =	ssyncadd.s32 $0xFFFFFD80  }
0x20: {  	_ =	swait.ge [sflag:s14], $0x280  }
0x21: {  	[sflag:s14] =	ssyncset.done $0x0  }
0x22: {  	[sflag:s14] =	ssyncadd.s32 $0xFFFFFD80  }
0x23: {  	_ =	swait.ge [sflag:s14], $0x280  }
0x24: {  	[sflag:s14] =	ssyncset.done $0x0  }
0x25: {  	[sflag:s14] =	ssyncadd.s32 $0xFFFFFD80  }
0x26: {  	_ =	swait.ge [sflag:s14], $0x280  }
0x27: {  	[sflag:s14] =	ssyncset.done $0x0  }
0x28: {  	[sflag:s14] =	ssyncadd.s32 $0xFFFFFD80  }
0x29: {  	[hbm4b:s6+s2] =	stream.linear.scatter [tilespmem:s9], [sflag:$0x2], $0xC80, $0x38;
	[tilespmem:$0x5AA0] =	vst v63  }
0x2a: {  	s17 =	simm.s32 $0x640;
	_ =	swait.ge [sflag:s7], $0xC80  }
0x2b: {  	s18 =	simm.s32 $0xC80;
	s16 =	sadd.s32 $0x190, s6;
	[sflag:s7] =	ssyncset.done $0x0  }
.LBB2_2:
0x2c: {  	s19 =	sshra.s32 s17, $0x2  }
0x2d: {  	[sflag:s7] =	ssyncadd.s32 $0xFFFFF380;
	s17 =	smov.u32 s18;
	s20 =	sadd.s32 $0x640, s18  }
0x2e: {  	[tilespmem:s9], [sflag:$0x1] =	stream.indirect.gather [hbm4b:s3+s8], $0x8, s19, s8, $0xb8;
	[tilespmem:$0x5AA0] =	vst v63  }
0x2f: {  	p0 =	sne.s32 s18, $0x13240;
	s18 =	sadd.s32 $0x50, s19  }
0x30: {  	[tilespmem:s10], [sflag:$0x1] =	stream.indirect.gather [hbm4b:s3+s8], $0x8, s18, s8, $0xb8;
	[tilespmem:$0x5AA0] =	vst v63  }
0x31: {  	s18 =	sadd.s32 $0xA0, s19  }
0x32: {  	[tilespmem:s11], [sflag:$0x1] =	stream.indirect.gather [hbm4b:s3+s8], $0x8, s18, s8, $0xb8;
	[tilespmem:$0x5AA0] =	vst v63  }
0x33: {  	s18 =	sadd.s32 $0xF0, s19  }
0x34: {  	[tilespmem:s12], [sflag:$0x1] =	stream.indirect.gather [hbm4b:s3+s8], $0x8, s18, s8, $0xb8;
	[tilespmem:$0x5AA0] =	vst v63  }
0x35: {  	s18 =	sadd.s32 $0x140, s19  }
0x36: {  	[tilespmem:s13], [sflag:$0x1] =	stream.indirect.gather [hbm4b:s3+s8], $0x8, s18, s8, $0xb8;
	[tilespmem:$0x5AA0] =	vst v63  }
0x37: {  	_ =	swait.ge [sflag:s14], $0x280  }
0x38: {  	[sflag:s14] =	ssyncset.done $0x0  }
0x39: {  	[sflag:s14] =	ssyncadd.s32 $0xFFFFFD80  }
0x3a: {  	_ =	swait.ge [sflag:s14], $0x280  }
0x3b: {  	[sflag:s14] =	ssyncset.done $0x0  }
0x3c: {  	[sflag:s14] =	ssyncadd.s32 $0xFFFFFD80  }
0x3d: {  	_ =	swait.ge [sflag:s14], $0x280  }
0x3e: {  	[sflag:s14] =	ssyncset.done $0x0  }
0x3f: {  	[sflag:s14] =	ssyncadd.s32 $0xFFFFFD80  }
0x40: {  	_ =	swait.ge [sflag:s14], $0x280  }
0x41: {  	[sflag:s14] =	ssyncset.done $0x0  }
0x42: {  	[sflag:s14] =	ssyncadd.s32 $0xFFFFFD80  }
0x43: {  	_ =	swait.ge [sflag:s14], $0x280  }
.Ltmp0:
0x44: {  	[sflag:s14] =	ssyncset.done $0x0;
	(pc) =	sbr.rel @p0 .LBB2_2-.Ltmp0, $4  }
0x45: {  	[sflag:s14] =	ssyncadd.s32 $0xFFFFFD80  }
0x46: {  	[hbm4b:s16+s2] =	stream.linear.scatter [tilespmem:s9], [sflag:$0x2], $0xC80, $0x38;
	[tilespmem:$0x5AA0] =	vst v63  }
0x47: {  	_ =	swait.ge [sflag:s7], $0xC80  }
0x48: {  	s18 =	smov.u32 s20;
	s16 =	sadd.s32 $0x190, s16;
	[sflag:s7] =	ssyncset.done $0x0  }
0x49: {  	s17 =	sshra.s32 s17, $0x2;
	[sflag:s7] =	ssyncadd.s32 $0xFFFFF380  }
0x4a: {  	[tilespmem:s9], [sflag:$0x1] =	stream.indirect.gather [hbm4b:s3+s8], $0x8, s17, s8, $0xb8;
	[tilespmem:$0x5AA0] =	vst v63  }
0x4b: {  	s18 =	sadd.s32 $0x50, s17  }
0x4c: {  	[tilespmem:s10], [sflag:$0x1] =	stream.indirect.gather [hbm4b:s3+s8], $0x8, s18, s8, $0xb8;
	[tilespmem:$0x5AA0] =	vst v63  }
0x4d: {  	s30 =	sadd.s32 $0xA0, s17  }
0x4e: {  	[tilespmem:s11], [sflag:$0x1] =	stream.indirect.gather [hbm4b:s3+s8], $0x8, s30, s8, $0xb8;
	[tilespmem:$0x5AA0] =	vst v63  }
0x4f: {  	s31 =	sadd.s32 $0xF0, s17  }
0x50: {  	[tilespmem:s12], [sflag:$0x1] =	stream.indirect.gather [hbm4b:s3+s8], $0x8, s31, s8, $0xb8;
	[tilespmem:$0x5AA0] =	vst v63  }
0x51: {  	s17 =	sadd.s32 $0x140, s17  }
0x52: {  	[tilespmem:s13], [sflag:$0x1] =	stream.indirect.gather [hbm4b:s3+s8], $0x8, s17, s8, $0xb8;
	[tilespmem:$0x5AA0] =	vst v63  }
0x53: {  	_ =	swait.ge [sflag:s14], $0x280  }
0x54: {  	[sflag:s14] =	ssyncset.done $0x0  }
0x55: {  	[sflag:s14] =	ssyncadd.s32 $0xFFFFFD80  }
0x56: {  	_ =	swait.ge [sflag:s14], $0x280  }
0x57: {  	[sflag:s14] =	ssyncset.done $0x0  }
0x58: {  	[sflag:s14] =	ssyncadd.s32 $0xFFFFFD80  }
0x59: {  	_ =	swait.ge [sflag:s14], $0x280  }
0x5a: {  	[sflag:s14] =	ssyncset.done $0x0  }
0x5b: {  	[sflag:s14] =	ssyncadd.s32 $0xFFFFFD80  }
0x5c: {  	_ =	swait.ge [sflag:s14], $0x280  }
0x5d: {  	[sflag:s14] =	ssyncset.done $0x0  }
0x5e: {  	[sflag:s14] =	ssyncadd.s32 $0xFFFFFD80  }
0x5f: {  	s15 =	sadd.s32 $0x1, s15;
	_ =	swait.ge [sflag:s14], $0x280  }
0x60: {  	p0 =	sne.s32 s15, s5;
	[sflag:s14] =	ssyncset.done $0x0  }
.Ltmp1:
0x61: {  	[sflag:s14] =	ssyncadd.s32 $0xFFFFFD80;
	(pc) =	sbr.rel @p0 .LBB2_1-.Ltmp1, $4  }
0x62: {  	[hbm4b:s16+s2] =	stream.linear.scatter [tilespmem:s9], [sflag:$0x2], $0xC80, $0x38;
	[tilespmem:$0x5AA0] =	vst v63  }
0x63: {  	_ =	swait.ge [sflag:s7], $0xC80  }
0x64: {  	[sflag:s7] =	ssyncset.done $0x0  }
0x65: {  	[sflag:s7] =	ssyncadd.s32 $0xFFFFF380  }
0x66: {  	_ =	sfence.sel $0x180000  }
0x67: {  	[bflag:$0x0] =	sbarrier.arrive $0xFFFF  }
0x68: {  	p0 =	sne.s32 s1, $0x0;
	_ =	strace $0x9000004A  }
0x69: {  	s0 =	sadd.s32 @!p0 $0x100000, s0;
	[bflag:$0x2] =	sbarrier.arrive $0xFFFF  }
0x6a: {  	[sflag:s0] =	ssyncadd.tile.s32 @!p0 $0x1;
	_ =	shalt  }
.Lfunc_end2:
_tile_overlayer_lowered:
.L_overlay_start_2:
0x6b: {  	(tag) =	ssettag $0x2  }
0x6c: {  	s0 =	rddreg [dreg:$0x0];
	s2 =	stileid.u32  }
0x6d: {  	s1 =	rddreg [dreg:$0x1];
	p0 =	sne.s32 s2, $0x0  }
0x6e: {  	s3 =	rddreg [dreg:$0x2];
	[bflag:$0x3] =	sbarrier.arrive $0xFFFF;
	s2 =	simm.s32 @!p0 $0x1C02  }
0x6f: {  	[timem:s3], [sflag:s2] =	dma.local @!p0 [hbm:s0], s1  }
0x70: {  	s0 =	simm.s32 @!p0 $0x2  }
0x71: {  	_ =	swait.ge @!p0 [sflag:s0], s1  }
0x72: {  	s1 =	ssub.s32 @!p0 $0x0, s1;
	[sflag:s0] =	ssyncset.done @!p0 $0x0  }
0x73: {  	[sflag:s0] =	ssyncadd.s32 @!p0 s1  }
0x74: {  	[bflag:$0x3] =	sbarrier.arrive $0xFFFF  }
0x75: {  	_ =	shalt  }

// kernel: kernel.13.cloned.1.call-start
scs
__scs_entry_jumppad:
0x0: {  	(pc) =	sbr.rel $0x88, $3  }
0x1: {  	(tag) =	ssettag $0x0;
	lr =	simm.s32 $0x1  }
0x2: {  	[smem:$0x3F9A] =	sst lr;
	_ =	strace $0xD0000000  }
0x3: {  	_ = 	snop  }
0x4: {  	_ = 	snop  }
0x5: {  	_ = 	snop  }
0x6: {  	_ = 	snop  }
0x7: {  	_ = 	snop  }
__scs_overlays_trampoline_lowered:
0x8: {  	[smem:$0x3FA9] =	sst s0  }
0x9: {  	[smem:$0x3FAA] =	sst s1  }
0xa: {  	[smem:$0x3FAB] =	sst s2  }
0xb: {  	[smem:$0x3FAC] =	sst s3  }
0xc: {  	[smem:$0x3FAD] =	sst s4  }
0xd: {  	[smem:$0x3FAE] =	sst s5  }
0xe: {  	[smem:$0x3FAF] =	sst s6  }
0xf: {  	[smem:$0x3FB0] =	sst s7  }
0x10: {  	[smem:$0x3FB1] =	sst s8  }
0x11: {  	[smem:$0x3FB2] =	sst s9;
	s0 =	simm.s32 @!p0 $0x0  }
0x12: {  	s1 =	sld [smem:$0x3F98];
	s0 =	simm.s32 @p0 $0x1  }
0x13: {  	[smem:$0x3FB3] =	sst s0;
	s0 =	simm.s32 @!p1 $0x0  }
0x14: {  	s2 =	sld [smem:$0x3F97];
	s0 =	simm.s32 @p1 $0x1  }
0x15: {  	[smem:$0x3FB4] =	sst s0;
	s0 =	simm.s32 @!p2 $0x0  }
0x16: {  	s3 =	sld [smem:$0x3FDB];
	s0 =	simm.s32 @p2 $0x1  }
0x17: {  	s4 =	simm.s32 $0x1BF5;
	[smem:$0x3FB6] =	sst s0  }
0x18: {  	s0 =	sld [smem:$0x3F99];
	_ =	swait.ge [sflag:s4], $0x0  }
0x19: {  	s7 =	sld [smem:$0x3F9A]  }
0x1a: {  	s8 =	sadd.s32 $0xFFFFE003, lr  }
0x1b: {  	s9 =	sadd.s32 $0xFFFFFEF7, lr;
	s5 =	simm.s32 $0xFFFFFFFF;
	p2 =	slt.u32 s8, $0xFFFFF086  }
0x1c: {  	p1 =	slt.u32 s9, $0xF7A;
	s5 =	simm.s32 @!p2 $0x0  }
0x1d: {  	s5 =	simm.s32 @p1 $0x1;
	p0 =	seq.s32 s7, s2  }
0x1e: {  	s7 =	smul.u32 @!p0 $0xF7A, s2;
	p2 =	seq.s32 @!p0 s5, $0x0  }
0x1f: {  	s9 =	smul.u32 $0xF7A, s1;
	s8 =	simm.s32 @!p0 $0x1BF5;
	p2 =	por !p2, p0  }
0x20: {  	[sflag:s8] =	ssyncset.s32 @!p0 $0xFFFFF086;
	s6 =	sadd.s32 @!p0 s3, s7;
	s7 =	simm.s32 @!p0 $0x108  }
0x21: {  	s3 =	sadd.s32 s3, s9;
	s6 =	sadd.s32 @!p0 $0x88, s6;
	s7 =	simm.s32 @p2 $0x1082  }
0x22: {  	[simem:s7], [sflag:s8] =	dma.local @!p0 [hbm:s6], $0xF7A  }
0x23: {  	s9 =	sor.u32 $0xD0000000, s2;
	s6 =	simm.s32 $0x108;
	_ =	swait.ge @!p0 [sflag:s8], $0x0  }
0x24: {  	s3 =	sadd.s32 $0x88, s3;
	s6 =	simm.s32 @!p1 $0x1082;
	[sflag:s4] =	ssyncset.s32 $0xFFFFF086  }
0x25: {  	[simem:s6], [sflag:s4] =	dma.local [hbm:s3], $0xF7A  }
0x26: {  	[smem:$0x3F9A] =	sst s1;
	(tag) =	ssettag s2;
	_ =	strace s9  }
0x27: {  	s1 =	sld [smem:$0x3FAA]  }
0x28: {  	s2 =	sld [smem:$0x3FAB]  }
0x29: {  	s4 =	sld [smem:$0x3FAD]  }
0x2a: {  	p0 =	seq.s32 s5, $0x0;
	s5 =	sld [smem:$0x3FAE]  }
0x2b: {  	s6 =	sld [smem:$0x3FAF]  }
0x2c: {  	s7 =	sld [smem:$0x3FB0]  }
0x2d: {  	s3 =	simm.s32 $0x108;
	s8 =	sld [smem:$0x3FB1]  }
0x2e: {  	s3 =	simm.s32 @!p0 $0x1082;
	s9 =	sld [smem:$0x3FB2]  }
0x2f: {  	lr =	sadd.s32 s0, s3;
	s0 =	sld [smem:$0x3FA9]  }
0x30: {  	s3 =	sld [smem:$0x3FAC]  }
0x31: {  	[smem:$0x3FB5] =	sst s10  }
0x32: {  	s10 =	sld [smem:$0x3FB3];
	_ =	sdelay $0x3  }
0x33: {  	p0 =	seq.s32 s10, $0x1;
	s10 =	sld [smem:$0x3FB5];
	_ =	sdelay $0x3  }
0x34: {  	[smem:$0x3FB5] =	sst s10  }
0x35: {  	s10 =	sld [smem:$0x3FB4];
	_ =	sdelay $0x3  }
0x36: {  	p1 =	seq.s32 s10, $0x1;
	s10 =	sld [smem:$0x3FB5];
	_ =	sdelay $0x3  }
0x37: {  	[smem:$0x3FB5] =	sst s10  }
0x38: {  	s10 =	sld [smem:$0x3FB6]  }
0x39: {  	_ = 	snop;
	(pc) =	sbr.ind lr, $3  }
0x3a: {  	_ = 	snop  }
0x3b: {  	_ = 	snop  }
0x3c: {  	p2 =	seq.s32 s10, $0x1;
	s10 =	sld [smem:$0x3FB5]  }
0x3d: {  	_ =	shalt  }
0x3e: {  	_ =	shalt  }
0x3f: {  	_ =	shalt  }
0x40: {  	_ =	shalt  }
0x41: {  	_ =	shalt  }
0x42: {  	_ =	shalt  }
0x43: {  	_ =	shalt  }
0x44: {  	_ =	shalt  }
0x45: {  	_ =	shalt  }
0x46: {  	_ =	shalt  }
0x47: {  	_ =	shalt  }
0x48: {  	_ =	shalt  }
0x49: {  	_ =	shalt  }
0x4a: {  	_ =	shalt  }
0x4b: {  	_ =	shalt  }
0x4c: {  	_ =	shalt  }
0x4d: {  	_ =	shalt  }
0x4e: {  	_ =	shalt  }
0x4f: {  	_ =	shalt  }
0x50: {  	_ =	shalt  }
0x51: {  	_ =	shalt  }
0x52: {  	_ =	shalt  }
0x53: {  	_ =	shalt  }
0x54: {  	_ =	shalt  }
0x55: {  	_ =	shalt  }
0x56: {  	_ =	shalt  }
0x57: {  	_ =	shalt  }
0x58: {  	_ =	shalt  }
0x59: {  	_ =	shalt  }
0x5a: {  	_ =	shalt  }
0x5b: {  	_ =	shalt  }
0x5c: {  	_ =	shalt  }
0x5d: {  	_ =	shalt  }
0x5e: {  	_ =	shalt  }
0x5f: {  	_ =	shalt  }
0x60: {  	_ =	shalt  }
0x61: {  	_ =	shalt  }
0x62: {  	_ =	shalt  }
0x63: {  	_ =	shalt  }
0x64: {  	_ =	shalt  }
0x65: {  	_ =	shalt  }
0x66: {  	_ =	shalt  }
0x67: {  	_ =	shalt  }
0x68: {  	_ =	shalt  }
0x69: {  	_ =	shalt  }
0x6a: {  	_ =	shalt  }
0x6b: {  	_ =	shalt  }
0x6c: {  	_ =	shalt  }
0x6d: {  	_ =	shalt  }
0x6e: {  	_ =	shalt  }
0x6f: {  	_ =	shalt  }
0x70: {  	_ =	shalt  }
0x71: {  	_ =	shalt  }
0x72: {  	_ =	shalt  }
0x73: {  	_ =	shalt  }
0x74: {  	_ =	shalt  }
0x75: {  	_ =	shalt  }
0x76: {  	_ =	shalt  }
0x77: {  	_ =	shalt  }
0x78: {  	_ =	shalt  }
0x79: {  	_ =	shalt  }
0x7a: {  	_ =	shalt  }
0x7b: {  	_ =	shalt  }
0x7c: {  	_ =	shalt  }
0x7d: {  	_ =	shalt  }
0x7e: {  	_ =	shalt  }
0x7f: {  	_ =	shalt  }
0x80: {  	_ =	shalt  }
0x81: {  	_ =	shalt  }
0x82: {  	_ =	shalt  }
0x83: {  	_ =	shalt  }
0x84: {  	_ =	shalt  }
0x85: {  	_ =	shalt  }
0x86: {  	_ =	shalt  }
0x87: {  	_ =	shalt  }
.Lfunc_end0:
.L_simem_size_0:
called_computation.2_lowered:
.L_overlay_start_0:
0x88: {  	s2 =	sld [smem:$0x3FD9]  }
0x89: {  	s3 =	sld [smem:$0x3FFE];
	_ =	sdelay $0x1  }
0x8a: {  	s1 =	srdreg.scid  }
0x8b: {  	s0 =	sand.u32 $0x1, s1  }
0x8c: {  	s17 =	sshll.u32 s0, $0xA;
	s2 =	sadd.s32 s3, s2  }
0x8d: {  	s2 =	sadd.s32 s2, s17  }
0x8e: {  	[smem:$0x3FC1] =	sst s2  }
0x8f: {  	_ = 	snop  }
0x90: {  	s2 =	sld [smem:$0x3FC7]  }
0x91: {  	s18 =	sld [smem:$0x3FD0];
	(tm) =	ssettm $0x1  }
0x92: {  	s4 =	sld [smem:$0x3FFB];
	_ =	sdelay $0x3  }
0x93: {  	_ =	strace s4  }
0x94: {  	s4 =	sld [smem:$0x3FFC];
	_ =	sdelay $0x3  }
0x95: {  	_ =	strace s4  }
0x96: {  	s4 =	sld [smem:$0x3FFD];
	_ =	sdelay $0x3  }
0x97: {  	_ =	strace s4  }
0x98: {  	_ =	strace $0x8FFFFFFF  }
0x99: {  	s19 =	sld [smem:$0x3FDB];
	_ =	sdelay $0x1  }
0x9a: {  	s5 =	simm.s32 $_scs_section_size  }
0x9b: {  	s6 =	simm.s32 $_size__tile_overlayer_lowered;
	s7 =	simm.s32 $_tile_overlayer_lowered  }
0x9c: {  	s22 =	simm.s32 $0x1BFF;
	s21 =	sshll.u32 s7, $0x1;
	s4 =	sadd.s32 s5, s19  }
0x9d: {  	s8 =	simm.s32 $0x0;
	s20 =	sshll.u32 s6, $0x1;
	s6 =	sadd.s32 s21, s4  }
0x9e: {  	[timem:s8], [sflag:s22] =	dma.local [hbm:s6], s20  }
0x9f: {  	_ =	swait.ge [sflag:s22], s20  }
0xa0: {  	s5 =	ssub.s32 $0x0, s20;
	[sflag:s22] =	ssyncset.done $0x0  }
0xa1: {  	[sflag:s22] =	ssyncadd.s32 s5;
	_ =	sdelay $0x1  }
0xa2: {  	s23 =	simm.s32 $0x1B8B  }
0xa3: {  	_ =	swait.ge [sflag:s23], $0x1  }
0xa4: {  	[sflag:s23] =	ssyncset.done $0x0  }
0xa5: {  	s25 =	simm.s32 $0x1B8E;
	s24 =	sld [smem:$0x3FFE];
	[sflag:s23] =	ssyncadd.s32 $0xFFFFFFFF  }
0xa6: {  	s26 =	simm.s32 $execute0_lowered;
	[smem:$0x3FD2] =	sst s25  }
0xa7: {  	s6 =	sshll.u32 s26, $0x1;
	_ =	strace $0x8000004C;
	[dreg:$0x1] =	wrdreg $0xFFFFFFFF  }
0xa8: {  	s28 =	simm.s32 $_size_execute0_lowered;
	s4 =	sadd.s32 s4, s6;
	[dreg:$0x0] =	wrdreg $0x0  }
0xa9: {  	s6 =	sshll.u32 s28, $0x1;
	[dreg:$0x2] =	wrdreg s4  }
0xaa: {  	[dreg:$0x3] =	wrdreg s6  }
0xab: {  	[dreg:$0x4] =	wrdreg $0xC0  }
0xac: {  	_ =	task [dreg:s8], $0x5FFFF  }
0xad: {  	[dreg:$0x1] =	wrdreg $0xFFFFFFFF  }
0xae: {  	[dreg:$0x0] =	wrdreg $0x60  }
0xaf: {  	[dreg:$0x2] =	wrdreg s24  }
0xb0: {  	[dreg:$0x3] =	wrdreg s2  }
0xb1: {  	[dreg:$0x4] =	wrdreg s18  }
0xb2: {  	[dreg:$0x5] =	wrdreg $0x0  }
0xb3: {  	[dreg:$0x6] =	wrdreg $0x9  }
0xb4: {  	_ =	task.clear_ibuf [dreg:s8], $0x7FFFF;
	_ =	strace $0x9000004C  }
0xb5: {  	s29 =	simm.s32 $0x9;
	_ =	strace $0x8000004E  }
0xb6: {  	_ =	swait.ge [sflag:s29], $0x1  }
0xb7: {  	[sflag:s29] =	ssyncadd.s32 $0xFFFFFFFF  }
0xb8: {  	_ =	strace $0x9000004E  }
0xb9: {  	_ =	sfence  }
0xba: {  	s30 =	sld [smem:$0x0];
	_ =	sdelay $0x2  }
0xbb: {  	s31 =	sshll.u32 s1, $0xD;
	s1 =	sshrl.u32 s1, $0x2  }
0xbc: {  	s3 =	sand.u32 $0x4000, s31;
	s1 =	sadd.s32 s1, s30  }
0xbd: {  	s0 =	sor.u32 s3, s0;
	s1 =	sshll.u32 s1, $0x11  }
0xbe: {  	s0 =	sor.u32 s1, s0  }
0xbf: {  	s0 =	sadd.s32 $0x8F2B, s0  }
0xc0: {  	[sflag:s0] =	ssyncadd.remote.s32 $0x1  }
0xc1: {  	_ =	sfence.sel $0xFFFF  }
0xc2: {  	[dreg:$0x0] =	wrdreg $0xFFFFFFFF;
	(pc) =	sbr.abs _section_cstart, $3  }
0xc3: {  	[dreg:$0x1] =	wrdreg $0xFFFFFFFF  }
0xc4: {  	_ =	task.clear_ibuf [dreg:s8], $0x2FFFF;
	_ =	strace $0x9FFFFFFF  }
0xc5: {  	(tm) =	ssettm $0x7FFFFFFF  }
tec
execute0_lowered:
.L_overlay_start_1:
0x0: {  	(tag) =	ssettag $0x1  }
0x1: {  	s4 =	rddreg [dreg:$0x0]  }
0x2: {  	s6 =	rddreg [dreg:$0x1]  }
0x3: {  	s5 =	rddreg [dreg:$0x2]  }
0x4: {  	s2 =	rddreg [dreg:$0x3]  }
0x5: {  	s3 =	srdreg.scid;
	s0 =	stileid.u32  }
0x6: {  	s20 =	simm.s32 $0x1;
	s21 =	simm.s32 $0x50;
	s9 =	smul.u32 $0x14000, s0  }
0x7: {  	s22 =	simm.s32 $0x3;
	s23 =	simm.s32 $0x2;
	s24 =	smul.u32 $0x2800, s0  }
0x8: {  	s28 =	simm.s32 $0x0;
	s7 =	sand.u32 $0x1, s3;
	s26 =	smul.u32 $0x50000, s0  }
0x9: {  	s8 =	sshll.u32 s0, $0x1;
	s3 =	simm.s32 $0x0;
	s19 =	smul.u32 $0x9C40, s0  }
0xa: {  	s12 =	sadd.s32 $0xF0800, s4;
	s15 =	sadd.s32 $0x54400, s4;
	s14 =	smul.u32 $0x27100, s7  }
0xb: {  	s17 =	sadd.s32 $0x12C000, s2;
	p0 =	seq.s32 s0, $0xF;
	s18 =	smul.u32 $0x138800, s7  }
0xc: {  	s8 =	sor.u32 s7, s8;
	[smem:$0x7FF] =	sst s3;
	s30 =	smul.u32 $0x4E20, s7  }
0xd: {  	s11 =	ssub.s32 $0x2, s7;
	s10 =	smul.u32 $0x4E20, s8;
	_ =	strace $0x8000004D  }
0xe: {  	s8 =	smul.u32 $0x4E200, s8;
	s13 =	sshrl.u32 s11, $0x1;
	s16 =	sadd.s32 s9, s2  }
0xf: {  	s25 =	sshrl.u32 s9, $0x3;
	s9 =	sshrl.u32 s26, $0x2;
	s26 =	simm.s32 $0x18650  }
0x10: {  	s11 =	ssub.s32 s11, s13;
	s4 =	sadd.s32 s5, s25;
	s5 =	sadd.s32 $0x25800, s5  }
0x11: {  	s29 =	sadd.s32 s24, s14;
	s31 =	sshrl.u32 s18, $0x3;
	s13 =	sadd.s32 s30, s19  }
0x12: {  	s25 =	sadd.s32 s9, s2;
	s14 =	sshrl.u32 @p0 s17, $0x3;
	s16 =	sshrl.u32 @!p0 s16, $0x3  }
0x13: {  	s17 =	simm.s32 $0x4;
	s18 =	simm.s32 $0x186A0;
	s19 =	simm.s32 $0x1AEA0  }
0x14: {  	s10 =	sshrl.u32 s10, $0x3;
	s7 =	sadd.s32 s12, s8;
	s8 =	sadd.s32 s15, s29  }
0x15: {  	s13 =	sshll.u32 s13, $0x4;
	s25 =	sshrl.u32 @!p0 s25, $0x3;
	s6 =	sadd.s32 s6, s10  }
0x16: {  	s10 =	sadd.s32 s15, s31;
	s13 =	sadd.s32 s12, s13;
	s15 =	sshll.u32 @!p0 s0, $0x6  }
0x17: {  	s9 =	sadd.s32 $0x25800, s10;
	s10 =	smax.u32 s11, $0x1;
	s11 =	sadd.s32 $0x4DD00, s7  }
0x18: {  	s12 =	sadd.s32 $0xA00, s13;
	s13 =	sadd.s32 $0x500, s13;
	s15 =	sor.u32 @!p0 $0x1C04, s15  }
.LBB2_1:
0x19: {  	s29 =	simm.s32 @p0 $0x1FC4  }
0x1a: {  	[spmem:s14], [sflag:s29] =	dma.local @p0 [hbm:s5], $0x1900  }
0x1b: {  	s29 =	simm.s32 @p0 $0x4  }
0x1c: {  	_ =	swait.ge @p0 [sflag:s29], $0x1900  }
0x1d: {  	[sflag:s29] =	ssyncset.done @p0 $0x0  }
0x1e: {  	[sflag:s29] =	ssyncadd.s32 @p0 $0xFFFFE700;
	s29 =	simm.s32 @!p0 $0x4  }
0x1f: {  	[spmem:s16], [sflag:s15] =	dma.local @!p0 [hbm:s4], $0x2800  }
0x20: {  	_ =	swait.ge @!p0 [sflag:s29], $0x2800  }
0x21: {  	[sflag:s29] =	ssyncset.done @!p0 $0x0  }
0x22: {  	[sflag:s29] =	ssyncadd.s32 @!p0 $0xFFFFD800  }
0x23: {  	s29 =	simm.s32 $0x13880;
	[bflag:$0x0] =	sbarrier.arrive $0xFFFF  }
0x24: {  	[tilespmem:s29], [sflag:$0x4] =	stream.linear.gather [hbm4b:s6+s3], $0x4E20, $0x38;
	[tilespmem:$0x1D6A0] =	vst v63  }
0x25: {  	_ =	swait.ge [sflag:s17], $0x4E20  }
0x26: {  	[sflag:s17] =	ssyncset.done $0x0  }
0x27: {  	[sflag:s17] =	ssyncadd.s32 $0xFFFFB1E0  }
0x28: {  	[tilespmem:s18], [sflag:$0x1] =	stream.linear.gather [hbm4b:s7+s3], $0x2800, $0x38;
	[tilespmem:$0x1D6A0] =	vst v63  }
0x29: {  	s30 =	sadd.s32 $0x0, s13  }
0x2a: {  	[tilespmem:s19], [sflag:$0x2] =	stream.linear.gather [hbm4b:s30+s3], $0x2800, $0x38;
	[tilespmem:$0x1D6A0] =	vst v63  }
0x2b: {  	_ =	swait.ge [sflag:s20], $0x2800  }
0x2c: {  	[sflag:s20] =	ssyncset.done $0x0  }
0x2d: {  	[sflag:s20] =	ssyncadd.s32 $0xFFFFD800  }
0x2e: {  	[spmem:s2] =	stream.indirect.scatter.add.f32 [tilespmem:s18], [sflag:$0x3], $0x80, s29, s21, $0xb8;
	[tilespmem:$0x1D6A0] =	vst v63  }
0x2f: {  	_ =	swait.ge [sflag:s22], $0x2800  }
0x30: {  	[sflag:s22] =	ssyncset.done $0x0  }
0x31: {  	s29 =	sadd.s32 $0x0, s12;
	[sflag:s22] =	ssyncadd.s32 $0xFFFFD800  }
0x32: {  	[tilespmem:s18], [sflag:$0x1] =	stream.linear.gather [hbm4b:s29+s3], $0x2800, $0x38;
	[tilespmem:$0x1D6A0] =	vst v63  }
0x33: {  	_ =	swait.ge [sflag:s23], $0x2800  }
0x34: {  	[sflag:s23] =	ssyncset.done $0x0  }
0x35: {  	s29 =	simm.s32 $0x138D0;
	[sflag:s23] =	ssyncadd.s32 $0xFFFFD800  }
0x36: {  	[spmem:s2] =	stream.indirect.scatter.add.f32 [tilespmem:s19], [sflag:$0x3], $0x80, s29, s21, $0xb8;
	[tilespmem:$0x1D6A0] =	vst v63  }
0x37: {  	s31 =	simm.s32 $0x1400;
	_ =	swait.ge [sflag:s22], $0x2800  }
0x38: {  	s30 =	simm.s32 $0xA00;
	s29 =	simm.s32 $0x13920;
	[sflag:s22] =	ssyncset.done $0x0  }
.LBB2_2:
0x39: {  	s0 =	sadd.s32 s30, s13  }
0x3a: {  	[sflag:s22] =	ssyncadd.s32 $0xFFFFD800;
	s1 =	smov.u32 s31;
	s24 =	sadd.s32 $0xA00, s31  }
0x3b: {  	[tilespmem:s19], [sflag:$0x2] =	stream.linear.gather [hbm4b:s0+s3], $0x2800, $0x38;
	[tilespmem:$0x1D6A0] =	vst v63  }
0x3c: {  	p1 =	sne.s32 s31, $0x4CE00;
	_ =	swait.ge [sflag:s20], $0x2800  }
0x3d: {  	[sflag:s20] =	ssyncset.done $0x0  }
0x3e: {  	[sflag:s20] =	ssyncadd.s32 $0xFFFFD800  }
0x3f: {  	[spmem:s2] =	stream.indirect.scatter.add.f32 [tilespmem:s18], [sflag:$0x3], $0x80, s29, s21, $0xb8;
	[tilespmem:$0x1D6A0] =	vst v63  }
0x40: {  	_ =	swait.ge [sflag:s22], $0x2800  }
0x41: {  	[sflag:s22] =	ssyncset.done $0x0  }
0x42: {  	s0 =	sadd.s32 s30, s12;
	s30 =	smov.u32 s1;
	[sflag:s22] =	ssyncadd.s32 $0xFFFFD800  }
0x43: {  	[tilespmem:s18], [sflag:$0x1] =	stream.linear.gather [hbm4b:s0+s3], $0x2800, $0x38;
	[tilespmem:$0x1D6A0] =	vst v63  }
0x44: {  	_ =	swait.ge [sflag:s23], $0x2800  }
.Ltmp0:
0x45: {  	[sflag:s23] =	ssyncset.done $0x0;
	(pc) =	sbr.rel @p1 .LBB2_2-.Ltmp0, $4  }
0x46: {  	s0 =	sadd.s32 $0x50, s29;
	[sflag:s23] =	ssyncadd.s32 $0xFFFFD800  }
0x47: {  	[spmem:s2] =	stream.indirect.scatter.add.f32 [tilespmem:s19], [sflag:$0x3], $0x80, s0, s21, $0xb8;
	[tilespmem:$0x1D6A0] =	vst v63  }
0x48: {  	_ =	swait.ge [sflag:s22], $0x2800  }
0x49: {  	s31 =	smov.u32 s24;
	s29 =	sadd.s32 $0xA0, s29;
	[sflag:s22] =	ssyncset.done $0x0  }
0x4a: {  	s0 =	sadd.s32 s30, s13;
	[sflag:s22] =	ssyncadd.s32 $0xFFFFD800  }
0x4b: {  	[tilespmem:s19], [sflag:$0x2] =	stream.linear.gather [hbm4b:s0+s3], $0x2800, $0x38;
	[tilespmem:$0x1D6A0] =	vst v63  }
0x4c: {  	_ =	swait.ge [sflag:s20], $0x2800  }
0x4d: {  	[sflag:s20] =	ssyncset.done $0x0  }
0x4e: {  	[sflag:s20] =	ssyncadd.s32 $0xFFFFD800  }
0x4f: {  	[spmem:s2] =	stream.indirect.scatter.add.f32 [tilespmem:s18], [sflag:$0x3], $0x80, s29, s21, $0xb8;
	[tilespmem:$0x1D6A0] =	vst v63  }
0x50: {  	_ =	swait.ge [sflag:s22], $0x2800  }
0x51: {  	[sflag:s22] =	ssyncset.done $0x0  }
0x52: {  	s24 =	sadd.s32 s30, s12;
	[sflag:s22] =	ssyncadd.s32 $0xFFFFD800  }
0x53: {  	[tilespmem:s18], [sflag:$0x1] =	stream.linear.gather [hbm4b:s24+s3], $0x2800, $0x38;
	[tilespmem:$0x1D6A0] =	vst v63  }
0x54: {  	_ =	swait.ge [sflag:s23], $0x2800  }
0x55: {  	[sflag:s23] =	ssyncset.done $0x0  }
0x56: {  	s30 =	sadd.s32 $0x50, s29;
	[sflag:s23] =	ssyncadd.s32 $0xFFFFD800  }
0x57: {  	[spmem:s2] =	stream.indirect.scatter.add.f32 [tilespmem:s19], [sflag:$0x3], $0x80, s30, s21, $0xb8;
	[tilespmem:$0x1D6A0] =	vst v63  }
0x58: {  	_ =	swait.ge [sflag:s22], $0x2800  }
0x59: {  	[sflag:s22] =	ssyncset.done $0x0  }
0x5a: {  	[sflag:s22] =	ssyncadd.s32 $0xFFFFD800  }
0x5b: {  	[tilespmem:s19], [sflag:$0x2] =	stream.linear.gather [hbm4b:s11+s3], $0x2800, $0x38;
	[tilespmem:$0x1D6A0] =	vst v63  }
0x5c: {  	_ =	swait.ge [sflag:s20], $0x2800  }
0x5d: {  	[sflag:s20] =	ssyncset.done $0x0  }
0x5e: {  	s31 =	simm.s32 $0x18600;
	[sflag:s20] =	ssyncadd.s32 $0xFFFFD800  }
0x5f: {  	[spmem:s2] =	stream.indirect.scatter.add.f32 [tilespmem:s18], [sflag:$0x3], $0x80, s31, s21, $0xb8;
	[tilespmem:$0x1D6A0] =	vst v63  }
0x60: {  	_ =	swait.ge [sflag:s22], $0x2800  }
0x61: {  	[sflag:s22] =	ssyncset.done $0x0  }
0x62: {  	[sflag:s22] =	ssyncadd.s32 $0xFFFFD800  }
0x63: {  	_ =	swait.ge [sflag:s23], $0x2800  }
0x64: {  	[sflag:s23] =	ssyncset.done $0x0  }
0x65: {  	[sflag:s23] =	ssyncadd.s32 $0xFFFFD800  }
0x66: {  	[spmem:s2] =	stream.indirect.scatter.add.f32 [tilespmem:s19], [sflag:$0x3], $0x80, s26, s21, $0xb8;
	[tilespmem:$0x1D6A0] =	vst v63  }
0x67: {  	_ =	swait.ge [sflag:s22], $0x2800  }
0x68: {  	[sflag:s22] =	ssyncset.done $0x0  }
0x69: {  	[sflag:s22] =	ssyncadd.s32 $0xFFFFD800  }
0x6a: {  	s0 =	simm.s32 @p0 $0x1FC4;
	[bflag:$0x0] =	sbarrier.arrive $0xFFFF  }
0x6b: {  	[hbm:s9], [sflag:s0] =	dma.local @p0 [spmem:s14], $0x1900  }
0x6c: {  	s0 =	simm.s32 @p0 $0x4  }
0x6d: {  	s28 =	sadd.s32 $0x1, s28;
	_ =	swait.ge @p0 [sflag:s0], $0x1900  }
0x6e: {  	p1 =	sne.s32 s28, s10;
	[sflag:s0] =	ssyncset.done @p0 $0x0  }
.Ltmp1:
0x6f: {  	[sflag:s0] =	ssyncadd.s32 @p0 $0xFFFFE700;
	s0 =	simm.s32 @!p0 $0x4;
	(pc) =	sbr.rel @p1 .LBB2_1-.Ltmp1, $4  }
0x70: {  	[hbm:s8], [sflag:s15] =	dma.local @!p0 [spmem:s25], $0x2800  }
0x71: {  	_ =	swait.ge @!p0 [sflag:s0], $0x2800  }
0x72: {  	[sflag:s0] =	ssyncset.done @!p0 $0x0  }
0x73: {  	[sflag:s0] =	ssyncadd.s32 @!p0 $0xFFFFD800  }
0x74: {  	_ =	sfence.sel $0x180000  }
0x75: {  	[bflag:$0x0] =	sbarrier.arrive $0xFFFF  }
0x76: {  	_ =	strace $0x9000004D  }
0x77: {  	s0 =	stileid.u32;
	[bflag:$0x2] =	sbarrier.arrive $0xFFFF  }
0x78: {  	p0 =	sne.s32 s0, $0x0;
	s0 =	rddreg [dreg:$0x4]  }
0x79: {  	s0 =	sadd.s32 @!p0 $0x100000, s0  }
0x7a: {  	[sflag:s0] =	ssyncadd.tile.s32 @!p0 $0x1;
	_ =	shalt  }
.Lfunc_end2:
_tile_overlayer_lowered:
.L_overlay_start_2:
0x7b: {  	(tag) =	ssettag $0x2  }
0x7c: {  	s0 =	rddreg [dreg:$0x0];
	s2 =	stileid.u32  }
0x7d: {  	s1 =	rddreg [dreg:$0x1];
	p0 =	sne.s32 s2, $0x0  }
0x7e: {  	s3 =	rddreg [dreg:$0x2];
	[bflag:$0x3] =	sbarrier.arrive $0xFFFF;
	s2 =	simm.s32 @!p0 $0x1C04  }
0x7f: {  	[timem:s3], [sflag:s2] =	dma.local @!p0 [hbm:s0], s1  }
0x80: {  	s0 =	simm.s32 @!p0 $0x4  }
0x81: {  	_ =	swait.ge @!p0 [sflag:s0], s1  }
0x82: {  	s1 =	ssub.s32 @!p0 $0x0, s1;
	[sflag:s0] =	ssyncset.done @!p0 $0x0  }
0x83: {  	[sflag:s0] =	ssyncadd.s32 @!p0 s1  }
0x84: {  	[bflag:$0x3] =	sbarrier.arrive $0xFFFF  }
0x85: {  	_ =	shalt  }

// kernel: kernel.7.cloned.1.call-start
scs
__scs_entry_jumppad:
0x0: {  	(pc) =	sbr.rel $0x88, $3  }
0x1: {  	(tag) =	ssettag $0x0;
	lr =	simm.s32 $0x1  }
0x2: {  	[smem:$0x3F9A] =	sst lr;
	_ =	strace $0xD0000000  }
0x3: {  	_ = 	snop  }
0x4: {  	_ = 	snop  }
0x5: {  	_ = 	snop  }
0x6: {  	_ = 	snop  }
0x7: {  	_ = 	snop  }
__scs_overlays_trampoline_lowered:
0x8: {  	[smem:$0x3FA9] =	sst s0  }
0x9: {  	[smem:$0x3FAA] =	sst s1  }
0xa: {  	[smem:$0x3FAB] =	sst s2  }
0xb: {  	[smem:$0x3FAC] =	sst s3  }
0xc: {  	[smem:$0x3FAD] =	sst s4  }
0xd: {  	[smem:$0x3FAE] =	sst s5  }
0xe: {  	[smem:$0x3FAF] =	sst s6  }
0xf: {  	[smem:$0x3FB0] =	sst s7  }
0x10: {  	[smem:$0x3FB1] =	sst s8  }
0x11: {  	[smem:$0x3FB2] =	sst s9;
	s0 =	simm.s32 @!p0 $0x0  }
0x12: {  	s1 =	sld [smem:$0x3F98];
	s0 =	simm.s32 @p0 $0x1  }
0x13: {  	[smem:$0x3FB3] =	sst s0;
	s0 =	simm.s32 @!p1 $0x0  }
0x14: {  	s2 =	sld [smem:$0x3F97];
	s0 =	simm.s32 @p1 $0x1  }
0x15: {  	[smem:$0x3FB4] =	sst s0;
	s0 =	simm.s32 @!p2 $0x0  }
0x16: {  	s3 =	sld [smem:$0x3FDB];
	s0 =	simm.s32 @p2 $0x1  }
0x17: {  	s4 =	simm.s32 $0x1BF5;
	[smem:$0x3FB6] =	sst s0  }
0x18: {  	s0 =	sld [smem:$0x3F99];
	_ =	swait.ge [sflag:s4], $0x0  }
0x19: {  	s7 =	sld [smem:$0x3F9A]  }
0x1a: {  	s8 =	sadd.s32 $0xFFFFE003, lr  }
0x1b: {  	s9 =	sadd.s32 $0xFFFFFEF7, lr;
	s5 =	simm.s32 $0xFFFFFFFF;
	p2 =	slt.u32 s8, $0xFFFFF086  }
0x1c: {  	p1 =	slt.u32 s9, $0xF7A;
	s5 =	simm.s32 @!p2 $0x0  }
0x1d: {  	s5 =	simm.s32 @p1 $0x1;
	p0 =	seq.s32 s7, s2  }
0x1e: {  	s7 =	smul.u32 @!p0 $0xF7A, s2;
	p2 =	seq.s32 @!p0 s5, $0x0  }
0x1f: {  	s9 =	smul.u32 $0xF7A, s1;
	s8 =	simm.s32 @!p0 $0x1BF5;
	p2 =	por !p2, p0  }
0x20: {  	[sflag:s8] =	ssyncset.s32 @!p0 $0xFFFFF086;
	s6 =	sadd.s32 @!p0 s3, s7;
	s7 =	simm.s32 @!p0 $0x108  }
0x21: {  	s3 =	sadd.s32 s3, s9;
	s6 =	sadd.s32 @!p0 $0x88, s6;
	s7 =	simm.s32 @p2 $0x1082  }
0x22: {  	[simem:s7], [sflag:s8] =	dma.local @!p0 [hbm:s6], $0xF7A  }
0x23: {  	s9 =	sor.u32 $0xD0000000, s2;
	s6 =	simm.s32 $0x108;
	_ =	swait.ge @!p0 [sflag:s8], $0x0  }
0x24: {  	s3 =	sadd.s32 $0x88, s3;
	s6 =	simm.s32 @!p1 $0x1082;
	[sflag:s4] =	ssyncset.s32 $0xFFFFF086  }
0x25: {  	[simem:s6], [sflag:s4] =	dma.local [hbm:s3], $0xF7A  }
0x26: {  	[smem:$0x3F9A] =	sst s1;
	(tag) =	ssettag s2;
	_ =	strace s9  }
0x27: {  	s1 =	sld [smem:$0x3FAA]  }
0x28: {  	s2 =	sld [smem:$0x3FAB]  }
0x29: {  	s4 =	sld [smem:$0x3FAD]  }
0x2a: {  	p0 =	seq.s32 s5, $0x0;
	s5 =	sld [smem:$0x3FAE]  }
0x2b: {  	s6 =	sld [smem:$0x3FAF]  }
0x2c: {  	s7 =	sld [smem:$0x3FB0]  }
0x2d: {  	s3 =	simm.s32 $0x108;
	s8 =	sld [smem:$0x3FB1]  }
0x2e: {  	s3 =	simm.s32 @!p0 $0x1082;
	s9 =	sld [smem:$0x3FB2]  }
0x2f: {  	lr =	sadd.s32 s0, s3;
	s0 =	sld [smem:$0x3FA9]  }
0x30: {  	s3 =	sld [smem:$0x3FAC]  }
0x31: {  	[smem:$0x3FB5] =	sst s10  }
0x32: {  	s10 =	sld [smem:$0x3FB3];
	_ =	sdelay $0x3  }
0x33: {  	p0 =	seq.s32 s10, $0x1;
	s10 =	sld [smem:$0x3FB5];
	_ =	sdelay $0x3  }
0x34: {  	[smem:$0x3FB5] =	sst s10  }
0x35: {  	s10 =	sld [smem:$0x3FB4];
	_ =	sdelay $0x3  }
0x36: {  	p1 =	seq.s32 s10, $0x1;
	s10 =	sld [smem:$0x3FB5];
	_ =	sdelay $0x3  }
0x37: {  	[smem:$0x3FB5] =	sst s10  }
0x38: {  	s10 =	sld [smem:$0x3FB6]  }
0x39: {  	_ = 	snop;
	(pc) =	sbr.ind lr, $3  }
0x3a: {  	_ = 	snop  }
0x3b: {  	_ = 	snop  }
0x3c: {  	p2 =	seq.s32 s10, $0x1;
	s10 =	sld [smem:$0x3FB5]  }
0x3d: {  	_ =	shalt  }
0x3e: {  	_ =	shalt  }
0x3f: {  	_ =	shalt  }
0x40: {  	_ =	shalt  }
0x41: {  	_ =	shalt  }
0x42: {  	_ =	shalt  }
0x43: {  	_ =	shalt  }
0x44: {  	_ =	shalt  }
0x45: {  	_ =	shalt  }
0x46: {  	_ =	shalt  }
0x47: {  	_ =	shalt  }
0x48: {  	_ =	shalt  }
0x49: {  	_ =	shalt  }
0x4a: {  	_ =	shalt  }
0x4b: {  	_ =	shalt  }
0x4c: {  	_ =	shalt  }
0x4d: {  	_ =	shalt  }
0x4e: {  	_ =	shalt  }
0x4f: {  	_ =	shalt  }
0x50: {  	_ =	shalt  }
0x51: {  	_ =	shalt  }
0x52: {  	_ =	shalt  }
0x53: {  	_ =	shalt  }
0x54: {  	_ =	shalt  }
0x55: {  	_ =	shalt  }
0x56: {  	_ =	shalt  }
0x57: {  	_ =	shalt  }
0x58: {  	_ =	shalt  }
0x59: {  	_ =	shalt  }
0x5a: {  	_ =	shalt  }
0x5b: {  	_ =	shalt  }
0x5c: {  	_ =	shalt  }
0x5d: {  	_ =	shalt  }
0x5e: {  	_ =	shalt  }
0x5f: {  	_ =	shalt  }
0x60: {  	_ =	shalt  }
0x61: {  	_ =	shalt  }
0x62: {  	_ =	shalt  }
0x63: {  	_ =	shalt  }
0x64: {  	_ =	shalt  }
0x65: {  	_ =	shalt  }
0x66: {  	_ =	shalt  }
0x67: {  	_ =	shalt  }
0x68: {  	_ =	shalt  }
0x69: {  	_ =	shalt  }
0x6a: {  	_ =	shalt  }
0x6b: {  	_ =	shalt  }
0x6c: {  	_ =	shalt  }
0x6d: {  	_ =	shalt  }
0x6e: {  	_ =	shalt  }
0x6f: {  	_ =	shalt  }
0x70: {  	_ =	shalt  }
0x71: {  	_ =	shalt  }
0x72: {  	_ =	shalt  }
0x73: {  	_ =	shalt  }
0x74: {  	_ =	shalt  }
0x75: {  	_ =	shalt  }
0x76: {  	_ =	shalt  }
0x77: {  	_ =	shalt  }
0x78: {  	_ =	shalt  }
0x79: {  	_ =	shalt  }
0x7a: {  	_ =	shalt  }
0x7b: {  	_ =	shalt  }
0x7c: {  	_ =	shalt  }
0x7d: {  	_ =	shalt  }
0x7e: {  	_ =	shalt  }
0x7f: {  	_ =	shalt  }
0x80: {  	_ =	shalt  }
0x81: {  	_ =	shalt  }
0x82: {  	_ =	shalt  }
0x83: {  	_ =	shalt  }
0x84: {  	_ =	shalt  }
0x85: {  	_ =	shalt  }
0x86: {  	_ =	shalt  }
0x87: {  	_ =	shalt  }
.Lfunc_end0:
.L_simem_size_0:
called_computation_lowered:
.L_overlay_start_0:
0x88: {  	s2 =	sld [smem:$0x3FD9]  }
0x89: {  	s3 =	sld [smem:$0x3FFE];
	_ =	sdelay $0x1  }
0x8a: {  	s1 =	srdreg.scid  }
0x8b: {  	s0 =	sand.u32 $0x1, s1  }
0x8c: {  	s17 =	sshll.u32 s0, $0xA;
	s2 =	sadd.s32 s3, s2  }
0x8d: {  	s2 =	sadd.s32 s2, s17  }
0x8e: {  	[smem:$0x3FC1] =	sst s2  }
0x8f: {  	_ = 	snop  }
0x90: {  	s2 =	sld [smem:$0x3FC7]  }
0x91: {  	s18 =	sld [smem:$0x3FD0];
	(tm) =	ssettm $0x1  }
0x92: {  	s4 =	sld [smem:$0x3FFB];
	_ =	sdelay $0x3  }
0x93: {  	_ =	strace s4  }
0x94: {  	s4 =	sld [smem:$0x3FFC];
	_ =	sdelay $0x3  }
0x95: {  	_ =	strace s4  }
0x96: {  	s4 =	sld [smem:$0x3FFD];
	_ =	sdelay $0x3  }
0x97: {  	_ =	strace s4  }
0x98: {  	_ =	strace $0x8FFFFFFF  }
0x99: {  	s19 =	sld [smem:$0x3FDB];
	_ =	sdelay $0x1  }
0x9a: {  	s5 =	simm.s32 $_scs_section_size  }
0x9b: {  	s6 =	simm.s32 $_size__tile_overlayer_lowered;
	s7 =	simm.s32 $_tile_overlayer_lowered  }
0x9c: {  	s22 =	simm.s32 $0x1BFF;
	s21 =	sshll.u32 s7, $0x1;
	s4 =	sadd.s32 s5, s19  }
0x9d: {  	s8 =	simm.s32 $0x0;
	s20 =	sshll.u32 s6, $0x1;
	s6 =	sadd.s32 s21, s4  }
0x9e: {  	[timem:s8], [sflag:s22] =	dma.local [hbm:s6], s20  }
0x9f: {  	_ =	swait.ge [sflag:s22], s20  }
0xa0: {  	s5 =	ssub.s32 $0x0, s20;
	[sflag:s22] =	ssyncset.done $0x0  }
0xa1: {  	[sflag:s22] =	ssyncadd.s32 s5;
	_ =	sdelay $0x1  }
0xa2: {  	s23 =	simm.s32 $0x1B8B  }
0xa3: {  	_ =	swait.ge [sflag:s23], $0x1  }
0xa4: {  	[sflag:s23] =	ssyncset.done $0x0  }
0xa5: {  	s25 =	simm.s32 $0x1B8E;
	s24 =	sld [smem:$0x3FFE];
	[sflag:s23] =	ssyncadd.s32 $0xFFFFFFFF  }
0xa6: {  	s26 =	simm.s32 $execute0_lowered;
	[smem:$0x3FD2] =	sst s25  }
0xa7: {  	s6 =	sshll.u32 s26, $0x1;
	_ =	strace $0x80000046;
	[dreg:$0x1] =	wrdreg $0xFFFFFFFF  }
0xa8: {  	s28 =	simm.s32 $_size_execute0_lowered;
	s4 =	sadd.s32 s4, s6;
	[dreg:$0x0] =	wrdreg $0x0  }
0xa9: {  	s6 =	sshll.u32 s28, $0x1;
	[dreg:$0x2] =	wrdreg s4  }
0xaa: {  	[dreg:$0x3] =	wrdreg s6  }
0xab: {  	[dreg:$0x4] =	wrdreg $0xC0  }
0xac: {  	_ =	task [dreg:s8], $0x5FFFF  }
0xad: {  	[dreg:$0x1] =	wrdreg $0xFFFFFFFF  }
0xae: {  	[dreg:$0x0] =	wrdreg $0x60  }
0xaf: {  	[dreg:$0x2] =	wrdreg s24  }
0xb0: {  	[dreg:$0x3] =	wrdreg s2  }
0xb1: {  	[dreg:$0x4] =	wrdreg s18  }
0xb2: {  	[dreg:$0x5] =	wrdreg $0x0  }
0xb3: {  	[dreg:$0x6] =	wrdreg $0x9  }
0xb4: {  	_ =	task.clear_ibuf [dreg:s8], $0x7FFFF;
	_ =	strace $0x90000046  }
0xb5: {  	s29 =	simm.s32 $0x9;
	_ =	strace $0x80000048  }
0xb6: {  	_ =	swait.ge [sflag:s29], $0x1  }
0xb7: {  	[sflag:s29] =	ssyncadd.s32 $0xFFFFFFFF  }
0xb8: {  	_ =	strace $0x90000048  }
0xb9: {  	_ =	sfence  }
0xba: {  	s30 =	sld [smem:$0x0];
	_ =	sdelay $0x2  }
0xbb: {  	s31 =	sshll.u32 s1, $0xD;
	s1 =	sshrl.u32 s1, $0x2  }
0xbc: {  	s3 =	sand.u32 $0x4000, s31;
	s1 =	sadd.s32 s1, s30  }
0xbd: {  	s0 =	sor.u32 s3, s0;
	s1 =	sshll.u32 s1, $0x11  }
0xbe: {  	s0 =	sor.u32 s1, s0  }
0xbf: {  	s0 =	sadd.s32 $0x8F2B, s0  }
0xc0: {  	[sflag:s0] =	ssyncadd.remote.s32 $0x1  }
0xc1: {  	_ =	sfence.sel $0xFFFF  }
0xc2: {  	[dreg:$0x0] =	wrdreg $0xFFFFFFFF;
	(pc) =	sbr.abs _section_cstart, $3  }
0xc3: {  	[dreg:$0x1] =	wrdreg $0xFFFFFFFF  }
0xc4: {  	_ =	task.clear_ibuf [dreg:s8], $0x2FFFF;
	_ =	strace $0x9FFFFFFF  }
0xc5: {  	(tm) =	ssettm $0x7FFFFFFF  }
tec
execute0_lowered:
.L_overlay_start_1:
0x0: {  	(tag) =	ssettag $0x1  }
0x1: {  	v2 =	vlaneseq.u32;
	v3 =	vimm.f32 $1.000000000e+00;
	vm0 =	vcmask $0x1B00  }
0x2: {  	vm15 =	vcmask $0x3B20;
	v0 =	vshrl.u32 v2, $0x3;
	v1 =	vmul.u32 $0x8, v2  }
0x3: {  	v2 =	vand.u32 $0x7, v2;
	v3 =	vsel vm0, $0x0, v3;
	v0 =	vmul.u32 $0x8, v0  }
0x4: {  	v3 =	vsel vm15, $0x0, v3;
	v5 =	vor.u32 $0x1, v1;
	v7 =	vor.u32 $0x80, v1  }
0x5: {  	s8 =	rddreg [dreg:$0x0];
	v8 =	vor.u32 $0x81, v1;
	v9 =	vor.u32 $0x82, v1;
	v10 =	vor.u32 $0x100, v1  }
0x6: {  	s6 =	rddreg [dreg:$0x1];
	v11 =	vor.u32 $0x101, v1;
	v12 =	vor.u32 $0x102, v1;
	v13 =	vor.u32 $0x180, v1  }
0x7: {  	s5 =	rddreg [dreg:$0x2];
	v14 =	vor.u32 $0x181, v1;
	v15 =	vor.u32 $0x182, v1;
	v16 =	vor.u32 $0x200, v1  }
0x8: {  	s1 =	rddreg [dreg:$0x3];
	v17 =	vor.u32 $0x201, v1;
	v18 =	vor.u32 $0x202, v1;
	v19 =	vor.u32 $0x280, v1  }
0x9: {  	s0 =	rddreg [dreg:$0x4];
	s2 =	stileid.u32;
	s3 =	simm.s32 $0x0;
	v20 =	vor.u32 $0x281, v1;
	v21 =	vor.u32 $0x282, v1;
	v22 =	vor.u32 $0x300, v1  }
0xa: {  	s7 =	srdreg.scid;
	s17 =	simm.s32 $0x190;
	s18 =	simm.s32 $0x9C400;
	v23 =	vor.u32 $0x301, v1;
	v24 =	vor.u32 $0x302, v1;
	v25 =	vor.u32 $0x380, v1  }
0xb: {  	s19 =	simm.s32 $0xBC48;
	s20 =	simm.s32 $0x50;
	s21 =	simm.s32 $0xB248;
	v26 =	vor.u32 $0x381, v1;
	v27 =	vor.u32 $0x382, v1;
	v28 =	vor.u32 $0x400, v1  }
0xc: {  	s22 =	simm.s32 $0xB4C8;
	s23 =	simm.s32 $0xB748;
	s4 =	smul.u32 $0x1388, s2;
	v29 =	vor.u32 $0x401, v1;
	v30 =	vor.u32 $0x402, v1;
	v31 =	vor.u32 $0x480, v1  }
0xd: {  	s24 =	simm.s32 $0xB9C8;
	s25 =	simm.s32 $0x1;
	s9 =	smul.u32 $0x1400, s2;
	v32 =	vor.u32 $0x481, v1;
	v33 =	vor.u32 $0x482, v1;
	v34 =	vor.u32 $0x500, v1  }
0xe: {  	[smem:$0x7FF] =	sst s3;
	s13 =	smul.u32 $0x9C40, s2;
	s16 =	sadd.s32 $0x12C00, s1;
	v35 =	vor.u32 $0x501, v1;
	v36 =	vor.u32 $0x502, v1;
	v37 =	vor.u32 $0x580, v1  }
0xf: {  	s11 =	sand.u32 $0x1, s7;
	p0 =	seq.s32 s2, $0xF;
	_ =	strace $0x80000047;
	v38 =	vor.u32 $0x581, v1;
	v39 =	vor.u32 $0x582, v1;
	v40 =	vor.u32 $0x600, v1  }
0x10: {  	s29 =	ssub.s32 $0x2, s11;
	p1 =	sne.s32 s11, $0x0;
	s11 =	sshrl.u32 @p0 s16, $0x3;
	v41 =	vor.u32 $0x601, v1;
	v42 =	vor.u32 $0x602, v1;
	v43 =	vor.u32 $0x680, v1  }
0x11: {  	s16 =	simm.s32 $0xAFC8;
	s10 =	sadd.s32 s4, s8;
	s30 =	sshrl.u32 s9, $0x3;
	v44 =	vor.u32 $0x681, v1;
	v45 =	vor.u32 $0x682, v1;
	v46 =	vor.u32 $0x700, v1  }
0x12: {  	s12 =	sshrl.u32 s29, $0x1;
	s15 =	sadd.s32 s9, s1;
	s31 =	sshrl.u32 s13, $0x3;
	v47 =	vor.u32 $0x701, v1;
	v4 =	vor.u32 $0x702, v1;
	v49 =	vor.u32 $0x780, v1  }
.Ltmp0:
0x13: {  	v50 =	vor.u32 $0x781, v1;
	v51 =	vor.u32 $0x782, v1;
	v52 =	vor.u32 $0x800, v1;
	s14 =	sadd.s32 s30, s8;
	s12 =	ssub.s32 s29, s12;
	(pc) =	sbr.rel .LBB2_1-.Ltmp0, $4  }
0x14: {  	v53 =	vor.u32 $0x801, v1;
	v54 =	vor.u32 $0x802, v1;
	v55 =	vor.u32 $0x880, v1;
	s4 =	sadd.s32 s5, s30;
	s5 =	sadd.s32 $0x2580, s5;
	s6 =	sadd.s32 s6, s31  }
0x15: {  	v56 =	vor.u32 $0x881, v1;
	v57 =	vor.u32 $0x882, v1;
	v48 =	vor.u32 $0x982, v1;
	s8 =	sadd.s32 $0x54180, s8;
	s10 =	sadd.s32 $0x3A00, s10;
	s13 =	sshrl.u32 @!p0 s15, $0x3  }
0x16: {  	v58 =	vor.u32 $0x900, v1;
	v59 =	vor.u32 $0x901, v1;
	v60 =	vor.u32 $0x902, v1;
	s15 =	simm.s32 $0x2;
	[tilespmem:$0x1FFE0] =	vst v48;
	s9 =	smax.u32 s12, $0x1;
	s12 =	sshll.u32 @!p0 s2, $0x6  }
0x17: {  	v6 =	vor.u32 $0x2, v1;
	v61 =	vor.u32 $0x980, v1;
	v62 =	vor.u32 $0x981, v1;
	[tilespmem:$0x1FFF0] =	vst v4;
	s7 =	sadd.s32 $0x51C00, s14;
	s14 =	simm.s32 $0x1388;
	s12 =	sor.u32 @!p0 $0x1C02, s12  }
.LBB2_9:
0x18: {  	[bflag:$0x0] =	sbarrier.arrive $0xFFFF  }
0x19: {  	[bflag:$0x0] =	sbarrier.arrive $0xFFFF  }
.LBB2_7:
0x1a: {  	s3 =	sadd.s32 $0x1, s3  }
0x1b: {  	p2 =	sne.s32 s3, s9  }
.Ltmp1:
0x1c: {  	_ = 	snop;
	(pc) =	sbr.rel @!p2 .LBB2_8-.Ltmp1, $1  }
0x1d: {  	_ =	sdelay $0x3  }
.LBB2_1:
.Ltmp2:
0x1e: {  	(pc) =	sbr.rel @p1 .LBB2_9-.Ltmp2, $1  }
0x1f: {  	_ =	sdelay $0x3  }
0x20: {  	s26 =	simm.s32 @p0 $0x1FC2  }
0x21: {  	[spmem:s11], [sflag:s26] =	dma.local @p0 [hbm:s5], $0x190  }
0x22: {  	s26 =	simm.s32 @p0 $0x2  }
0x23: {  	_ =	swait.ge @p0 [sflag:s26], $0x190  }
0x24: {  	[sflag:s26] =	ssyncset.done @p0 $0x0  }
0x25: {  	[sflag:s26] =	ssyncadd.s32 @p0 $0xFFFFFE70;
	s26 =	simm.s32 @!p0 $0x2  }
0x26: {  	[spmem:s13], [sflag:s12] =	dma.local @!p0 [hbm:s4], $0x280  }
0x27: {  	_ =	swait.ge @!p0 [sflag:s26], $0x280  }
0x28: {  	[sflag:s26] =	ssyncset.done @!p0 $0x0  }
0x29: {  	[sflag:s26] =	ssyncadd.s32 @!p0 $0xFFFFFD80  }
0x2a: {  	s26 =	simm.s32 $0x0;
	[bflag:$0x0] =	sbarrier.arrive $0xFFFF  }
0x2b: {  	v63 =	vmov s26;
	[tilespmem:s14], [sflag:$0x2] =	stream.linear.gather [hbm4b:s6+s26], $0x9C40, $0x38;
	[tilespmem:$0xC0F8] =	vst v63  }
0x2c: {  	v63 =	vshll.u32 v63, $0x3;
	_ =	swait.ge [sflag:s15], $0x9C40  }
0x2d: {  	v63 =	vor.u32 v0, v63;
	[sflag:s15] =	ssyncset.done $0x0  }
0x2e: {  	s28 =	simm.s32 $0x2;
	v63 =	vor.u32 v2, v63;
	[sflag:s15] =	ssyncadd.s32 $0xFFFF63C0  }
.LBB2_3:
0x2f: {  	p2 =	sne.s32 s28, $0x18E  }
.Ltmp3:
0x30: {  	_ = 	snop;
	(pc) =	sbr.rel @p2 .LBB2_3-.Ltmp3, $4  }
0x31: {  	v4 =	vmov s28  }
0x32: {  	v4 =	vshll.u32 v4, $0x3  }
0x33: {  	v4 =	vor.u32 v0, v4  }
0x34: {  	s28 =	sadd.s32 $0x2, s28;
	[tilespmem:v63+s16+$0x0] =	vst.idx.msk $0xffff, v3;
	v63 =	vor.u32 v2, v4  }
0x35: {  	_ =	sdelay $0x3  }
0x36: {  	[tilespmem:v63+s16+$0x0] =	vst.idx.msk $0xffff, v3;
	s28 =	smov.u32 s10;
	v48 =	vld [tilespmem:$0x1FFE0]  }
.LBB2_5:
0x37: {  	[tilespmem:s19], [sflag:$0x2] =	stream.strided.gather [hbm4b:s28+s17], $0x4B0, s18, s17, $0x38;
	[tilespmem:$0xC0F8] =	vst v63  }
0x38: {  	_ =	swait.ge [sflag:s15], $0x4B0  }
0x39: {  	[sflag:s15] =	ssyncset.done $0x0  }
0x3a: {  	[sflag:s15] =	ssyncadd.s32 $0xFFFFFB50  }
0x3b: {  	v4 =	vld [tilespmem:$0xBC48];
	_ =	sdelay $0x4  }
0x3c: {  	[tilespmem:v1+s16+$0x0] =	vst.idx.msk $0xffff, v4  }
0x3d: {  	v4 =	vld [tilespmem:$0xBDD8];
	_ =	sdelay $0x4  }
0x3e: {  	[tilespmem:v5+s16+$0x0] =	vst.idx.msk $0xffff, v4  }
0x3f: {  	v4 =	vld [tilespmem:$0xBF68];
	_ =	sdelay $0x4  }
0x40: {  	[tilespmem:v6+s16+$0x0] =	vst.idx.msk $0xffff, v4  }
0x41: {  	v4 =	vld [tilespmem:$0xBC58];
	_ =	sdelay $0x4  }
0x42: {  	[tilespmem:v7+s16+$0x0] =	vst.idx.msk $0xffff, v4  }
0x43: {  	v4 =	vld [tilespmem:$0xBDE8];
	_ =	sdelay $0x4  }
0x44: {  	[tilespmem:v8+s16+$0x0] =	vst.idx.msk $0xffff, v4  }
0x45: {  	v4 =	vld [tilespmem:$0xBF78];
	_ =	sdelay $0x4  }
0x46: {  	[tilespmem:v9+s16+$0x0] =	vst.idx.msk $0xffff, v4  }
0x47: {  	v4 =	vld [tilespmem:$0xBC68];
	_ =	sdelay $0x4  }
0x48: {  	[tilespmem:v10+s16+$0x0] =	vst.idx.msk $0xffff, v4  }
0x49: {  	v4 =	vld [tilespmem:$0xBDF8];
	_ =	sdelay $0x4  }
0x4a: {  	[tilespmem:v11+s16+$0x0] =	vst.idx.msk $0xffff, v4  }
0x4b: {  	v4 =	vld [tilespmem:$0xBF88];
	_ =	sdelay $0x4  }
0x4c: {  	[tilespmem:v12+s16+$0x0] =	vst.idx.msk $0xffff, v4  }
0x4d: {  	v4 =	vld [tilespmem:$0xBC78];
	_ =	sdelay $0x4  }
0x4e: {  	[tilespmem:v13+s16+$0x0] =	vst.idx.msk $0xffff, v4  }
0x4f: {  	v4 =	vld [tilespmem:$0xBE08];
	_ =	sdelay $0x4  }
0x50: {  	[tilespmem:v14+s16+$0x0] =	vst.idx.msk $0xffff, v4  }
0x51: {  	v4 =	vld [tilespmem:$0xBF98];
	_ =	sdelay $0x4  }
0x52: {  	[tilespmem:v15+s16+$0x0] =	vst.idx.msk $0xffff, v4  }
0x53: {  	v4 =	vld [tilespmem:$0xBC88];
	_ =	sdelay $0x4  }
0x54: {  	[tilespmem:v16+s16+$0x0] =	vst.idx.msk $0xffff, v4  }
0x55: {  	v4 =	vld [tilespmem:$0xBE18];
	_ =	sdelay $0x4  }
0x56: {  	[tilespmem:v17+s16+$0x0] =	vst.idx.msk $0xffff, v4  }
0x57: {  	v4 =	vld [tilespmem:$0xBFA8];
	_ =	sdelay $0x4  }
0x58: {  	[tilespmem:v18+s16+$0x0] =	vst.idx.msk $0xffff, v4  }
0x59: {  	v4 =	vld [tilespmem:$0xBC98];
	_ =	sdelay $0x4  }
0x5a: {  	[tilespmem:v19+s16+$0x0] =	vst.idx.msk $0xffff, v4  }
0x5b: {  	v4 =	vld [tilespmem:$0xBE28];
	_ =	sdelay $0x4  }
0x5c: {  	[tilespmem:v20+s16+$0x0] =	vst.idx.msk $0xffff, v4  }
0x5d: {  	v4 =	vld [tilespmem:$0xBFB8];
	_ =	sdelay $0x4  }
0x5e: {  	[tilespmem:v21+s16+$0x0] =	vst.idx.msk $0xffff, v4  }
0x5f: {  	v4 =	vld [tilespmem:$0xBCA8];
	_ =	sdelay $0x4  }
0x60: {  	[tilespmem:v22+s16+$0x0] =	vst.idx.msk $0xffff, v4  }
0x61: {  	v4 =	vld [tilespmem:$0xBE38];
	_ =	sdelay $0x4  }
0x62: {  	[tilespmem:v23+s16+$0x0] =	vst.idx.msk $0xffff, v4  }
0x63: {  	v4 =	vld [tilespmem:$0xBFC8];
	_ =	sdelay $0x4  }
0x64: {  	[tilespmem:v24+s16+$0x0] =	vst.idx.msk $0xffff, v4  }
0x65: {  	v4 =	vld [tilespmem:$0xBCB8];
	_ =	sdelay $0x4  }
0x66: {  	[tilespmem:v25+s16+$0x0] =	vst.idx.msk $0xffff, v4  }
0x67: {  	v4 =	vld [tilespmem:$0xBE48];
	_ =	sdelay $0x4  }
0x68: {  	[tilespmem:v26+s16+$0x0] =	vst.idx.msk $0xffff, v4  }
0x69: {  	v4 =	vld [tilespmem:$0xBFD8];
	_ =	sdelay $0x4  }
0x6a: {  	[tilespmem:v27+s16+$0x0] =	vst.idx.msk $0xffff, v4  }
0x6b: {  	v4 =	vld [tilespmem:$0xBCC8];
	_ =	sdelay $0x4  }
0x6c: {  	[tilespmem:v28+s16+$0x0] =	vst.idx.msk $0xffff, v4  }
0x6d: {  	v4 =	vld [tilespmem:$0xBE58];
	_ =	sdelay $0x4  }
0x6e: {  	[tilespmem:v29+s16+$0x0] =	vst.idx.msk $0xffff, v4  }
0x6f: {  	v4 =	vld [tilespmem:$0xBFE8];
	_ =	sdelay $0x4  }
0x70: {  	[tilespmem:v30+s16+$0x0] =	vst.idx.msk $0xffff, v4  }
0x71: {  	v4 =	vld [tilespmem:$0xBCD8];
	_ =	sdelay $0x4  }
0x72: {  	[tilespmem:v31+s16+$0x0] =	vst.idx.msk $0xffff, v4  }
0x73: {  	v4 =	vld [tilespmem:$0xBE68];
	_ =	sdelay $0x4  }
0x74: {  	[tilespmem:v32+s16+$0x0] =	vst.idx.msk $0xffff, v4  }
0x75: {  	v4 =	vld [tilespmem:$0xBFF8];
	_ =	sdelay $0x4  }
0x76: {  	[tilespmem:v33+s16+$0x0] =	vst.idx.msk $0xffff, v4  }
0x77: {  	v4 =	vld [tilespmem:$0xBCE8];
	_ =	sdelay $0x4  }
0x78: {  	[tilespmem:v34+s16+$0x0] =	vst.idx.msk $0xffff, v4  }
0x79: {  	v4 =	vld [tilespmem:$0xBE78];
	_ =	sdelay $0x4  }
0x7a: {  	[tilespmem:v35+s16+$0x0] =	vst.idx.msk $0xffff, v4  }
0x7b: {  	v4 =	vld [tilespmem:$0xC008];
	_ =	sdelay $0x4  }
0x7c: {  	[tilespmem:v36+s16+$0x0] =	vst.idx.msk $0xffff, v4  }
0x7d: {  	v4 =	vld [tilespmem:$0xBCF8];
	_ =	sdelay $0x4  }
0x7e: {  	[tilespmem:v37+s16+$0x0] =	vst.idx.msk $0xffff, v4  }
0x7f: {  	v4 =	vld [tilespmem:$0xBE88];
	_ =	sdelay $0x4  }
0x80: {  	[tilespmem:v38+s16+$0x0] =	vst.idx.msk $0xffff, v4  }
0x81: {  	v4 =	vld [tilespmem:$0xC018];
	_ =	sdelay $0x4  }
0x82: {  	[tilespmem:v39+s16+$0x0] =	vst.idx.msk $0xffff, v4  }
0x83: {  	v4 =	vld [tilespmem:$0xBD08];
	_ =	sdelay $0x4  }
0x84: {  	[tilespmem:v40+s16+$0x0] =	vst.idx.msk $0xffff, v4  }
0x85: {  	v4 =	vld [tilespmem:$0xBE98];
	_ =	sdelay $0x4  }
0x86: {  	[tilespmem:v41+s16+$0x0] =	vst.idx.msk $0xffff, v4  }
0x87: {  	v4 =	vld [tilespmem:$0xC028];
	_ =	sdelay $0x4  }
0x88: {  	[tilespmem:v42+s16+$0x0] =	vst.idx.msk $0xffff, v4  }
0x89: {  	v4 =	vld [tilespmem:$0xBD18];
	_ =	sdelay $0x4  }
0x8a: {  	[tilespmem:v43+s16+$0x0] =	vst.idx.msk $0xffff, v4  }
0x8b: {  	v4 =	vld [tilespmem:$0xBEA8];
	_ =	sdelay $0x4  }
0x8c: {  	[tilespmem:v44+s16+$0x0] =	vst.idx.msk $0xffff, v4  }
0x8d: {  	v4 =	vld [tilespmem:$0xC038];
	_ =	sdelay $0x4  }
0x8e: {  	[tilespmem:v45+s16+$0x0] =	vst.idx.msk $0xffff, v4  }
0x8f: {  	v4 =	vld [tilespmem:$0xBD28];
	_ =	sdelay $0x4  }
0x90: {  	[tilespmem:v46+s16+$0x0] =	vst.idx.msk $0xffff, v4  }
0x91: {  	v4 =	vld [tilespmem:$0xBEB8];
	_ =	sdelay $0x2  }
0x92: {  	v63 =	vld [tilespmem:$0x1FFF0];
	_ =	sdelay $0x1  }
0x93: {  	[tilespmem:v47+s16+$0x0] =	vst.idx.msk $0xffff, v4  }
0x94: {  	v4 =	vld [tilespmem:$0xC048];
	_ =	sdelay $0x4  }
0x95: {  	[tilespmem:v63+s16+$0x0] =	vst.idx.msk $0xffff, v4  }
0x96: {  	v4 =	vld [tilespmem:$0xBD38];
	_ =	sdelay $0x4  }
0x97: {  	[tilespmem:v49+s16+$0x0] =	vst.idx.msk $0xffff, v4  }
0x98: {  	v4 =	vld [tilespmem:$0xBEC8];
	_ =	sdelay $0x4  }
0x99: {  	[tilespmem:v50+s16+$0x0] =	vst.idx.msk $0xffff, v4  }
0x9a: {  	v4 =	vld [tilespmem:$0xC058];
	_ =	sdelay $0x4  }
0x9b: {  	[tilespmem:v51+s16+$0x0] =	vst.idx.msk $0xffff, v4  }
0x9c: {  	v4 =	vld [tilespmem:$0xBD48];
	_ =	sdelay $0x4  }
0x9d: {  	[tilespmem:v52+s16+$0x0] =	vst.idx.msk $0xffff, v4  }
0x9e: {  	v4 =	vld [tilespmem:$0xBED8];
	_ =	sdelay $0x4  }
0x9f: {  	[tilespmem:v53+s16+$0x0] =	vst.idx.msk $0xffff, v4  }
0xa0: {  	v4 =	vld [tilespmem:$0xC068];
	_ =	sdelay $0x4  }
0xa1: {  	[tilespmem:v54+s16+$0x0] =	vst.idx.msk $0xffff, v4  }
0xa2: {  	v4 =	vld [tilespmem:$0xBD58];
	_ =	sdelay $0x4  }
0xa3: {  	[tilespmem:v55+s16+$0x0] =	vst.idx.msk $0xffff, v4  }
0xa4: {  	v4 =	vld [tilespmem:$0xBEE8];
	_ =	sdelay $0x4  }
0xa5: {  	[tilespmem:v56+s16+$0x0] =	vst.idx.msk $0xffff, v4  }
0xa6: {  	v4 =	vld [tilespmem:$0xC078];
	_ =	sdelay $0x4  }
0xa7: {  	[tilespmem:v57+s16+$0x0] =	vst.idx.msk $0xffff, v4  }
0xa8: {  	v4 =	vld [tilespmem:$0xBD68];
	_ =	sdelay $0x4  }
0xa9: {  	[tilespmem:v58+s16+$0x0] =	vst.idx.msk $0xffff, v4  }
0xaa: {  	v4 =	vld [tilespmem:$0xBEF8];
	_ =	sdelay $0x4  }
0xab: {  	[tilespmem:v59+s16+$0x0] =	vst.idx.msk $0xffff, v4  }
0xac: {  	v4 =	vld [tilespmem:$0xC088];
	_ =	sdelay $0x4  }
0xad: {  	[tilespmem:v60+s16+$0x0] =	vst.idx.msk $0xffff, v4  }
0xae: {  	v4 =	vld [tilespmem:$0xBD78];
	_ =	sdelay $0x4  }
0xaf: {  	[tilespmem:v61+s16+$0x0] =	vst.idx.msk $0xffff, v4  }
0xb0: {  	v4 =	vld [tilespmem:$0xBF08];
	_ =	sdelay $0x4  }
0xb1: {  	[tilespmem:v62+s16+$0x0] =	vst.idx.msk $0xffff, v4  }
0xb2: {  	v4 =	vld [tilespmem:$0xC098];
	_ =	sdelay $0x4  }
0xb3: {  	[tilespmem:v48+s16+$0x0] =	vst.idx.msk $0xffff, v4  }
0xb4: {  	v63 =	vor.u32 $0xA00, v1;
	v4 =	vld [tilespmem:$0xBD88];
	_ =	sdelay $0x4  }
0xb5: {  	[tilespmem:v63+s16+$0x0] =	vst.idx.msk $0xffff, v4  }
0xb6: {  	v63 =	vor.u32 $0xA01, v1;
	v4 =	vld [tilespmem:$0xBF18];
	_ =	sdelay $0x4  }
0xb7: {  	[tilespmem:v63+s16+$0x0] =	vst.idx.msk $0xffff, v4  }
0xb8: {  	v63 =	vor.u32 $0xA02, v1;
	v4 =	vld [tilespmem:$0xC0A8];
	_ =	sdelay $0x4  }
0xb9: {  	[tilespmem:v63+s16+$0x0] =	vst.idx.msk $0xffff, v4  }
0xba: {  	v63 =	vor.u32 $0xA80, v1;
	v4 =	vld [tilespmem:$0xBD98];
	_ =	sdelay $0x4  }
0xbb: {  	[tilespmem:v63+s16+$0x0] =	vst.idx.msk $0xffff, v4  }
0xbc: {  	v63 =	vor.u32 $0xA81, v1;
	v4 =	vld [tilespmem:$0xBF28];
	_ =	sdelay $0x4  }
0xbd: {  	[tilespmem:v63+s16+$0x0] =	vst.idx.msk $0xffff, v4  }
0xbe: {  	v63 =	vor.u32 $0xA82, v1;
	v4 =	vld [tilespmem:$0xC0B8];
	_ =	sdelay $0x4  }
0xbf: {  	[tilespmem:v63+s16+$0x0] =	vst.idx.msk $0xffff, v4  }
0xc0: {  	v63 =	vor.u32 $0xB00, v1;
	v4 =	vld [tilespmem:$0xBDA8];
	_ =	sdelay $0x4  }
0xc1: {  	[tilespmem:v63+s16+$0x0] =	vst.idx.msk $0xffff, v4  }
0xc2: {  	v63 =	vor.u32 $0xB01, v1;
	v4 =	vld [tilespmem:$0xBF38];
	_ =	sdelay $0x4  }
0xc3: {  	[tilespmem:v63+s16+$0x0] =	vst.idx.msk $0xffff, v4  }
0xc4: {  	v63 =	vor.u32 $0xB02, v1;
	v4 =	vld [tilespmem:$0xC0C8];
	_ =	sdelay $0x4  }
0xc5: {  	[tilespmem:v63+s16+$0x0] =	vst.idx.msk $0xffff, v4  }
0xc6: {  	v63 =	vor.u32 $0xB80, v1;
	v4 =	vld [tilespmem:$0xBDB8];
	_ =	sdelay $0x4  }
0xc7: {  	[tilespmem:v63+s16+$0x0] =	vst.idx.msk $0xffff, v4  }
0xc8: {  	v63 =	vor.u32 $0xB81, v1;
	v4 =	vld [tilespmem:$0xBF48];
	_ =	sdelay $0x4  }
0xc9: {  	[tilespmem:v63+s16+$0x0] =	vst.idx.msk $0xffff, v4  }
0xca: {  	v63 =	vor.u32 $0xB82, v1;
	v4 =	vld [tilespmem:$0xC0D8];
	_ =	sdelay $0x4  }
0xcb: {  	[tilespmem:v63+s16+$0x0] =	vst.idx.msk $0xffff, v4  }
0xcc: {  	v63 =	vor.u32 $0xC00, v1;
	v4 =	vld [tilespmem:$0xBDC8];
	_ =	sdelay $0x4  }
0xcd: {  	[tilespmem:v63+s16+$0x0] =	vst.idx.msk $0xffff, v4  }
0xce: {  	v63 =	vor.u32 $0xC01, v1;
	v4 =	vld [tilespmem:$0xBF58];
	_ =	sdelay $0x4  }
0xcf: {  	[tilespmem:v63+s16+$0x0] =	vst.idx.msk $0xffff, v4  }
0xd0: {  	v63 =	vor.u32 $0xC02, v1;
	v4 =	vld [tilespmem:$0xC0E8];
	_ =	sdelay $0x3  }
0xd1: {  	s29 =	sshra.s32 s26, $0x2  }
0xd2: {  	s30 =	sadd.s32 $0x1388, s29;
	[tilespmem:v63+s16+$0x0] =	vst.idx.msk $0xffff, v4  }
0xd3: {  	[spmem:s1] =	stream.indirect.scatter.add.f32 [tilespmem:s16], [sflag:$0x1], $0x8, s30, s20, $0xb8;
	[tilespmem:$0xC0F8] =	vst v63  }
0xd4: {  	s31 =	sadd.s32 $0x13D8, s29  }
0xd5: {  	[spmem:s1] =	stream.indirect.scatter.add.f32 [tilespmem:s21], [sflag:$0x1], $0x8, s31, s20, $0xb8;
	[tilespmem:$0xC0F8] =	vst v63  }
0xd6: {  	s31 =	sadd.s32 $0x1428, s29  }
0xd7: {  	[spmem:s1] =	stream.indirect.scatter.add.f32 [tilespmem:s22], [sflag:$0x1], $0x8, s31, s20, $0xb8;
	[tilespmem:$0xC0F8] =	vst v63  }
0xd8: {  	s31 =	sadd.s32 $0x1478, s29  }
0xd9: {  	[spmem:s1] =	stream.indirect.scatter.add.f32 [tilespmem:s23], [sflag:$0x1], $0x8, s31, s20, $0xb8;
	[tilespmem:$0xC0F8] =	vst v63  }
0xda: {  	s29 =	sadd.s32 $0x14C8, s29  }
0xdb: {  	[spmem:s1] =	stream.indirect.scatter.add.f32 [tilespmem:s24], [sflag:$0x1], $0x8, s29, s20, $0xb8;
	[tilespmem:$0xC0F8] =	vst v63  }
0xdc: {  	_ =	swait.ge [sflag:s25], $0x280  }
0xdd: {  	[sflag:s25] =	ssyncset.done $0x0  }
0xde: {  	[sflag:s25] =	ssyncadd.s32 $0xFFFFFD80  }
0xdf: {  	_ =	swait.ge [sflag:s25], $0x280  }
0xe0: {  	[sflag:s25] =	ssyncset.done $0x0  }
0xe1: {  	[sflag:s25] =	ssyncadd.s32 $0xFFFFFD80  }
0xe2: {  	_ =	swait.ge [sflag:s25], $0x280  }
0xe3: {  	[sflag:s25] =	ssyncset.done $0x0  }
0xe4: {  	[sflag:s25] =	ssyncadd.s32 $0xFFFFFD80  }
0xe5: {  	p2 =	seq.s32 s26, $0x26AC0;
	_ =	swait.ge [sflag:s25], $0x280  }
.Ltmp4:
0xe6: {  	[sflag:s25] =	ssyncset.done $0x0;
	(pc) =	sbr.rel @!p2 .LBB2_5-.Ltmp4, $4  }
0xe7: {  	[sflag:s25] =	ssyncadd.s32 $0xFFFFFD80  }
0xe8: {  	_ =	swait.ge [sflag:s25], $0x280  }
0xe9: {  	[sflag:s25] =	ssyncset.done $0x0  }
0xea: {  	s28 =	sadd.s32 $0x32, s28;
	s26 =	sadd.s32 $0x640, s26;
	[sflag:s25] =	ssyncadd.s32 $0xFFFFFD80  }
0xeb: {  	[bflag:$0x0] =	sbarrier.arrive $0xFFFF;
	s26 =	simm.s32 @p0 $0x1FC2  }
0xec: {  	[hbm:s8], [sflag:s26] =	dma.local @p0 [spmem:s11], $0x190  }
0xed: {  	s26 =	simm.s32 @p0 $0x2  }
0xee: {  	_ =	swait.ge @p0 [sflag:s26], $0x190  }
0xef: {  	[sflag:s26] =	ssyncset.done @p0 $0x0  }
.Ltmp5:
0xf0: {  	[sflag:s26] =	ssyncadd.s32 @p0 $0xFFFFFE70;
	s26 =	simm.s32 @!p0 $0x2;
	(pc) =	sbr.rel .LBB2_7-.Ltmp5, $4  }
0xf1: {  	[hbm:s7], [sflag:s12] =	dma.local @!p0 [spmem:s13], $0x280  }
0xf2: {  	_ =	swait.ge @!p0 [sflag:s26], $0x280  }
0xf3: {  	[sflag:s26] =	ssyncset.done @!p0 $0x0  }
0xf4: {  	[sflag:s26] =	ssyncadd.s32 @!p0 $0xFFFFFD80  }
.LBB2_8:
0xf5: {  	_ =	sfence.sel $0x180000  }
0xf6: {  	[bflag:$0x0] =	sbarrier.arrive $0xFFFF  }
0xf7: {  	p0 =	sne.s32 s2, $0x0;
	_ =	strace $0x90000047  }
0xf8: {  	s0 =	sadd.s32 @!p0 $0x100000, s0;
	[bflag:$0x2] =	sbarrier.arrive $0xFFFF  }
0xf9: {  	[sflag:s0] =	ssyncadd.tile.s32 @!p0 $0x1;
	_ =	shalt  }
.Lfunc_end2:
_tile_overlayer_lowered:
.L_overlay_start_2:
0xfa: {  	(tag) =	ssettag $0x2  }
0xfb: {  	s0 =	rddreg [dreg:$0x0];
	s2 =	stileid.u32  }
0xfc: {  	s1 =	rddreg [dreg:$0x1];
	p0 =	sne.s32 s2, $0x0  }
0xfd: {  	s3 =	rddreg [dreg:$0x2];
	[bflag:$0x3] =	sbarrier.arrive $0xFFFF;
	s2 =	simm.s32 @!p0 $0x1C02  }
0xfe: {  	[timem:s3], [sflag:s2] =	dma.local @!p0 [hbm:s0], s1  }
0xff: {  	s0 =	simm.s32 @!p0 $0x2  }
0x100: {  	_ =	swait.ge @!p0 [sflag:s0], s1  }
0x101: {  	s1 =	ssub.s32 @!p0 $0x0, s1;
	[sflag:s0] =	ssyncset.done @!p0 $0x0  }
0x102: {  	[sflag:s0] =	ssyncadd.s32 @!p0 s1  }
0x103: {  	[bflag:$0x3] =	sbarrier.arrive $0xFFFF  }
0x104: {  	_ =	shalt  }

</sc_bundles>
